<compile_context>
chip_gen: v7x
topology: tpu7x:2x2x1
jax: 0.10.2.dev20260603
libtpu: 0.0.44.dev20260713+nightly
codegen_flags: <defaults>
</compile_context>

<pallas_src>
import jax
import jax.numpy as jnp
from jax import lax
from jax.experimental import pallas as pl
from jax.experimental.pallas import tpu as pltpu
from jax.experimental.pallas import tpu_sc as plsc

N = 10000
E = 320000
D = 128
BLK = 128
NB = E // BLK
NC = 2
NS = 16
NW = NC * NS
ROWS_PER_TILE = 624
TAIL0 = NS * ROWS_PER_TILE
TAIL = N - TAIL0
MAX_ITERS = (NB + NW - 1) // NW

_MESH = plsc.VectorSubcoreMesh(
    core_axis_name="c", subcore_axis_name="s", num_cores=NC, num_subcores=NS
)


def _slab_copy(src, dst, s):
    r0 = pl.multiple_of(s * ROWS_PER_TILE, 8)
    pltpu.sync_copy(src.at[pl.ds(r0, ROWS_PER_TILE)],
                    dst.at[pl.ds(r0, ROWS_PER_TILE)])

    @pl.when(s == NS - 1)
    def _():
        pltpu.sync_copy(src.at[pl.ds(TAIL0, TAIL)], dst.at[pl.ds(TAIL0, TAIL)])


def _hist_body(s2d_hbm, out_hbm, sidx0, sidx1, sidx2, sidx3, ones_v, stage_t,
               si0, si1, si2, si3, sc0, sc1, sc2, sc3, dacc):
    c = lax.axis_index("c")
    s = lax.axis_index("s")
    wid = s * NC + c
    sidx = (sidx0, sidx1, sidx2, sidx3)
    sems = (si0, si1, si2, si3)
    sems_c = (sc0, sc1, sc2, sc3)
    r0 = pl.multiple_of(s * ROWS_PER_TILE, 8)

    for i in range(ROWS_PER_TILE // 16):
        stage_t[pl.ds(16 * i, 16)] = jnp.zeros((16,), jnp.float32)

    pltpu.sync_copy(stage_t, dacc.at[pl.ds(r0, ROWS_PER_TILE)])

    @pl.when(s == NS - 1)
    def _():
        pltpu.sync_copy(stage_t.at[pl.ds(0, TAIL)], dacc.at[pl.ds(TAIL0, TAIL)])

    for i in range(BLK // 16):
        ones_v[pl.ds(16 * i, 16)] = jnp.ones((16,), jnp.float32)

    plsc.subcore_barrier()

    for p in range(2):
        @pl.when(wid + NW * p < NB)
        def _():
            pltpu.async_copy(s2d_hbm.at[wid + NW * p], sidx[p], sems[p])

    def ring_body(k0, carry):
        for b in range(4):
            k = 4 * k0 + b
            bw = (b - 2) % 4
            ba = (b + 2) % 4

            @pl.when((k >= 2) & (wid + NW * (k - 2) < NB))
            def _():
                pltpu.make_async_copy(
                    ones_v, dacc.at[sidx[bw]], sems_c[bw]).wait()

            @pl.when(wid + NW * (k + 2) < NB)
            def _():
                pltpu.async_copy(s2d_hbm.at[wid + NW * (k + 2)],
                                 sidx[ba], sems[ba])

            @pl.when(wid + NW * k < NB)
            def _():
                pltpu.make_async_copy(
                    s2d_hbm.at[wid + NW * k], sidx[b], sems[b]).wait()
                pltpu.async_copy(ones_v, dacc.at[sidx[b]], sems_c[b],
                                 add=True)

        return carry

    lax.fori_loop(0, (MAX_ITERS + 2 + 3) // 4, ring_body, 0)
    plsc.subcore_barrier()
    base = pl.multiple_of(c * N + r0, 8)
    pltpu.sync_copy(dacc.at[pl.ds(r0, ROWS_PER_TILE)], stage_t)
    pltpu.sync_copy(stage_t, out_hbm.at[pl.ds(base, ROWS_PER_TILE)])

    @pl.when(s == NS - 1)
    def _():
        pltpu.sync_copy(dacc.at[pl.ds(TAIL0, TAIL)], stage_t.at[pl.ds(0, TAIL)])
        pltpu.sync_copy(stage_t.at[pl.ds(0, TAIL)],
                        out_hbm.at[pl.ds(pl.multiple_of(c * N + TAIL0, 8), TAIL)])


_hist = pl.kernel(
    _hist_body,
    out_type=jax.ShapeDtypeStruct((NC * N,), jnp.float32),
    mesh=_MESH,
    scratch_types=(
        [pltpu.VMEM((BLK,), jnp.int32)] * 4
        + [pltpu.VMEM((BLK,), jnp.float32),
           pltpu.VMEM((ROWS_PER_TILE,), jnp.float32)]
        + [pltpu.SemaphoreType.DMA] * 8
        + [pltpu.VMEM_SHARED((N,), jnp.float32)]
    ),
)


_DEPTH = 6
_RDEPTH = 3


def _agg_body(h_hbm, s2d_hbm, r2d_hbm, out_hbm, *refs):
    sidx = refs[0:_DEPTH]
    ridx = refs[_DEPTH:2 * _DEPTH]
    rows = refs[2 * _DEPTH:2 * _DEPTH + _RDEPTH]
    sems_s = refs[2 * _DEPTH + _RDEPTH:3 * _DEPTH + _RDEPTH]
    sems_r = refs[3 * _DEPTH + _RDEPTH:4 * _DEPTH + _RDEPTH]
    sems_g = refs[4 * _DEPTH + _RDEPTH:4 * _DEPTH + 2 * _RDEPTH]
    sems_c = refs[4 * _DEPTH + 2 * _RDEPTH:4 * _DEPTH + 3 * _RDEPTH]
    acc = refs[4 * _DEPTH + 3 * _RDEPTH]
    c = lax.axis_index("c")
    s = lax.axis_index("s")
    wid = s * NC + c

    _slab_copy(h_hbm, acc, s)
    plsc.subcore_barrier()

    for p in range(3):
        @pl.when(wid + NW * p < NB)
        def _():
            pltpu.async_copy(s2d_hbm.at[wid + NW * p], sidx[p], sems_s[p])
            pltpu.async_copy(r2d_hbm.at[wid + NW * p], ridx[p], sems_r[p])

    def ring_body(k0, carry):
        for b in range(_DEPTH):
            k = _DEPTH * k0 + b
            bw = (b - 3) % _DEPTH
            ba = (b + 3) % _DEPTH
            bg = (b - 2) % _DEPTH
            rw = (b - 3) % _RDEPTH
            rg = (b - 2) % _RDEPTH

            @pl.when((k >= 3) & (wid + NW * (k - 3) < NB))
            def _():
                pltpu.make_async_copy(
                    rows[rw], acc.at[ridx[bw]], sems_c[rw]).wait()

            @pl.when(wid + NW * (k + 3) < NB)
            def _():
                pltpu.async_copy(s2d_hbm.at[wid + NW * (k + 3)],
                                 sidx[ba], sems_s[ba])
                pltpu.async_copy(r2d_hbm.at[wid + NW * (k + 3)],
                                 ridx[ba], sems_r[ba])

            @pl.when(wid + NW * k < NB)
            def _():
                pltpu.make_async_copy(
                    s2d_hbm.at[wid + NW * k], sidx[b], sems_s[b]).wait()
                pltpu.async_copy(h_hbm.at[sidx[b]],
                                 rows[b % _RDEPTH], sems_g[b % _RDEPTH])

            @pl.when((k >= 2) & (wid + NW * (k - 2) < NB))
            def _():
                pltpu.make_async_copy(
                    h_hbm.at[sidx[bg]], rows[rg], sems_g[rg]).wait()
                pltpu.make_async_copy(
                    r2d_hbm.at[wid + NW * (k - 2)], ridx[bg],
                    sems_r[bg]).wait()
                pltpu.async_copy(rows[rg], acc.at[ridx[bg]], sems_c[rg],
                                 add=True)

        return carry

    lax.fori_loop(0, (MAX_ITERS + 3 + _DEPTH - 1) // _DEPTH, ring_body, 0)
    plsc.subcore_barrier()
    _slab_copy(acc, out_hbm.at[c], s)


_agg = pl.kernel(
    _agg_body,
    out_type=jax.ShapeDtypeStruct((NC, N, D), jnp.float32),
    mesh=_MESH,
    scratch_types=(
        [pltpu.VMEM((BLK,), jnp.int32)] * (2 * _DEPTH)
        + [pltpu.VMEM((BLK, D), jnp.float32)] * _RDEPTH
        + [pltpu.SemaphoreType.DMA] * (2 * _DEPTH + 2 * _RDEPTH)
        + [pltpu.VMEM_SHARED((N, D), jnp.float32)]
    ),
)

_MM_ROWS = 2000


def _mm_body(nodes_ref, w_ref, b_ref, out_ref):
    h = jnp.dot(nodes_ref[...], w_ref[...], preferred_element_type=jnp.float32)
    out_ref[...] = jnp.maximum(h + b_ref[...], 0.0)


def _matmul(nodes, w, b2d):
    grid = N // _MM_ROWS
    return pl.pallas_call(
        _mm_body,
        grid=(grid,),
        in_specs=[
            pl.BlockSpec((_MM_ROWS, D), lambda i: (i, 0)),
            pl.BlockSpec((D, D), lambda i: (0, 0)),
            pl.BlockSpec((1, D), lambda i: (0, 0)),
        ],
        out_specs=pl.BlockSpec((_MM_ROWS, D), lambda i: (i, 0)),
        out_shape=jax.ShapeDtypeStruct((N, D), jnp.float32),
    )(nodes, w, b2d)


def _scale_body(h_ref, degp_ref, out_ref):
    inv = 1.0 / (degp_ref[0] + degp_ref[1] + 1.0)
    out_ref[...] = h_ref[...] * inv


def _scale(h_relu, degp):
    grid = N // _MM_ROWS
    return pl.pallas_call(
        _scale_body,
        grid=(grid,),
        in_specs=[
            pl.BlockSpec((_MM_ROWS, D), lambda i: (i, 0)),
            pl.BlockSpec((NC, _MM_ROWS, 1), lambda i: (0, i, 0)),
        ],
        out_specs=pl.BlockSpec((_MM_ROWS, D), lambda i: (i, 0)),
        out_shape=jax.ShapeDtypeStruct((N, D), jnp.float32),
    )(h_relu, degp)


def _add_body(p_ref, h_ref, out_ref):
    out_ref[...] = (p_ref[0] - h_ref[...]) + p_ref[1]


def _combine(parts, h_scaled):
    grid = N // _MM_ROWS
    return pl.pallas_call(
        _add_body,
        grid=(grid,),
        in_specs=[
            pl.BlockSpec((NC, _MM_ROWS, D), lambda i: (0, i, 0)),
            pl.BlockSpec((_MM_ROWS, D), lambda i: (i, 0)),
        ],
        out_specs=pl.BlockSpec((_MM_ROWS, D), lambda i: (i, 0)),
        out_shape=jax.ShapeDtypeStruct((N, D), jnp.float32),
    )(parts, h_scaled)


def kernel(nodes, senders, receivers, W, b):
    s2d = senders.reshape(NB, BLK)
    r2d = receivers.reshape(NB, BLK)
    degflat = _hist(s2d)
    h_relu = _matmul(nodes, W, b.reshape(1, D))
    h_scaled = _scale(h_relu, degflat.reshape(NC, N, 1))
    parts = _agg(h_scaled, s2d, r2d)
    return _combine(parts, h_scaled)

# --- scband reference (transcript-rebuilt; emitter-appended) ---
"""Pipeline reference for scband-gcnlayer-18330920419893 (READ-ONLY COPY).

The authoritative reference and input builder live on the scoring server;
editing this copy changes nothing except your own understanding.
"""

import jax, jax.numpy as jnp
import numpy as np

N_NODES = 10000
N_EDGES = 320000
D_FEAT = 128
FEATURES = 128


def setup_inputs(seed: int = 0) -> dict:
    key = jax.random.key(seed)
    k1, k2, k3, k4, k5 = jax.random.split(key, 5)
    nodes = jax.random.normal(k1, (N_NODES, D_FEAT), dtype=jnp.float32)
    senders = jax.random.randint(k2, (N_EDGES,), 0, N_NODES).astype(jnp.int32)
    receivers = jax.random.randint(k3, (N_EDGES,), 0, N_NODES).astype(jnp.int32)
    # Dense layer params (flax nn.Dense: kernel [in, out], bias [out]); lecun_normal-ish init
    W = jax.random.normal(k4, (D_FEAT, FEATURES), dtype=jnp.float32) / np.sqrt(D_FEAT)
    b = jnp.zeros((FEATURES,), dtype=jnp.float32)
    return {"nodes": nodes, "senders": senders, "receivers": receivers, "W": W, "b": b}


def reference(nodes, senders, receivers, W, b):
    # Dense + relu
    h = jnp.maximum(jnp.dot(nodes, W) + b, 0.0)
    n = h.shape[0]
    # add self edges
    s = jnp.concatenate((senders, jnp.arange(n, dtype=senders.dtype)))
    r = jnp.concatenate((receivers, jnp.arange(n, dtype=receivers.dtype)))
    # degree normalization (faithful to original: deg computed over senders)
    node_deg = jax.ops.segment_sum(jnp.ones_like(r), s, n)
    h = h * jax.lax.reciprocal(jnp.maximum(node_deg, 1.0))[:, None]
    # aggregate messages: gather by senders, scatter-add by receivers
    out = jax.ops.segment_sum(h[s], r, n)
    return out

if __name__ == "__main__":
    import jax
    _d = setup_inputs()
    print(jax.jit(kernel)(*tuple(_d.values())))

</pallas_src>

<mosaic_0001>
#map = affine_map<(d0, d1) -> (0, 0)>
#map1 = affine_map<(d0, d1) -> (0)>
module attributes {stable_mosaic.version = 14 : i64} {
  func.func @_hist_body(%arg0: i32, %arg1: i32, %arg2: memref<2500x128xi32, #tpu.memory_space<hbm>>, %arg3: memref<20000xf32, #tpu.memory_space<hbm>>, %arg4: memref<128xi32, #tpu.memory_space<vmem>>, %arg5: memref<128xi32, #tpu.memory_space<vmem>>, %arg6: memref<128xi32, #tpu.memory_space<vmem>>, %arg7: memref<128xi32, #tpu.memory_space<vmem>>, %arg8: memref<128xf32, #tpu.memory_space<vmem>>, %arg9: memref<624xf32, #tpu.memory_space<vmem>>, %arg10: memref<!tpu.dma_semaphore, #tpu.memory_space<semaphore_mem>>, %arg11: memref<!tpu.dma_semaphore, #tpu.memory_space<semaphore_mem>>, %arg12: memref<!tpu.dma_semaphore, #tpu.memory_space<semaphore_mem>>, %arg13: memref<!tpu.dma_semaphore, #tpu.memory_space<semaphore_mem>>, %arg14: memref<!tpu.dma_semaphore, #tpu.memory_space<semaphore_mem>>, %arg15: memref<!tpu.dma_semaphore, #tpu.memory_space<semaphore_mem>>, %arg16: memref<!tpu.dma_semaphore, #tpu.memory_space<semaphore_mem>>, %arg17: memref<!tpu.dma_semaphore, #tpu.memory_space<semaphore_mem>>, %arg18: memref<10000xf32, #tpu.memory_space<vmem_shared>>) attributes {dimension_semantics = [#tpu.dimension_semantics<core_parallel>, #tpu.dimension_semantics<subcore_parallel>], iteration_bounds = array<i64: 2, 16>, scalar_prefetch = 0 : i64, scratch_operands = 15 : i64, tpu.core_type = #tpu.core_type<sc_vector_subcore>, window_params = [{transform_indices = #map}, {transform_indices = #map1}]} {
    %mul3A = arith.constant 2 : i32
    %mul3A_0 = arith.muli %arg1, %mul3A : i32
    %add3A = arith.addi %mul3A_0, %arg0 : i32
    %mul3A_1 = arith.constant 624 : i32
    %mul3A_2 = arith.muli %arg1, %mul3A_1 : i32
    %multiple_of3A = tpu.assume_multiple %mul3A_2, 8 : i32
    %broadcast_in_dim3A = arith.constant 0.000000e+00 : f32
    %broadcast_in_dim3A_3 = vector.broadcast %broadcast_in_dim3A : f32 to vector<16xf32>
    %swap3A = arith.constant 0 : index
    %swap3A_4 = tpu.vector_load %arg9[%swap3A] {strides = array<i32>} : memref<624xf32, #tpu.memory_space<vmem>>, vector<16xf32>,
    %swap3A_5 = vector.shape_cast %swap3A_4 : vector<16xf32> to vector<16xf32>
    %swap3A_6 = vector.shape_cast %broadcast_in_dim3A_3 : vector<16xf32> to vector<16xf32>
    tpu.vector_store %arg9[%swap3A], %swap3A_6 {strides = array<i32>} : memref<624xf32, #tpu.memory_space<vmem>>, vector<16xf32>,
    %broadcast_in_dim3A_7 = arith.constant 0.000000e+00 : f32
    %broadcast_in_dim3A_8 = vector.broadcast %broadcast_in_dim3A_7 : f32 to vector<16xf32>
    %swap3A_9 = arith.constant 16 : index
    %swap3A_10 = tpu.vector_load %arg9[%swap3A_9] {strides = array<i32>} : memref<624xf32, #tpu.memory_space<vmem>>, vector<16xf32>,
    %swap3A_11 = vector.shape_cast %swap3A_10 : vector<16xf32> to vector<16xf32>
    %swap3A_12 = vector.shape_cast %broadcast_in_dim3A_8 : vector<16xf32> to vector<16xf32>
    tpu.vector_store %arg9[%swap3A_9], %swap3A_12 {strides = array<i32>} : memref<624xf32, #tpu.memory_space<vmem>>, vector<16xf32>,
    %broadcast_in_dim3A_13 = arith.constant 0.000000e+00 : f32
    %broadcast_in_dim3A_14 = vector.broadcast %broadcast_in_dim3A_13 : f32 to vector<16xf32>
    %swap3A_15 = arith.constant 32 : index
    %swap3A_16 = tpu.vector_load %arg9[%swap3A_15] {strides = array<i32>} : memref<624xf32, #tpu.memory_space<vmem>>, vector<16xf32>,
    %swap3A_17 = vector.shape_cast %swap3A_16 : vector<16xf32> to vector<16xf32>
    %swap3A_18 = vector.shape_cast %broadcast_in_dim3A_14 : vector<16xf32> to vector<16xf32>
    tpu.vector_store %arg9[%swap3A_15], %swap3A_18 {strides = array<i32>} : memref<624xf32, #tpu.memory_space<vmem>>, vector<16xf32>,
    %broadcast_in_dim3A_19 = arith.constant 0.000000e+00 : f32
    %broadcast_in_dim3A_20 = vector.broadcast %broadcast_in_dim3A_19 : f32 to vector<16xf32>
    %swap3A_21 = arith.constant 48 : index
    %swap3A_22 = tpu.vector_load %arg9[%swap3A_21] {strides = array<i32>} : memref<624xf32, #tpu.memory_space<vmem>>, vector<16xf32>,
    %swap3A_23 = vector.shape_cast %swap3A_22 : vector<16xf32> to vector<16xf32>
    %swap3A_24 = vector.shape_cast %broadcast_in_dim3A_20 : vector<16xf32> to vector<16xf32>
    tpu.vector_store %arg9[%swap3A_21], %swap3A_24 {strides = array<i32>} : memref<624xf32, #tpu.memory_space<vmem>>, vector<16xf32>,
    %broadcast_in_dim3A_25 = arith.constant 0.000000e+00 : f32
    %broadcast_in_dim3A_26 = vector.broadcast %broadcast_in_dim3A_25 : f32 to vector<16xf32>
    %swap3A_27 = arith.constant 64 : index
    %swap3A_28 = tpu.vector_load %arg9[%swap3A_27] {strides = array<i32>} : memref<624xf32, #tpu.memory_space<vmem>>, vector<16xf32>,
    %swap3A_29 = vector.shape_cast %swap3A_28 : vector<16xf32> to vector<16xf32>
    %swap3A_30 = vector.shape_cast %broadcast_in_dim3A_26 : vector<16xf32> to vector<16xf32>
    tpu.vector_store %arg9[%swap3A_27], %swap3A_30 {strides = array<i32>} : memref<624xf32, #tpu.memory_space<vmem>>, vector<16xf32>,
    %broadcast_in_dim3A_31 = arith.constant 0.000000e+00 : f32
    %broadcast_in_dim3A_32 = vector.broadcast %broadcast_in_dim3A_31 : f32 to vector<16xf32>
    %swap3A_33 = arith.constant 80 : index
    %swap3A_34 = tpu.vector_load %arg9[%swap3A_33] {strides = array<i32>} : memref<624xf32, #tpu.memory_space<vmem>>, vector<16xf32>,
    %swap3A_35 = vector.shape_cast %swap3A_34 : vector<16xf32> to vector<16xf32>
    %swap3A_36 = vector.shape_cast %broadcast_in_dim3A_32 : vector<16xf32> to vector<16xf32>
    tpu.vector_store %arg9[%swap3A_33], %swap3A_36 {strides = array<i32>} : memref<624xf32, #tpu.memory_space<vmem>>, vector<16xf32>,
    %broadcast_in_dim3A_37 = arith.constant 0.000000e+00 : f32
    %broadcast_in_dim3A_38 = vector.broadcast %broadcast_in_dim3A_37 : f32 to vector<16xf32>
    %swap3A_39 = arith.constant 96 : index
    %swap3A_40 = tpu.vector_load %arg9[%swap3A_39] {strides = array<i32>} : memref<624xf32, #tpu.memory_space<vmem>>, vector<16xf32>,
    %swap3A_41 = vector.shape_cast %swap3A_40 : vector<16xf32> to vector<16xf32>
    %swap3A_42 = vector.shape_cast %broadcast_in_dim3A_38 : vector<16xf32> to vector<16xf32>
    tpu.vector_store %arg9[%swap3A_39], %swap3A_42 {strides = array<i32>} : memref<624xf32, #tpu.memory_space<vmem>>, vector<16xf32>,
    %broadcast_in_dim3A_43 = arith.constant 0.000000e+00 : f32
    %broadcast_in_dim3A_44 = vector.broadcast %broadcast_in_dim3A_43 : f32 to vector<16xf32>
    %swap3A_45 = arith.constant 112 : index
    %swap3A_46 = tpu.vector_load %arg9[%swap3A_45] {strides = array<i32>} : memref<624xf32, #tpu.memory_space<vmem>>, vector<16xf32>,
    %swap3A_47 = vector.shape_cast %swap3A_46 : vector<16xf32> to vector<16xf32>
    %swap3A_48 = vector.shape_cast %broadcast_in_dim3A_44 : vector<16xf32> to vector<16xf32>
    tpu.vector_store %arg9[%swap3A_45], %swap3A_48 {strides = array<i32>} : memref<624xf32, #tpu.memory_space<vmem>>, vector<16xf32>,
    %broadcast_in_dim3A_49 = arith.constant 0.000000e+00 : f32
    %broadcast_in_dim3A_50 = vector.broadcast %broadcast_in_dim3A_49 : f32 to vector<16xf32>
    %swap3A_51 = arith.constant 128 : index
    %swap3A_52 = tpu.vector_load %arg9[%swap3A_51] {strides = array<i32>} : memref<624xf32, #tpu.memory_space<vmem>>, vector<16xf32>,
    %swap3A_53 = vector.shape_cast %swap3A_52 : vector<16xf32> to vector<16xf32>
    %swap3A_54 = vector.shape_cast %broadcast_in_dim3A_50 : vector<16xf32> to vector<16xf32>
    tpu.vector_store %arg9[%swap3A_51], %swap3A_54 {strides = array<i32>} : memref<624xf32, #tpu.memory_space<vmem>>, vector<16xf32>,
    %broadcast_in_dim3A_55 = arith.constant 0.000000e+00 : f32
    %broadcast_in_dim3A_56 = vector.broadcast %broadcast_in_dim3A_55 : f32 to vector<16xf32>
    %swap3A_57 = arith.constant 144 : index
    %swap3A_58 = tpu.vector_load %arg9[%swap3A_57] {strides = array<i32>} : memref<624xf32, #tpu.memory_space<vmem>>, vector<16xf32>,
    %swap3A_59 = vector.shape_cast %swap3A_58 : vector<16xf32> to vector<16xf32>
    %swap3A_60 = vector.shape_cast %broadcast_in_dim3A_56 : vector<16xf32> to vector<16xf32>
    tpu.vector_store %arg9[%swap3A_57], %swap3A_60 {strides = array<i32>} : memref<624xf32, #tpu.memory_space<vmem>>, vector<16xf32>,
    %broadcast_in_dim3A_61 = arith.constant 0.000000e+00 : f32
    %broadcast_in_dim3A_62 = vector.broadcast %broadcast_in_dim3A_61 : f32 to vector<16xf32>
    %swap3A_63 = arith.constant 160 : index
    %swap3A_64 = tpu.vector_load %arg9[%swap3A_63] {strides = array<i32>} : memref<624xf32, #tpu.memory_space<vmem>>, vector<16xf32>,
    %swap3A_65 = vector.shape_cast %swap3A_64 : vector<16xf32> to vector<16xf32>
    %swap3A_66 = vector.shape_cast %broadcast_in_dim3A_62 : vector<16xf32> to vector<16xf32>
    tpu.vector_store %arg9[%swap3A_63], %swap3A_66 {strides = array<i32>} : memref<624xf32, #tpu.memory_space<vmem>>, vector<16xf32>,
    %broadcast_in_dim3A_67 = arith.constant 0.000000e+00 : f32
    %broadcast_in_dim3A_68 = vector.broadcast %broadcast_in_dim3A_67 : f32 to vector<16xf32>
    %swap3A_69 = arith.constant 176 : index
    %swap3A_70 = tpu.vector_load %arg9[%swap3A_69] {strides = array<i32>} : memref<624xf32, #tpu.memory_space<vmem>>, vector<16xf32>,
    %swap3A_71 = vector.shape_cast %swap3A_70 : vector<16xf32> to vector<16xf32>
    %swap3A_72 = vector.shape_cast %broadcast_in_dim3A_68 : vector<16xf32> to vector<16xf32>
    tpu.vector_store %arg9[%swap3A_69], %swap3A_72 {strides = array<i32>} : memref<624xf32, #tpu.memory_space<vmem>>, vector<16xf32>,
    %broadcast_in_dim3A_73 = arith.constant 0.000000e+00 : f32
    %broadcast_in_dim3A_74 = vector.broadcast %broadcast_in_dim3A_73 : f32 to vector<16xf32>
    %swap3A_75 = arith.constant 192 : index
    %swap3A_76 = tpu.vector_load %arg9[%swap3A_75] {strides = array<i32>} : memref<624xf32, #tpu.memory_space<vmem>>, vector<16xf32>,
    %swap3A_77 = vector.shape_cast %swap3A_76 : vector<16xf32> to vector<16xf32>
    %swap3A_78 = vector.shape_cast %broadcast_in_dim3A_74 : vector<16xf32> to vector<16xf32>
    tpu.vector_store %arg9[%swap3A_75], %swap3A_78 {strides = array<i32>} : memref<624xf32, #tpu.memory_space<vmem>>, vector<16xf32>,
    %broadcast_in_dim3A_79 = arith.constant 0.000000e+00 : f32
    %broadcast_in_dim3A_80 = vector.broadcast %broadcast_in_dim3A_79 : f32 to vector<16xf32>
    %swap3A_81 = arith.constant 208 : index
    %swap3A_82 = tpu.vector_load %arg9[%swap3A_81] {strides = array<i32>} : memref<624xf32, #tpu.memory_space<vmem>>, vector<16xf32>,
    %swap3A_83 = vector.shape_cast %swap3A_82 : vector<16xf32> to vector<16xf32>
    %swap3A_84 = vector.shape_cast %broadcast_in_dim3A_80 : vector<16xf32> to vector<16xf32>
    tpu.vector_store %arg9[%swap3A_81], %swap3A_84 {strides = array<i32>} : memref<624xf32, #tpu.memory_space<vmem>>, vector<16xf32>,
    %broadcast_in_dim3A_85 = arith.constant 0.000000e+00 : f32
    %broadcast_in_dim3A_86 = vector.broadcast %broadcast_in_dim3A_85 : f32 to vector<16xf32>
    %swap3A_87 = arith.constant 224 : index
    %swap3A_88 = tpu.vector_load %arg9[%swap3A_87] {strides = array<i32>} : memref<624xf32, #tpu.memory_space<vmem>>, vector<16xf32>,
    %swap3A_89 = vector.shape_cast %swap3A_88 : vector<16xf32> to vector<16xf32>
    %swap3A_90 = vector.shape_cast %broadcast_in_dim3A_86 : vector<16xf32> to vector<16xf32>
    tpu.vector_store %arg9[%swap3A_87], %swap3A_90 {strides = array<i32>} : memref<624xf32, #tpu.memory_space<vmem>>, vector<16xf32>,
    %broadcast_in_dim3A_91 = arith.constant 0.000000e+00 : f32
    %broadcast_in_dim3A_92 = vector.broadcast %broadcast_in_dim3A_91 : f32 to vector<16xf32>
    %swap3A_93 = arith.constant 240 : index
    %swap3A_94 = tpu.vector_load %arg9[%swap3A_93] {strides = array<i32>} : memref<624xf32, #tpu.memory_space<vmem>>, vector<16xf32>,
    %swap3A_95 = vector.shape_cast %swap3A_94 : vector<16xf32> to vector<16xf32>
    %swap3A_96 = vector.shape_cast %broadcast_in_dim3A_92 : vector<16xf32> to vector<16xf32>
    tpu.vector_store %arg9[%swap3A_93], %swap3A_96 {strides = array<i32>} : memref<624xf32, #tpu.memory_space<vmem>>, vector<16xf32>,
    %broadcast_in_dim3A_97 = arith.constant 0.000000e+00 : f32
    %broadcast_in_dim3A_98 = vector.broadcast %broadcast_in_dim3A_97 : f32 to vector<16xf32>
    %swap3A_99 = arith.constant 256 : index
    %swap3A_100 = tpu.vector_load %arg9[%swap3A_99] {strides = array<i32>} : memref<624xf32, #tpu.memory_space<vmem>>, vector<16xf32>,
    %swap3A_101 = vector.shape_cast %swap3A_100 : vector<16xf32> to vector<16xf32>
    %swap3A_102 = vector.shape_cast %broadcast_in_dim3A_98 : vector<16xf32> to vector<16xf32>
    tpu.vector_store %arg9[%swap3A_99], %swap3A_102 {strides = array<i32>} : memref<624xf32, #tpu.memory_space<vmem>>, vector<16xf32>,
    %broadcast_in_dim3A_103 = arith.constant 0.000000e+00 : f32
    %broadcast_in_dim3A_104 = vector.broadcast %broadcast_in_dim3A_103 : f32 to vector<16xf32>
    %swap3A_105 = arith.constant 272 : index
    %swap3A_106 = tpu.vector_load %arg9[%swap3A_105] {strides = array<i32>} : memref<624xf32, #tpu.memory_space<vmem>>, vector<16xf32>,
    %swap3A_107 = vector.shape_cast %swap3A_106 : vector<16xf32> to vector<16xf32>
    %swap3A_108 = vector.shape_cast %broadcast_in_dim3A_104 : vector<16xf32> to vector<16xf32>
    tpu.vector_store %arg9[%swap3A_105], %swap3A_108 {strides = array<i32>} : memref<624xf32, #tpu.memory_space<vmem>>, vector<16xf32>,
    %broadcast_in_dim3A_109 = arith.constant 0.000000e+00 : f32
    %broadcast_in_dim3A_110 = vector.broadcast %broadcast_in_dim3A_109 : f32 to vector<16xf32>
    %swap3A_111 = arith.constant 288 : index
    %swap3A_112 = tpu.vector_load %arg9[%swap3A_111] {strides = array<i32>} : memref<624xf32, #tpu.memory_space<vmem>>, vector<16xf32>,
    %swap3A_113 = vector.shape_cast %swap3A_112 : vector<16xf32> to vector<16xf32>
    %swap3A_114 = vector.shape_cast %broadcast_in_dim3A_110 : vector<16xf32> to vector<16xf32>
    tpu.vector_store %arg9[%swap3A_111], %swap3A_114 {strides = array<i32>} : memref<624xf32, #tpu.memory_space<vmem>>, vector<16xf32>,
    %broadcast_in_dim3A_115 = arith.constant 0.000000e+00 : f32
    %broadcast_in_dim3A_116 = vector.broadcast %broadcast_in_dim3A_115 : f32 to vector<16xf32>
    %swap3A_117 = arith.constant 304 : index
    %swap3A_118 = tpu.vector_load %arg9[%swap3A_117] {strides = array<i32>} : memref<624xf32, #tpu.memory_space<vmem>>, vector<16xf32>,
    %swap3A_119 = vector.shape_cast %swap3A_118 : vector<16xf32> to vector<16xf32>
    %swap3A_120 = vector.shape_cast %broadcast_in_dim3A_116 : vector<16xf32> to vector<16xf32>
    tpu.vector_store %arg9[%swap3A_117], %swap3A_120 {strides = array<i32>} : memref<624xf32, #tpu.memory_space<vmem>>, vector<16xf32>,
    %broadcast_in_dim3A_121 = arith.constant 0.000000e+00 : f32
    %broadcast_in_dim3A_122 = vector.broadcast %broadcast_in_dim3A_121 : f32 to vector<16xf32>
    %swap3A_123 = arith.constant 320 : index
    %swap3A_124 = tpu.vector_load %arg9[%swap3A_123] {strides = array<i32>} : memref<624xf32, #tpu.memory_space<vmem>>, vector<16xf32>,
    %swap3A_125 = vector.shape_cast %swap3A_124 : vector<16xf32> to vector<16xf32>
    %swap3A_126 = vector.shape_cast %broadcast_in_dim3A_122 : vector<16xf32> to vector<16xf32>
    tpu.vector_store %arg9[%swap3A_123], %swap3A_126 {strides = array<i32>} : memref<624xf32, #tpu.memory_space<vmem>>, vector<16xf32>,
    %broadcast_in_dim3A_127 = arith.constant 0.000000e+00 : f32
    %broadcast_in_dim3A_128 = vector.broadcast %broadcast_in_dim3A_127 : f32 to vector<16xf32>
    %swap3A_129 = arith.constant 336 : index
    %swap3A_130 = tpu.vector_load %arg9[%swap3A_129] {strides = array<i32>} : memref<624xf32, #tpu.memory_space<vmem>>, vector<16xf32>,
    %swap3A_131 = vector.shape_cast %swap3A_130 : vector<16xf32> to vector<16xf32>
    %swap3A_132 = vector.shape_cast %broadcast_in_dim3A_128 : vector<16xf32> to vector<16xf32>
    tpu.vector_store %arg9[%swap3A_129], %swap3A_132 {strides = array<i32>} : memref<624xf32, #tpu.memory_space<vmem>>, vector<16xf32>,
    %broadcast_in_dim3A_133 = arith.constant 0.000000e+00 : f32
    %broadcast_in_dim3A_134 = vector.broadcast %broadcast_in_dim3A_133 : f32 to vector<16xf32>
    %swap3A_135 = arith.constant 352 : index
    %swap3A_136 = tpu.vector_load %arg9[%swap3A_135] {strides = array<i32>} : memref<624xf32, #tpu.memory_space<vmem>>, vector<16xf32>,
    %swap3A_137 = vector.shape_cast %swap3A_136 : vector<16xf32> to vector<16xf32>
    %swap3A_138 = vector.shape_cast %broadcast_in_dim3A_134 : vector<16xf32> to vector<16xf32>
    tpu.vector_store %arg9[%swap3A_135], %swap3A_138 {strides = array<i32>} : memref<624xf32, #tpu.memory_space<vmem>>, vector<16xf32>,
    %broadcast_in_dim3A_139 = arith.constant 0.000000e+00 : f32
    %broadcast_in_dim3A_140 = vector.broadcast %broadcast_in_dim3A_139 : f32 to vector<16xf32>
    %swap3A_141 = arith.constant 368 : index
    %swap3A_142 = tpu.vector_load %arg9[%swap3A_141] {strides = array<i32>} : memref<624xf32, #tpu.memory_space<vmem>>, vector<16xf32>,
    %swap3A_143 = vector.shape_cast %swap3A_142 : vector<16xf32> to vector<16xf32>
    %swap3A_144 = vector.shape_cast %broadcast_in_dim3A_140 : vector<16xf32> to vector<16xf32>
    tpu.vector_store %arg9[%swap3A_141], %swap3A_144 {strides = array<i32>} : memref<624xf32, #tpu.memory_space<vmem>>, vector<16xf32>,
    %broadcast_in_dim3A_145 = arith.constant 0.000000e+00 : f32
    %broadcast_in_dim3A_146 = vector.broadcast %broadcast_in_dim3A_145 : f32 to vector<16xf32>
    %swap3A_147 = arith.constant 384 : index
    %swap3A_148 = tpu.vector_load %arg9[%swap3A_147] {strides = array<i32>} : memref<624xf32, #tpu.memory_space<vmem>>, vector<16xf32>,
    %swap3A_149 = vector.shape_cast %swap3A_148 : vector<16xf32> to vector<16xf32>
    %swap3A_150 = vector.shape_cast %broadcast_in_dim3A_146 : vector<16xf32> to vector<16xf32>
    tpu.vector_store %arg9[%swap3A_147], %swap3A_150 {strides = array<i32>} : memref<624xf32, #tpu.memory_space<vmem>>, vector<16xf32>,
    %broadcast_in_dim3A_151 = arith.constant 0.000000e+00 : f32
    %broadcast_in_dim3A_152 = vector.broadcast %broadcast_in_dim3A_151 : f32 to vector<16xf32>
    %swap3A_153 = arith.constant 400 : index
    %swap3A_154 = tpu.vector_load %arg9[%swap3A_153] {strides = array<i32>} : memref<624xf32, #tpu.memory_space<vmem>>, vector<16xf32>,
    %swap3A_155 = vector.shape_cast %swap3A_154 : vector<16xf32> to vector<16xf32>
    %swap3A_156 = vector.shape_cast %broadcast_in_dim3A_152 : vector<16xf32> to vector<16xf32>
    tpu.vector_store %arg9[%swap3A_153], %swap3A_156 {strides = array<i32>} : memref<624xf32, #tpu.memory_space<vmem>>, vector<16xf32>,
    %broadcast_in_dim3A_157 = arith.constant 0.000000e+00 : f32
    %broadcast_in_dim3A_158 = vector.broadcast %broadcast_in_dim3A_157 : f32 to vector<16xf32>
    %swap3A_159 = arith.constant 416 : index
    %swap3A_160 = tpu.vector_load %arg9[%swap3A_159] {strides = array<i32>} : memref<624xf32, #tpu.memory_space<vmem>>, vector<16xf32>,
    %swap3A_161 = vector.shape_cast %swap3A_160 : vector<16xf32> to vector<16xf32>
    %swap3A_162 = vector.shape_cast %broadcast_in_dim3A_158 : vector<16xf32> to vector<16xf32>
    tpu.vector_store %arg9[%swap3A_159], %swap3A_162 {strides = array<i32>} : memref<624xf32, #tpu.memory_space<vmem>>, vector<16xf32>,
    %broadcast_in_dim3A_163 = arith.constant 0.000000e+00 : f32
    %broadcast_in_dim3A_164 = vector.broadcast %broadcast_in_dim3A_163 : f32 to vector<16xf32>
    %swap3A_165 = arith.constant 432 : index
    %swap3A_166 = tpu.vector_load %arg9[%swap3A_165] {strides = array<i32>} : memref<624xf32, #tpu.memory_space<vmem>>, vector<16xf32>,
    %swap3A_167 = vector.shape_cast %swap3A_166 : vector<16xf32> to vector<16xf32>
    %swap3A_168 = vector.shape_cast %broadcast_in_dim3A_164 : vector<16xf32> to vector<16xf32>
    tpu.vector_store %arg9[%swap3A_165], %swap3A_168 {strides = array<i32>} : memref<624xf32, #tpu.memory_space<vmem>>, vector<16xf32>,
    %broadcast_in_dim3A_169 = arith.constant 0.000000e+00 : f32
    %broadcast_in_dim3A_170 = vector.broadcast %broadcast_in_dim3A_169 : f32 to vector<16xf32>
    %swap3A_171 = arith.constant 448 : index
    %swap3A_172 = tpu.vector_load %arg9[%swap3A_171] {strides = array<i32>} : memref<624xf32, #tpu.memory_space<vmem>>, vector<16xf32>,
    %swap3A_173 = vector.shape_cast %swap3A_172 : vector<16xf32> to vector<16xf32>
    %swap3A_174 = vector.shape_cast %broadcast_in_dim3A_170 : vector<16xf32> to vector<16xf32>
    tpu.vector_store %arg9[%swap3A_171], %swap3A_174 {strides = array<i32>} : memref<624xf32, #tpu.memory_space<vmem>>, vector<16xf32>,
    %broadcast_in_dim3A_175 = arith.constant 0.000000e+00 : f32
    %broadcast_in_dim3A_176 = vector.broadcast %broadcast_in_dim3A_175 : f32 to vector<16xf32>
    %swap3A_177 = arith.constant 464 : index
    %swap3A_178 = tpu.vector_load %arg9[%swap3A_177] {strides = array<i32>} : memref<624xf32, #tpu.memory_space<vmem>>, vector<16xf32>,
    %swap3A_179 = vector.shape_cast %swap3A_178 : vector<16xf32> to vector<16xf32>
    %swap3A_180 = vector.shape_cast %broadcast_in_dim3A_176 : vector<16xf32> to vector<16xf32>
    tpu.vector_store %arg9[%swap3A_177], %swap3A_180 {strides = array<i32>} : memref<624xf32, #tpu.memory_space<vmem>>, vector<16xf32>,
    %broadcast_in_dim3A_181 = arith.constant 0.000000e+00 : f32
    %broadcast_in_dim3A_182 = vector.broadcast %broadcast_in_dim3A_181 : f32 to vector<16xf32>
    %swap3A_183 = arith.constant 480 : index
    %swap3A_184 = tpu.vector_load %arg9[%swap3A_183] {strides = array<i32>} : memref<624xf32, #tpu.memory_space<vmem>>, vector<16xf32>,
    %swap3A_185 = vector.shape_cast %swap3A_184 : vector<16xf32> to vector<16xf32>
    %swap3A_186 = vector.shape_cast %broadcast_in_dim3A_182 : vector<16xf32> to vector<16xf32>
    tpu.vector_store %arg9[%swap3A_183], %swap3A_186 {strides = array<i32>} : memref<624xf32, #tpu.memory_space<vmem>>, vector<16xf32>,
    %broadcast_in_dim3A_187 = arith.constant 0.000000e+00 : f32
    %broadcast_in_dim3A_188 = vector.broadcast %broadcast_in_dim3A_187 : f32 to vector<16xf32>
    %swap3A_189 = arith.constant 496 : index
    %swap3A_190 = tpu.vector_load %arg9[%swap3A_189] {strides = array<i32>} : memref<624xf32, #tpu.memory_space<vmem>>, vector<16xf32>,
    %swap3A_191 = vector.shape_cast %swap3A_190 : vector<16xf32> to vector<16xf32>
    %swap3A_192 = vector.shape_cast %broadcast_in_dim3A_188 : vector<16xf32> to vector<16xf32>
    tpu.vector_store %arg9[%swap3A_189], %swap3A_192 {strides = array<i32>} : memref<624xf32, #tpu.memory_space<vmem>>, vector<16xf32>,
    %broadcast_in_dim3A_193 = arith.constant 0.000000e+00 : f32
    %broadcast_in_dim3A_194 = vector.broadcast %broadcast_in_dim3A_193 : f32 to vector<16xf32>
    %swap3A_195 = arith.constant 512 : index
    %swap3A_196 = tpu.vector_load %arg9[%swap3A_195] {strides = array<i32>} : memref<624xf32, #tpu.memory_space<vmem>>, vector<16xf32>,
    %swap3A_197 = vector.shape_cast %swap3A_196 : vector<16xf32> to vector<16xf32>
    %swap3A_198 = vector.shape_cast %broadcast_in_dim3A_194 : vector<16xf32> to vector<16xf32>
    tpu.vector_store %arg9[%swap3A_195], %swap3A_198 {strides = array<i32>} : memref<624xf32, #tpu.memory_space<vmem>>, vector<16xf32>,
    %broadcast_in_dim3A_199 = arith.constant 0.000000e+00 : f32
    %broadcast_in_dim3A_200 = vector.broadcast %broadcast_in_dim3A_199 : f32 to vector<16xf32>
    %swap3A_201 = arith.constant 528 : index
    %swap3A_202 = tpu.vector_load %arg9[%swap3A_201] {strides = array<i32>} : memref<624xf32, #tpu.memory_space<vmem>>, vector<16xf32>,
    %swap3A_203 = vector.shape_cast %swap3A_202 : vector<16xf32> to vector<16xf32>
    %swap3A_204 = vector.shape_cast %broadcast_in_dim3A_200 : vector<16xf32> to vector<16xf32>
    tpu.vector_store %arg9[%swap3A_201], %swap3A_204 {strides = array<i32>} : memref<624xf32, #tpu.memory_space<vmem>>, vector<16xf32>,
    %broadcast_in_dim3A_205 = arith.constant 0.000000e+00 : f32
    %broadcast_in_dim3A_206 = vector.broadcast %broadcast_in_dim3A_205 : f32 to vector<16xf32>
    %swap3A_207 = arith.constant 544 : index
    %swap3A_208 = tpu.vector_load %arg9[%swap3A_207] {strides = array<i32>} : memref<624xf32, #tpu.memory_space<vmem>>, vector<16xf32>,
    %swap3A_209 = vector.shape_cast %swap3A_208 : vector<16xf32> to vector<16xf32>
    %swap3A_210 = vector.shape_cast %broadcast_in_dim3A_206 : vector<16xf32> to vector<16xf32>
    tpu.vector_store %arg9[%swap3A_207], %swap3A_210 {strides = array<i32>} : memref<624xf32, #tpu.memory_space<vmem>>, vector<16xf32>,
    %broadcast_in_dim3A_211 = arith.constant 0.000000e+00 : f32
    %broadcast_in_dim3A_212 = vector.broadcast %broadcast_in_dim3A_211 : f32 to vector<16xf32>
    %swap3A_213 = arith.constant 560 : index
    %swap3A_214 = tpu.vector_load %arg9[%swap3A_213] {strides = array<i32>} : memref<624xf32, #tpu.memory_space<vmem>>, vector<16xf32>,
    %swap3A_215 = vector.shape_cast %swap3A_214 : vector<16xf32> to vector<16xf32>
    %swap3A_216 = vector.shape_cast %broadcast_in_dim3A_212 : vector<16xf32> to vector<16xf32>
    tpu.vector_store %arg9[%swap3A_213], %swap3A_216 {strides = array<i32>} : memref<624xf32, #tpu.memory_space<vmem>>, vector<16xf32>,
    %broadcast_in_dim3A_217 = arith.constant 0.000000e+00 : f32
    %broadcast_in_dim3A_218 = vector.broadcast %broadcast_in_dim3A_217 : f32 to vector<16xf32>
    %swap3A_219 = arith.constant 576 : index
    %swap3A_220 = tpu.vector_load %arg9[%swap3A_219] {strides = array<i32>} : memref<624xf32, #tpu.memory_space<vmem>>, vector<16xf32>,
    %swap3A_221 = vector.shape_cast %swap3A_220 : vector<16xf32> to vector<16xf32>
    %swap3A_222 = vector.shape_cast %broadcast_in_dim3A_218 : vector<16xf32> to vector<16xf32>
    tpu.vector_store %arg9[%swap3A_219], %swap3A_222 {strides = array<i32>} : memref<624xf32, #tpu.memory_space<vmem>>, vector<16xf32>,
    %broadcast_in_dim3A_223 = arith.constant 0.000000e+00 : f32
    %broadcast_in_dim3A_224 = vector.broadcast %broadcast_in_dim3A_223 : f32 to vector<16xf32>
    %swap3A_225 = arith.constant 592 : index
    %swap3A_226 = tpu.vector_load %arg9[%swap3A_225] {strides = array<i32>} : memref<624xf32, #tpu.memory_space<vmem>>, vector<16xf32>,
    %swap3A_227 = vector.shape_cast %swap3A_226 : vector<16xf32> to vector<16xf32>
    %swap3A_228 = vector.shape_cast %broadcast_in_dim3A_224 : vector<16xf32> to vector<16xf32>
    tpu.vector_store %arg9[%swap3A_225], %swap3A_228 {strides = array<i32>} : memref<624xf32, #tpu.memory_space<vmem>>, vector<16xf32>,
    %broadcast_in_dim3A_229 = arith.constant 0.000000e+00 : f32
    %broadcast_in_dim3A_230 = vector.broadcast %broadcast_in_dim3A_229 : f32 to vector<16xf32>
    %swap3A_231 = arith.constant 608 : index
    %swap3A_232 = tpu.vector_load %arg9[%swap3A_231] {strides = array<i32>} : memref<624xf32, #tpu.memory_space<vmem>>, vector<16xf32>,
    %swap3A_233 = vector.shape_cast %swap3A_232 : vector<16xf32> to vector<16xf32>
    %swap3A_234 = vector.shape_cast %broadcast_in_dim3A_230 : vector<16xf32> to vector<16xf32>
    tpu.vector_store %arg9[%swap3A_231], %swap3A_234 {strides = array<i32>} : memref<624xf32, #tpu.memory_space<vmem>>, vector<16xf32>,
    "tpu.region"() ({
      %run_scoped3A = tpu.sem_alloc : memref<!tpu.dma_semaphore, #tpu.memory_space<semaphore_mem>>
      %dma_start3A = tpu.memref_slice %arg18[%multiple_of3A] : memref<10000xf32, #tpu.memory_space<vmem_shared>> -> memref<624xf32, #tpu.memory_space<vmem_shared>>
      %dma_start3A_313 = tpu.memref_slice %arg18[%multiple_of3A] : memref<10000xf32, #tpu.memory_space<vmem_shared>> -> memref<624xf32, #tpu.memory_space<vmem_shared>>
      tpu.enqueue_dma source(%arg9 : memref<624xf32, #tpu.memory_space<vmem>>) target(%dma_start3A_313 : memref<624xf32, #tpu.memory_space<vmem_shared>>) target_semaphore(%run_scoped3A : memref<!tpu.dma_semaphore, #tpu.memory_space<semaphore_mem>>)
      %dma_wait3A = tpu.memref_slice %arg18[%multiple_of3A] : memref<10000xf32, #tpu.memory_space<vmem_shared>> -> memref<624xf32, #tpu.memory_space<vmem_shared>>
      %dma_wait3A_314 = tpu.memref_slice %arg18[%multiple_of3A] : memref<10000xf32, #tpu.memory_space<vmem_shared>> -> memref<624xf32, #tpu.memory_space<vmem_shared>>
      tpu.wait_dma2 semaphore(%run_scoped3A : memref<!tpu.dma_semaphore, #tpu.memory_space<semaphore_mem>>) src(%arg9 : memref<624xf32, #tpu.memory_space<vmem>>) dst(%dma_wait3A_314 : memref<624xf32, #tpu.memory_space<vmem_shared>>)
      tpu.yield
    }) : () -> ()
    %eq3A = arith.constant 15 : i32
    %eq3A_235 = arith.cmpi eq, %arg1, %eq3A : i32
    %convert_element_type3A = arith.extui %eq3A_235 : i1 to i32
    %cond3A = arith.constant 0 : i32
    %cond3A_236 = arith.cmpi ne, %convert_element_type3A, %cond3A : i32
    scf.if %cond3A_236 {
      "tpu.region"() ({
        %run_scoped3A = tpu.sem_alloc : memref<!tpu.dma_semaphore, #tpu.memory_space<semaphore_mem>>
        %dma_start3A = arith.constant 0 : i32
        %dma_start3A_313 = tpu.memref_slice %arg9[%dma_start3A] : memref<624xf32, #tpu.memory_space<vmem>> -> memref<16xf32, #tpu.memory_space<vmem>>
        %dma_start3A_314 = arith.constant 9984 : i32
        %dma_start3A_315 = tpu.memref_slice %arg18[%dma_start3A_314] : memref<10000xf32, #tpu.memory_space<vmem_shared>> -> memref<16xf32, #tpu.memory_space<vmem_shared>>
        %dma_start3A_316 = arith.constant 9984 : i32
        %dma_start3A_317 = tpu.memref_slice %arg18[%dma_start3A_316] : memref<10000xf32, #tpu.memory_space<vmem_shared>> -> memref<16xf32, #tpu.memory_space<vmem_shared>>
        %dma_start3A_318 = arith.constant 0 : i32
        %dma_start3A_319 = tpu.memref_slice %arg9[%dma_start3A_318] : memref<624xf32, #tpu.memory_space<vmem>> -> memref<16xf32, #tpu.memory_space<vmem>>
        tpu.enqueue_dma source(%dma_start3A_319 : memref<16xf32, #tpu.memory_space<vmem>>) target(%dma_start3A_317 : memref<16xf32, #tpu.memory_space<vmem_shared>>) target_semaphore(%run_scoped3A : memref<!tpu.dma_semaphore, #tpu.memory_space<semaphore_mem>>)
        %dma_wait3A = arith.constant 0 : i32
        %dma_wait3A_320 = tpu.memref_slice %arg9[%dma_wait3A] : memref<624xf32, #tpu.memory_space<vmem>> -> memref<16xf32, #tpu.memory_space<vmem>>
        %dma_wait3A_321 = arith.constant 9984 : i32
        %dma_wait3A_322 = tpu.memref_slice %arg18[%dma_wait3A_321] : memref<10000xf32, #tpu.memory_space<vmem_shared>> -> memref<16xf32, #tpu.memory_space<vmem_shared>>
        %dma_wait3A_323 = arith.constant 9984 : i32
        %dma_wait3A_324 = tpu.memref_slice %arg18[%dma_wait3A_323] : memref<10000xf32, #tpu.memory_space<vmem_shared>> -> memref<16xf32, #tpu.memory_space<vmem_shared>>
        %dma_wait3A_325 = arith.constant 0 : i32
        %dma_wait3A_326 = tpu.memref_slice %arg9[%dma_wait3A_325] : memref<624xf32, #tpu.memory_space<vmem>> -> memref<16xf32, #tpu.memory_space<vmem>>
        tpu.wait_dma2 semaphore(%run_scoped3A : memref<!tpu.dma_semaphore, #tpu.memory_space<semaphore_mem>>) src(%dma_wait3A_326 : memref<16xf32, #tpu.memory_space<vmem>>) dst(%dma_wait3A_324 : memref<16xf32, #tpu.memory_space<vmem_shared>>)
        tpu.yield
      }) : () -> ()
    } else {
    }
    %broadcast_in_dim3A_237 = arith.constant 1.000000e+00 : f32
    %broadcast_in_dim3A_238 = vector.broadcast %broadcast_in_dim3A_237 : f32 to vector<16xf32>
    %swap3A_239 = arith.constant 0 : index
    %swap3A_240 = tpu.vector_load %arg8[%swap3A_239] {strides = array<i32>} : memref<128xf32, #tpu.memory_space<vmem>>, vector<16xf32>,
    %swap3A_241 = vector.shape_cast %swap3A_240 : vector<16xf32> to vector<16xf32>
    %swap3A_242 = vector.shape_cast %broadcast_in_dim3A_238 : vector<16xf32> to vector<16xf32>
    tpu.vector_store %arg8[%swap3A_239], %swap3A_242 {strides = array<i32>} : memref<128xf32, #tpu.memory_space<vmem>>, vector<16xf32>,
    %broadcast_in_dim3A_243 = arith.constant 1.000000e+00 : f32
    %broadcast_in_dim3A_244 = vector.broadcast %broadcast_in_dim3A_243 : f32 to vector<16xf32>
    %swap3A_245 = arith.constant 16 : index
    %swap3A_246 = tpu.vector_load %arg8[%swap3A_245] {strides = array<i32>} : memref<128xf32, #tpu.memory_space<vmem>>, vector<16xf32>,
    %swap3A_247 = vector.shape_cast %swap3A_246 : vector<16xf32> to vector<16xf32>
    %swap3A_248 = vector.shape_cast %broadcast_in_dim3A_244 : vector<16xf32> to vector<16xf32>
    tpu.vector_store %arg8[%swap3A_245], %swap3A_248 {strides = array<i32>} : memref<128xf32, #tpu.memory_space<vmem>>, vector<16xf32>,
    %broadcast_in_dim3A_249 = arith.constant 1.000000e+00 : f32
    %broadcast_in_dim3A_250 = vector.broadcast %broadcast_in_dim3A_249 : f32 to vector<16xf32>
    %swap3A_251 = arith.constant 32 : index
    %swap3A_252 = tpu.vector_load %arg8[%swap3A_251] {strides = array<i32>} : memref<128xf32, #tpu.memory_space<vmem>>, vector<16xf32>,
    %swap3A_253 = vector.shape_cast %swap3A_252 : vector<16xf32> to vector<16xf32>
    %swap3A_254 = vector.shape_cast %broadcast_in_dim3A_250 : vector<16xf32> to vector<16xf32>
    tpu.vector_store %arg8[%swap3A_251], %swap3A_254 {strides = array<i32>} : memref<128xf32, #tpu.memory_space<vmem>>, vector<16xf32>,
    %broadcast_in_dim3A_255 = arith.constant 1.000000e+00 : f32
    %broadcast_in_dim3A_256 = vector.broadcast %broadcast_in_dim3A_255 : f32 to vector<16xf32>
    %swap3A_257 = arith.constant 48 : index
    %swap3A_258 = tpu.vector_load %arg8[%swap3A_257] {strides = array<i32>} : memref<128xf32, #tpu.memory_space<vmem>>, vector<16xf32>,
    %swap3A_259 = vector.shape_cast %swap3A_258 : vector<16xf32> to vector<16xf32>
    %swap3A_260 = vector.shape_cast %broadcast_in_dim3A_256 : vector<16xf32> to vector<16xf32>
    tpu.vector_store %arg8[%swap3A_257], %swap3A_260 {strides = array<i32>} : memref<128xf32, #tpu.memory_space<vmem>>, vector<16xf32>,
    %broadcast_in_dim3A_261 = arith.constant 1.000000e+00 : f32
    %broadcast_in_dim3A_262 = vector.broadcast %broadcast_in_dim3A_261 : f32 to vector<16xf32>
    %swap3A_263 = arith.constant 64 : index
    %swap3A_264 = tpu.vector_load %arg8[%swap3A_263] {strides = array<i32>} : memref<128xf32, #tpu.memory_space<vmem>>, vector<16xf32>,
    %swap3A_265 = vector.shape_cast %swap3A_264 : vector<16xf32> to vector<16xf32>
    %swap3A_266 = vector.shape_cast %broadcast_in_dim3A_262 : vector<16xf32> to vector<16xf32>
    tpu.vector_store %arg8[%swap3A_263], %swap3A_266 {strides = array<i32>} : memref<128xf32, #tpu.memory_space<vmem>>, vector<16xf32>,
    %broadcast_in_dim3A_267 = arith.constant 1.000000e+00 : f32
    %broadcast_in_dim3A_268 = vector.broadcast %broadcast_in_dim3A_267 : f32 to vector<16xf32>
    %swap3A_269 = arith.constant 80 : index
    %swap3A_270 = tpu.vector_load %arg8[%swap3A_269] {strides = array<i32>} : memref<128xf32, #tpu.memory_space<vmem>>, vector<16xf32>,
    %swap3A_271 = vector.shape_cast %swap3A_270 : vector<16xf32> to vector<16xf32>
    %swap3A_272 = vector.shape_cast %broadcast_in_dim3A_268 : vector<16xf32> to vector<16xf32>
    tpu.vector_store %arg8[%swap3A_269], %swap3A_272 {strides = array<i32>} : memref<128xf32, #tpu.memory_space<vmem>>, vector<16xf32>,
    %broadcast_in_dim3A_273 = arith.constant 1.000000e+00 : f32
    %broadcast_in_dim3A_274 = vector.broadcast %broadcast_in_dim3A_273 : f32 to vector<16xf32>
    %swap3A_275 = arith.constant 96 : index
    %swap3A_276 = tpu.vector_load %arg8[%swap3A_275] {strides = array<i32>} : memref<128xf32, #tpu.memory_space<vmem>>, vector<16xf32>,
    %swap3A_277 = vector.shape_cast %swap3A_276 : vector<16xf32> to vector<16xf32>
    %swap3A_278 = vector.shape_cast %broadcast_in_dim3A_274 : vector<16xf32> to vector<16xf32>
    tpu.vector_store %arg8[%swap3A_275], %swap3A_278 {strides = array<i32>} : memref<128xf32, #tpu.memory_space<vmem>>, vector<16xf32>,
    %broadcast_in_dim3A_279 = arith.constant 1.000000e+00 : f32
    %broadcast_in_dim3A_280 = vector.broadcast %broadcast_in_dim3A_279 : f32 to vector<16xf32>
    %swap3A_281 = arith.constant 112 : index
    %swap3A_282 = tpu.vector_load %arg8[%swap3A_281] {strides = array<i32>} : memref<128xf32, #tpu.memory_space<vmem>>, vector<16xf32>,
    %swap3A_283 = vector.shape_cast %swap3A_282 : vector<16xf32> to vector<16xf32>
    %swap3A_284 = vector.shape_cast %broadcast_in_dim3A_280 : vector<16xf32> to vector<16xf32>
    tpu.vector_store %arg8[%swap3A_281], %swap3A_284 {strides = array<i32>} : memref<128xf32, #tpu.memory_space<vmem>>, vector<16xf32>,
    %barrier3A = arith.constant 0 : index
    tpu.barrier barrier_id(%barrier3A)
    %add3A_285 = arith.constant 0 : i32
    %add3A_286 = arith.addi %add3A, %add3A_285 : i32
    %lt3A = arith.constant 2500 : i32
    %lt3A_287 = arith.cmpi slt, %add3A_286, %lt3A : i32
    %convert_element_type3A_288 = arith.extui %lt3A_287 : i1 to i32
    %cond3A_289 = arith.constant 0 : i32
    %cond3A_290 = arith.cmpi ne, %convert_element_type3A_288, %cond3A_289 : i32
    scf.if %cond3A_290 {
      %add3A_313 = arith.constant 0 : i32
      %add3A_314 = arith.addi %add3A, %add3A_313 : i32
      %dma_start3A = arith.constant 0 : i32
      %dma_start3A_315 = tpu.memref_slice %arg2[%add3A_314, %dma_start3A] : memref<2500x128xi32, #tpu.memory_space<hbm>> -> memref<1x128xi32, #tpu.memory_space<hbm>>
      %dma_start3A_316 = tpu.memref_squeeze %dma_start3A_315 : memref<1x128xi32, #tpu.memory_space<hbm>> -> memref<128xi32, #tpu.memory_space<hbm>>
      %dma_start3A_317 = arith.constant 0 : i32
      %dma_start3A_318 = tpu.memref_slice %arg2[%add3A_314, %dma_start3A_317] : memref<2500x128xi32, #tpu.memory_space<hbm>> -> memref<1x128xi32, #tpu.memory_space<hbm>>
      %dma_start3A_319 = tpu.memref_squeeze %dma_start3A_318 : memref<1x128xi32, #tpu.memory_space<hbm>> -> memref<128xi32, #tpu.memory_space<hbm>>
      tpu.enqueue_dma source(%dma_start3A_319 : memref<128xi32, #tpu.memory_space<hbm>>) target(%arg4 : memref<128xi32, #tpu.memory_space<vmem>>) target_semaphore(%arg10 : memref<!tpu.dma_semaphore, #tpu.memory_space<semaphore_mem>>)
    } else {
    }
    %add3A_291 = arith.constant 32 : i32
    %add3A_292 = arith.addi %add3A, %add3A_291 : i32
    %lt3A_293 = arith.constant 2500 : i32
    %lt3A_294 = arith.cmpi slt, %add3A_292, %lt3A_293 : i32
    %convert_element_type3A_295 = arith.extui %lt3A_294 : i1 to i32
    %cond3A_296 = arith.constant 0 : i32
    %cond3A_297 = arith.cmpi ne, %convert_element_type3A_295, %cond3A_296 : i32
    scf.if %cond3A_297 {
      %add3A_313 = arith.constant 32 : i32
      %add3A_314 = arith.addi %add3A, %add3A_313 : i32
      %dma_start3A = arith.constant 0 : i32
      %dma_start3A_315 = tpu.memref_slice %arg2[%add3A_314, %dma_start3A] : memref<2500x128xi32, #tpu.memory_space<hbm>> -> memref<1x128xi32, #tpu.memory_space<hbm>>
      %dma_start3A_316 = tpu.memref_squeeze %dma_start3A_315 : memref<1x128xi32, #tpu.memory_space<hbm>> -> memref<128xi32, #tpu.memory_space<hbm>>
      %dma_start3A_317 = arith.constant 0 : i32
      %dma_start3A_318 = tpu.memref_slice %arg2[%add3A_314, %dma_start3A_317] : memref<2500x128xi32, #tpu.memory_space<hbm>> -> memref<1x128xi32, #tpu.memory_space<hbm>>
      %dma_start3A_319 = tpu.memref_squeeze %dma_start3A_318 : memref<1x128xi32, #tpu.memory_space<hbm>> -> memref<128xi32, #tpu.memory_space<hbm>>
      tpu.enqueue_dma source(%dma_start3A_319 : memref<128xi32, #tpu.memory_space<hbm>>) target(%arg5 : memref<128xi32, #tpu.memory_space<vmem>>) target_semaphore(%arg11 : memref<!tpu.dma_semaphore, #tpu.memory_space<semaphore_mem>>)
    } else {
    }
    %scan3A = arith.constant 0 : i32
    %scan3A_298 = arith.constant 0 : i32
    %scan3A_299 = arith.constant 21 : i32
    %scan3A_300 = arith.addi %scan3A_298, %scan3A_299 : i32
    %scan3A_301 = arith.constant 1 : i32
    scf.for %scan3A_313 = %scan3A_298 to %scan3A_300 step %scan3A_301  : i32 {
      %mul3A_314 = arith.constant 4 : i32
      %mul3A_315 = arith.muli %mul3A_314, %scan3A_313 : i32
      %add3A_316 = arith.constant 0 : i32
      %add3A_317 = arith.addi %mul3A_315, %add3A_316 : i32
      %ge3A = arith.constant 2 : i32
      %ge3A_318 = arith.cmpi sge, %add3A_317, %ge3A : i32
      %sub3A = arith.constant 2 : i32
      %sub3A_319 = arith.subi %add3A_317, %sub3A : i32
      %mul3A_320 = arith.constant 32 : i32
      %mul3A_321 = arith.muli %mul3A_320, %sub3A_319 : i32
      %add3A_322 = arith.addi %add3A, %mul3A_321 : i32
      %lt3A_323 = arith.constant 2500 : i32
      %lt3A_324 = arith.cmpi slt, %add3A_322, %lt3A_323 : i32
      %and3A = arith.andi %ge3A_318, %lt3A_324 : i1
      %convert_element_type3A_325 = arith.extui %and3A : i1 to i32
      %cond3A_326 = arith.constant 0 : i32
      %cond3A_327 = arith.cmpi ne, %convert_element_type3A_325, %cond3A_326 : i32
      scf.if %cond3A_327 {
        %dma_wait3A = arith.constant 0 : i32
        %dma_wait3A_451 = tpu.memref_slice %arg18[%dma_wait3A] : memref<10000xf32, #tpu.memory_space<vmem_shared>> -> memref<10000xf32, #tpu.memory_space<vmem_shared>>
        tpu.wait_indirect_dma semaphore(%arg16 : memref<!tpu.dma_semaphore, #tpu.memory_space<semaphore_mem>>) src(%arg8 : memref<128xf32, #tpu.memory_space<vmem>>) dst(%dma_wait3A_451 : memref<10000xf32, #tpu.memory_space<vmem_shared>>)
      } else {
      }
      %add3A_328 = arith.constant 2 : i32
      %add3A_329 = arith.addi %add3A_317, %add3A_328 : i32
      %mul3A_330 = arith.constant 32 : i32
      %mul3A_331 = arith.muli %mul3A_330, %add3A_329 : i32
      %add3A_332 = arith.addi %add3A, %mul3A_331 : i32
      %lt3A_333 = arith.constant 2500 : i32
      %lt3A_334 = arith.cmpi slt, %add3A_332, %lt3A_333 : i32
      %convert_element_type3A_335 = arith.extui %lt3A_334 : i1 to i32
      %cond3A_336 = arith.constant 0 : i32
      %cond3A_337 = arith.cmpi ne, %convert_element_type3A_335, %cond3A_336 : i32
      scf.if %cond3A_337 {
        %add3A_451 = arith.constant 2 : i32
        %add3A_452 = arith.addi %add3A_317, %add3A_451 : i32
        %mul3A_453 = arith.constant 32 : i32
        %mul3A_454 = arith.muli %mul3A_453, %add3A_452 : i32
        %add3A_455 = arith.addi %add3A, %mul3A_454 : i32
        %dma_start3A = arith.constant 0 : i32
        %dma_start3A_456 = tpu.memref_slice %arg2[%add3A_455, %dma_start3A] : memref<2500x128xi32, #tpu.memory_space<hbm>> -> memref<1x128xi32, #tpu.memory_space<hbm>>
        %dma_start3A_457 = tpu.memref_squeeze %dma_start3A_456 : memref<1x128xi32, #tpu.memory_space<hbm>> -> memref<128xi32, #tpu.memory_space<hbm>>
        %dma_start3A_458 = arith.constant 0 : i32
        %dma_start3A_459 = tpu.memref_slice %arg2[%add3A_455, %dma_start3A_458] : memref<2500x128xi32, #tpu.memory_space<hbm>> -> memref<1x128xi32, #tpu.memory_space<hbm>>
        %dma_start3A_460 = tpu.memref_squeeze %dma_start3A_459 : memref<1x128xi32, #tpu.memory_space<hbm>> -> memref<128xi32, #tpu.memory_space<hbm>>
        tpu.enqueue_dma source(%dma_start3A_460 : memref<128xi32, #tpu.memory_space<hbm>>) target(%arg6 : memref<128xi32, #tpu.memory_space<vmem>>) target_semaphore(%arg12 : memref<!tpu.dma_semaphore, #tpu.memory_space<semaphore_mem>>)
      } else {
      }
      %mul3A_338 = arith.constant 32 : i32
      %mul3A_339 = arith.muli %mul3A_338, %add3A_317 : i32
      %add3A_340 = arith.addi %add3A, %mul3A_339 : i32
      %lt3A_341 = arith.constant 2500 : i32
      %lt3A_342 = arith.cmpi slt, %add3A_340, %lt3A_341 : i32
      %convert_element_type3A_343 = arith.extui %lt3A_342 : i1 to i32
      %cond3A_344 = arith.constant 0 : i32
      %cond3A_345 = arith.cmpi ne, %convert_element_type3A_343, %cond3A_344 : i32
      scf.if %cond3A_345 {
        %mul3A_451 = arith.constant 32 : i32
        %mul3A_452 = arith.muli %mul3A_451, %add3A_317 : i32
        %add3A_453 = arith.addi %add3A, %mul3A_452 : i32
        %dma_wait3A = arith.constant 0 : i32
        %dma_wait3A_454 = tpu.memref_slice %arg2[%add3A_453, %dma_wait3A] : memref<2500x128xi32, #tpu.memory_space<hbm>> -> memref<1x128xi32, #tpu.memory_space<hbm>>
        %dma_wait3A_455 = tpu.memref_squeeze %dma_wait3A_454 : memref<1x128xi32, #tpu.memory_space<hbm>> -> memref<128xi32, #tpu.memory_space<hbm>>
        %dma_wait3A_456 = arith.constant 0 : i32
        %dma_wait3A_457 = tpu.memref_slice %arg2[%add3A_453, %dma_wait3A_456] : memref<2500x128xi32, #tpu.memory_space<hbm>> -> memref<1x128xi32, #tpu.memory_space<hbm>>
        %dma_wait3A_458 = tpu.memref_squeeze %dma_wait3A_457 : memref<1x128xi32, #tpu.memory_space<hbm>> -> memref<128xi32, #tpu.memory_space<hbm>>
        tpu.wait_dma2 semaphore(%arg10 : memref<!tpu.dma_semaphore, #tpu.memory_space<semaphore_mem>>) src(%dma_wait3A_458 : memref<128xi32, #tpu.memory_space<hbm>>) dst(%arg4 : memref<128xi32, #tpu.memory_space<vmem>>)
        %dma_start3A = arith.constant 0 : i32
        %dma_start3A_459 = tpu.memref_slice %arg18[%dma_start3A] : memref<10000xf32, #tpu.memory_space<vmem_shared>> -> memref<10000xf32, #tpu.memory_space<vmem_shared>>
        tpu.enqueue_indirect_dma source(%arg8 : memref<128xf32, #tpu.memory_space<vmem>>) target(%dma_start3A_459 : memref<10000xf32, #tpu.memory_space<vmem_shared>>) offsets(%arg4 : memref<128xi32, #tpu.memory_space<vmem>>) semaphore(%arg14 : memref<!tpu.dma_semaphore, #tpu.memory_space<semaphore_mem>>) {add = true}
      } else {
      }
      %mul3A_346 = arith.constant 4 : i32
      %mul3A_347 = arith.muli %mul3A_346, %scan3A_313 : i32
      %add3A_348 = arith.constant 1 : i32
      %add3A_349 = arith.addi %mul3A_347, %add3A_348 : i32
      %ge3A_350 = arith.constant 2 : i32
      %ge3A_351 = arith.cmpi sge, %add3A_349, %ge3A_350 : i32
      %sub3A_352 = arith.constant 2 : i32
      %sub3A_353 = arith.subi %add3A_349, %sub3A_352 : i32
      %mul3A_354 = arith.constant 32 : i32
      %mul3A_355 = arith.muli %mul3A_354, %sub3A_353 : i32
      %add3A_356 = arith.addi %add3A, %mul3A_355 : i32
      %lt3A_357 = arith.constant 2500 : i32
      %lt3A_358 = arith.cmpi slt, %add3A_356, %lt3A_357 : i32
      %and3A_359 = arith.andi %ge3A_351, %lt3A_358 : i1
      %convert_element_type3A_360 = arith.extui %and3A_359 : i1 to i32
      %cond3A_361 = arith.constant 0 : i32
      %cond3A_362 = arith.cmpi ne, %convert_element_type3A_360, %cond3A_361 : i32
      scf.if %cond3A_362 {
        %dma_wait3A = arith.constant 0 : i32
        %dma_wait3A_451 = tpu.memref_slice %arg18[%dma_wait3A] : memref<10000xf32, #tpu.memory_space<vmem_shared>> -> memref<10000xf32, #tpu.memory_space<vmem_shared>>
        tpu.wait_indirect_dma semaphore(%arg17 : memref<!tpu.dma_semaphore, #tpu.memory_space<semaphore_mem>>) src(%arg8 : memref<128xf32, #tpu.memory_space<vmem>>) dst(%dma_wait3A_451 : memref<10000xf32, #tpu.memory_space<vmem_shared>>)
      } else {
      }
      %add3A_363 = arith.constant 2 : i32
      %add3A_364 = arith.addi %add3A_349, %add3A_363 : i32
      %mul3A_365 = arith.constant 32 : i32
      %mul3A_366 = arith.muli %mul3A_365, %add3A_364 : i32
      %add3A_367 = arith.addi %add3A, %mul3A_366 : i32
      %lt3A_368 = arith.constant 2500 : i32
      %lt3A_369 = arith.cmpi slt, %add3A_367, %lt3A_368 : i32
      %convert_element_type3A_370 = arith.extui %lt3A_369 : i1 to i32
      %cond3A_371 = arith.constant 0 : i32
      %cond3A_372 = arith.cmpi ne, %convert_element_type3A_370, %cond3A_371 : i32
      scf.if %cond3A_372 {
        %add3A_451 = arith.constant 2 : i32
        %add3A_452 = arith.addi %add3A_349, %add3A_451 : i32
        %mul3A_453 = arith.constant 32 : i32
        %mul3A_454 = arith.muli %mul3A_453, %add3A_452 : i32
        %add3A_455 = arith.addi %add3A, %mul3A_454 : i32
        %dma_start3A = arith.constant 0 : i32
        %dma_start3A_456 = tpu.memref_slice %arg2[%add3A_455, %dma_start3A] : memref<2500x128xi32, #tpu.memory_space<hbm>> -> memref<1x128xi32, #tpu.memory_space<hbm>>
        %dma_start3A_457 = tpu.memref_squeeze %dma_start3A_456 : memref<1x128xi32, #tpu.memory_space<hbm>> -> memref<128xi32, #tpu.memory_space<hbm>>
        %dma_start3A_458 = arith.constant 0 : i32
        %dma_start3A_459 = tpu.memref_slice %arg2[%add3A_455, %dma_start3A_458] : memref<2500x128xi32, #tpu.memory_space<hbm>> -> memref<1x128xi32, #tpu.memory_space<hbm>>
        %dma_start3A_460 = tpu.memref_squeeze %dma_start3A_459 : memref<1x128xi32, #tpu.memory_space<hbm>> -> memref<128xi32, #tpu.memory_space<hbm>>
        tpu.enqueue_dma source(%dma_start3A_460 : memref<128xi32, #tpu.memory_space<hbm>>) target(%arg7 : memref<128xi32, #tpu.memory_space<vmem>>) target_semaphore(%arg13 : memref<!tpu.dma_semaphore, #tpu.memory_space<semaphore_mem>>)
      } else {
      }
      %mul3A_373 = arith.constant 32 : i32
      %mul3A_374 = arith.muli %mul3A_373, %add3A_349 : i32
      %add3A_375 = arith.addi %add3A, %mul3A_374 : i32
      %lt3A_376 = arith.constant 2500 : i32
      %lt3A_377 = arith.cmpi slt, %add3A_375, %lt3A_376 : i32
      %convert_element_type3A_378 = arith.extui %lt3A_377 : i1 to i32
      %cond3A_379 = arith.constant 0 : i32
      %cond3A_380 = arith.cmpi ne, %convert_element_type3A_378, %cond3A_379 : i32
      scf.if %cond3A_380 {
        %mul3A_451 = arith.constant 32 : i32
        %mul3A_452 = arith.muli %mul3A_451, %add3A_349 : i32
        %add3A_453 = arith.addi %add3A, %mul3A_452 : i32
        %dma_wait3A = arith.constant 0 : i32
        %dma_wait3A_454 = tpu.memref_slice %arg2[%add3A_453, %dma_wait3A] : memref<2500x128xi32, #tpu.memory_space<hbm>> -> memref<1x128xi32, #tpu.memory_space<hbm>>
        %dma_wait3A_455 = tpu.memref_squeeze %dma_wait3A_454 : memref<1x128xi32, #tpu.memory_space<hbm>> -> memref<128xi32, #tpu.memory_space<hbm>>
        %dma_wait3A_456 = arith.constant 0 : i32
        %dma_wait3A_457 = tpu.memref_slice %arg2[%add3A_453, %dma_wait3A_456] : memref<2500x128xi32, #tpu.memory_space<hbm>> -> memref<1x128xi32, #tpu.memory_space<hbm>>
        %dma_wait3A_458 = tpu.memref_squeeze %dma_wait3A_457 : memref<1x128xi32, #tpu.memory_space<hbm>> -> memref<128xi32, #tpu.memory_space<hbm>>
        tpu.wait_dma2 semaphore(%arg11 : memref<!tpu.dma_semaphore, #tpu.memory_space<semaphore_mem>>) src(%dma_wait3A_458 : memref<128xi32, #tpu.memory_space<hbm>>) dst(%arg5 : memref<128xi32, #tpu.memory_space<vmem>>)
        %dma_start3A = arith.constant 0 : i32
        %dma_start3A_459 = tpu.memref_slice %arg18[%dma_start3A] : memref<10000xf32, #tpu.memory_space<vmem_shared>> -> memref<10000xf32, #tpu.memory_space<vmem_shared>>
        tpu.enqueue_indirect_dma source(%arg8 : memref<128xf32, #tpu.memory_space<vmem>>) target(%dma_start3A_459 : memref<10000xf32, #tpu.memory_space<vmem_shared>>) offsets(%arg5 : memref<128xi32, #tpu.memory_space<vmem>>) semaphore(%arg15 : memref<!tpu.dma_semaphore, #tpu.memory_space<semaphore_mem>>) {add = true}
      } else {
      }
      %mul3A_381 = arith.constant 4 : i32
      %mul3A_382 = arith.muli %mul3A_381, %scan3A_313 : i32
      %add3A_383 = arith.constant 2 : i32
      %add3A_384 = arith.addi %mul3A_382, %add3A_383 : i32
      %ge3A_385 = arith.constant 2 : i32
      %ge3A_386 = arith.cmpi sge, %add3A_384, %ge3A_385 : i32
      %sub3A_387 = arith.constant 2 : i32
      %sub3A_388 = arith.subi %add3A_384, %sub3A_387 : i32
      %mul3A_389 = arith.constant 32 : i32
      %mul3A_390 = arith.muli %mul3A_389, %sub3A_388 : i32
      %add3A_391 = arith.addi %add3A, %mul3A_390 : i32
      %lt3A_392 = arith.constant 2500 : i32
      %lt3A_393 = arith.cmpi slt, %add3A_391, %lt3A_392 : i32
      %and3A_394 = arith.andi %ge3A_386, %lt3A_393 : i1
      %convert_element_type3A_395 = arith.extui %and3A_394 : i1 to i32
      %cond3A_396 = arith.constant 0 : i32
      %cond3A_397 = arith.cmpi ne, %convert_element_type3A_395, %cond3A_396 : i32
      scf.if %cond3A_397 {
        %dma_wait3A = arith.constant 0 : i32
        %dma_wait3A_451 = tpu.memref_slice %arg18[%dma_wait3A] : memref<10000xf32, #tpu.memory_space<vmem_shared>> -> memref<10000xf32, #tpu.memory_space<vmem_shared>>
        tpu.wait_indirect_dma semaphore(%arg14 : memref<!tpu.dma_semaphore, #tpu.memory_space<semaphore_mem>>) src(%arg8 : memref<128xf32, #tpu.memory_space<vmem>>) dst(%dma_wait3A_451 : memref<10000xf32, #tpu.memory_space<vmem_shared>>)
      } else {
      }
      %add3A_398 = arith.constant 2 : i32
      %add3A_399 = arith.addi %add3A_384, %add3A_398 : i32
      %mul3A_400 = arith.constant 32 : i32
      %mul3A_401 = arith.muli %mul3A_400, %add3A_399 : i32
      %add3A_402 = arith.addi %add3A, %mul3A_401 : i32
      %lt3A_403 = arith.constant 2500 : i32
      %lt3A_404 = arith.cmpi slt, %add3A_402, %lt3A_403 : i32
      %convert_element_type3A_405 = arith.extui %lt3A_404 : i1 to i32
      %cond3A_406 = arith.constant 0 : i32
      %cond3A_407 = arith.cmpi ne, %convert_element_type3A_405, %cond3A_406 : i32
      scf.if %cond3A_407 {
        %add3A_451 = arith.constant 2 : i32
        %add3A_452 = arith.addi %add3A_384, %add3A_451 : i32
        %mul3A_453 = arith.constant 32 : i32
        %mul3A_454 = arith.muli %mul3A_453, %add3A_452 : i32
        %add3A_455 = arith.addi %add3A, %mul3A_454 : i32
        %dma_start3A = arith.constant 0 : i32
        %dma_start3A_456 = tpu.memref_slice %arg2[%add3A_455, %dma_start3A] : memref<2500x128xi32, #tpu.memory_space<hbm>> -> memref<1x128xi32, #tpu.memory_space<hbm>>
        %dma_start3A_457 = tpu.memref_squeeze %dma_start3A_456 : memref<1x128xi32, #tpu.memory_space<hbm>> -> memref<128xi32, #tpu.memory_space<hbm>>
        %dma_start3A_458 = arith.constant 0 : i32
        %dma_start3A_459 = tpu.memref_slice %arg2[%add3A_455, %dma_start3A_458] : memref<2500x128xi32, #tpu.memory_space<hbm>> -> memref<1x128xi32, #tpu.memory_space<hbm>>
        %dma_start3A_460 = tpu.memref_squeeze %dma_start3A_459 : memref<1x128xi32, #tpu.memory_space<hbm>> -> memref<128xi32, #tpu.memory_space<hbm>>
        tpu.enqueue_dma source(%dma_start3A_460 : memref<128xi32, #tpu.memory_space<hbm>>) target(%arg4 : memref<128xi32, #tpu.memory_space<vmem>>) target_semaphore(%arg10 : memref<!tpu.dma_semaphore, #tpu.memory_space<semaphore_mem>>)
      } else {
      }
      %mul3A_408 = arith.constant 32 : i32
      %mul3A_409 = arith.muli %mul3A_408, %add3A_384 : i32
      %add3A_410 = arith.addi %add3A, %mul3A_409 : i32
      %lt3A_411 = arith.constant 2500 : i32
      %lt3A_412 = arith.cmpi slt, %add3A_410, %lt3A_411 : i32
      %convert_element_type3A_413 = arith.extui %lt3A_412 : i1 to i32
      %cond3A_414 = arith.constant 0 : i32
      %cond3A_415 = arith.cmpi ne, %convert_element_type3A_413, %cond3A_414 : i32
      scf.if %cond3A_415 {
        %mul3A_451 = arith.constant 32 : i32
        %mul3A_452 = arith.muli %mul3A_451, %add3A_384 : i32
        %add3A_453 = arith.addi %add3A, %mul3A_452 : i32
        %dma_wait3A = arith.constant 0 : i32
        %dma_wait3A_454 = tpu.memref_slice %arg2[%add3A_453, %dma_wait3A] : memref<2500x128xi32, #tpu.memory_space<hbm>> -> memref<1x128xi32, #tpu.memory_space<hbm>>
        %dma_wait3A_455 = tpu.memref_squeeze %dma_wait3A_454 : memref<1x128xi32, #tpu.memory_space<hbm>> -> memref<128xi32, #tpu.memory_space<hbm>>
        %dma_wait3A_456 = arith.constant 0 : i32
        %dma_wait3A_457 = tpu.memref_slice %arg2[%add3A_453, %dma_wait3A_456] : memref<2500x128xi32, #tpu.memory_space<hbm>> -> memref<1x128xi32, #tpu.memory_space<hbm>>
        %dma_wait3A_458 = tpu.memref_squeeze %dma_wait3A_457 : memref<1x128xi32, #tpu.memory_space<hbm>> -> memref<128xi32, #tpu.memory_space<hbm>>
        tpu.wait_dma2 semaphore(%arg12 : memref<!tpu.dma_semaphore, #tpu.memory_space<semaphore_mem>>) src(%dma_wait3A_458 : memref<128xi32, #tpu.memory_space<hbm>>) dst(%arg6 : memref<128xi32, #tpu.memory_space<vmem>>)
        %dma_start3A = arith.constant 0 : i32
        %dma_start3A_459 = tpu.memref_slice %arg18[%dma_start3A] : memref<10000xf32, #tpu.memory_space<vmem_shared>> -> memref<10000xf32, #tpu.memory_space<vmem_shared>>
        tpu.enqueue_indirect_dma source(%arg8 : memref<128xf32, #tpu.memory_space<vmem>>) target(%dma_start3A_459 : memref<10000xf32, #tpu.memory_space<vmem_shared>>) offsets(%arg6 : memref<128xi32, #tpu.memory_space<vmem>>) semaphore(%arg16 : memref<!tpu.dma_semaphore, #tpu.memory_space<semaphore_mem>>) {add = true}
      } else {
      }
      %mul3A_416 = arith.constant 4 : i32
      %mul3A_417 = arith.muli %mul3A_416, %scan3A_313 : i32
      %add3A_418 = arith.constant 3 : i32
      %add3A_419 = arith.addi %mul3A_417, %add3A_418 : i32
      %ge3A_420 = arith.constant 2 : i32
      %ge3A_421 = arith.cmpi sge, %add3A_419, %ge3A_420 : i32
      %sub3A_422 = arith.constant 2 : i32
      %sub3A_423 = arith.subi %add3A_419, %sub3A_422 : i32
      %mul3A_424 = arith.constant 32 : i32
      %mul3A_425 = arith.muli %mul3A_424, %sub3A_423 : i32
      %add3A_426 = arith.addi %add3A, %mul3A_425 : i32
      %lt3A_427 = arith.constant 2500 : i32
      %lt3A_428 = arith.cmpi slt, %add3A_426, %lt3A_427 : i32
      %and3A_429 = arith.andi %ge3A_421, %lt3A_428 : i1
      %convert_element_type3A_430 = arith.extui %and3A_429 : i1 to i32
      %cond3A_431 = arith.constant 0 : i32
      %cond3A_432 = arith.cmpi ne, %convert_element_type3A_430, %cond3A_431 : i32
      scf.if %cond3A_432 {
        %dma_wait3A = arith.constant 0 : i32
        %dma_wait3A_451 = tpu.memref_slice %arg18[%dma_wait3A] : memref<10000xf32, #tpu.memory_space<vmem_shared>> -> memref<10000xf32, #tpu.memory_space<vmem_shared>>
        tpu.wait_indirect_dma semaphore(%arg15 : memref<!tpu.dma_semaphore, #tpu.memory_space<semaphore_mem>>) src(%arg8 : memref<128xf32, #tpu.memory_space<vmem>>) dst(%dma_wait3A_451 : memref<10000xf32, #tpu.memory_space<vmem_shared>>)
      } else {
      }
      %add3A_433 = arith.constant 2 : i32
      %add3A_434 = arith.addi %add3A_419, %add3A_433 : i32
      %mul3A_435 = arith.constant 32 : i32
      %mul3A_436 = arith.muli %mul3A_435, %add3A_434 : i32
      %add3A_437 = arith.addi %add3A, %mul3A_436 : i32
      %lt3A_438 = arith.constant 2500 : i32
      %lt3A_439 = arith.cmpi slt, %add3A_437, %lt3A_438 : i32
      %convert_element_type3A_440 = arith.extui %lt3A_439 : i1 to i32
      %cond3A_441 = arith.constant 0 : i32
      %cond3A_442 = arith.cmpi ne, %convert_element_type3A_440, %cond3A_441 : i32
      scf.if %cond3A_442 {
        %add3A_451 = arith.constant 2 : i32
        %add3A_452 = arith.addi %add3A_419, %add3A_451 : i32
        %mul3A_453 = arith.constant 32 : i32
        %mul3A_454 = arith.muli %mul3A_453, %add3A_452 : i32
        %add3A_455 = arith.addi %add3A, %mul3A_454 : i32
        %dma_start3A = arith.constant 0 : i32
        %dma_start3A_456 = tpu.memref_slice %arg2[%add3A_455, %dma_start3A] : memref<2500x128xi32, #tpu.memory_space<hbm>> -> memref<1x128xi32, #tpu.memory_space<hbm>>
        %dma_start3A_457 = tpu.memref_squeeze %dma_start3A_456 : memref<1x128xi32, #tpu.memory_space<hbm>> -> memref<128xi32, #tpu.memory_space<hbm>>
        %dma_start3A_458 = arith.constant 0 : i32
        %dma_start3A_459 = tpu.memref_slice %arg2[%add3A_455, %dma_start3A_458] : memref<2500x128xi32, #tpu.memory_space<hbm>> -> memref<1x128xi32, #tpu.memory_space<hbm>>
        %dma_start3A_460 = tpu.memref_squeeze %dma_start3A_459 : memref<1x128xi32, #tpu.memory_space<hbm>> -> memref<128xi32, #tpu.memory_space<hbm>>
        tpu.enqueue_dma source(%dma_start3A_460 : memref<128xi32, #tpu.memory_space<hbm>>) target(%arg5 : memref<128xi32, #tpu.memory_space<vmem>>) target_semaphore(%arg11 : memref<!tpu.dma_semaphore, #tpu.memory_space<semaphore_mem>>)
      } else {
      }
      %mul3A_443 = arith.constant 32 : i32
      %mul3A_444 = arith.muli %mul3A_443, %add3A_419 : i32
      %add3A_445 = arith.addi %add3A, %mul3A_444 : i32
      %lt3A_446 = arith.constant 2500 : i32
      %lt3A_447 = arith.cmpi slt, %add3A_445, %lt3A_446 : i32
      %convert_element_type3A_448 = arith.extui %lt3A_447 : i1 to i32
      %cond3A_449 = arith.constant 0 : i32
      %cond3A_450 = arith.cmpi ne, %convert_element_type3A_448, %cond3A_449 : i32
      scf.if %cond3A_450 {
        %mul3A_451 = arith.constant 32 : i32
        %mul3A_452 = arith.muli %mul3A_451, %add3A_419 : i32
        %add3A_453 = arith.addi %add3A, %mul3A_452 : i32
        %dma_wait3A = arith.constant 0 : i32
        %dma_wait3A_454 = tpu.memref_slice %arg2[%add3A_453, %dma_wait3A] : memref<2500x128xi32, #tpu.memory_space<hbm>> -> memref<1x128xi32, #tpu.memory_space<hbm>>
        %dma_wait3A_455 = tpu.memref_squeeze %dma_wait3A_454 : memref<1x128xi32, #tpu.memory_space<hbm>> -> memref<128xi32, #tpu.memory_space<hbm>>
        %dma_wait3A_456 = arith.constant 0 : i32
        %dma_wait3A_457 = tpu.memref_slice %arg2[%add3A_453, %dma_wait3A_456] : memref<2500x128xi32, #tpu.memory_space<hbm>> -> memref<1x128xi32, #tpu.memory_space<hbm>>
        %dma_wait3A_458 = tpu.memref_squeeze %dma_wait3A_457 : memref<1x128xi32, #tpu.memory_space<hbm>> -> memref<128xi32, #tpu.memory_space<hbm>>
        tpu.wait_dma2 semaphore(%arg13 : memref<!tpu.dma_semaphore, #tpu.memory_space<semaphore_mem>>) src(%dma_wait3A_458 : memref<128xi32, #tpu.memory_space<hbm>>) dst(%arg7 : memref<128xi32, #tpu.memory_space<vmem>>)
        %dma_start3A = arith.constant 0 : i32
        %dma_start3A_459 = tpu.memref_slice %arg18[%dma_start3A] : memref<10000xf32, #tpu.memory_space<vmem_shared>> -> memref<10000xf32, #tpu.memory_space<vmem_shared>>
        tpu.enqueue_indirect_dma source(%arg8 : memref<128xf32, #tpu.memory_space<vmem>>) target(%dma_start3A_459 : memref<10000xf32, #tpu.memory_space<vmem_shared>>) offsets(%arg7 : memref<128xi32, #tpu.memory_space<vmem>>) semaphore(%arg17 : memref<!tpu.dma_semaphore, #tpu.memory_space<semaphore_mem>>) {add = true}
      } else {
      }
    }
    %scan3A_302 = arith.constant 21 : i32
    %barrier3A_303 = arith.constant 0 : index
    tpu.barrier barrier_id(%barrier3A_303)
    %mul3A_304 = arith.constant 10000 : i32
    %mul3A_305 = arith.muli %arg0, %mul3A_304 : i32
    %add3A_306 = arith.addi %mul3A_305, %multiple_of3A : i32
    %multiple_of3A_307 = tpu.assume_multiple %add3A_306, 8 : i32
    "tpu.region"() ({
      %run_scoped3A = tpu.sem_alloc : memref<!tpu.dma_semaphore, #tpu.memory_space<semaphore_mem>>
      %dma_start3A = tpu.memref_slice %arg18[%multiple_of3A] : memref<10000xf32, #tpu.memory_space<vmem_shared>> -> memref<624xf32, #tpu.memory_space<vmem_shared>>
      %dma_start3A_313 = tpu.memref_slice %arg18[%multiple_of3A] : memref<10000xf32, #tpu.memory_space<vmem_shared>> -> memref<624xf32, #tpu.memory_space<vmem_shared>>
      tpu.enqueue_dma source(%dma_start3A_313 : memref<624xf32, #tpu.memory_space<vmem_shared>>) target(%arg9 : memref<624xf32, #tpu.memory_space<vmem>>) target_semaphore(%run_scoped3A : memref<!tpu.dma_semaphore, #tpu.memory_space<semaphore_mem>>)
      %dma_wait3A = tpu.memref_slice %arg18[%multiple_of3A] : memref<10000xf32, #tpu.memory_space<vmem_shared>> -> memref<624xf32, #tpu.memory_space<vmem_shared>>
      %dma_wait3A_314 = tpu.memref_slice %arg18[%multiple_of3A] : memref<10000xf32, #tpu.memory_space<vmem_shared>> -> memref<624xf32, #tpu.memory_space<vmem_shared>>
      tpu.wait_dma2 semaphore(%run_scoped3A : memref<!tpu.dma_semaphore, #tpu.memory_space<semaphore_mem>>) src(%dma_wait3A_314 : memref<624xf32, #tpu.memory_space<vmem_shared>>) dst(%arg9 : memref<624xf32, #tpu.memory_space<vmem>>)
      tpu.yield
    }) : () -> ()
    "tpu.region"() ({
      %run_scoped3A = tpu.sem_alloc : memref<!tpu.dma_semaphore, #tpu.memory_space<semaphore_mem>>
      %dma_start3A = tpu.memref_slice %arg3[%multiple_of3A_307] : memref<20000xf32, #tpu.memory_space<hbm>> -> memref<624xf32, #tpu.memory_space<hbm>>
      %dma_start3A_313 = tpu.memref_slice %arg3[%multiple_of3A_307] : memref<20000xf32, #tpu.memory_space<hbm>> -> memref<624xf32, #tpu.memory_space<hbm>>
      tpu.enqueue_dma source(%arg9 : memref<624xf32, #tpu.memory_space<vmem>>) target(%dma_start3A_313 : memref<624xf32, #tpu.memory_space<hbm>>) target_semaphore(%run_scoped3A : memref<!tpu.dma_semaphore, #tpu.memory_space<semaphore_mem>>)
      %dma_wait3A = tpu.memref_slice %arg3[%multiple_of3A_307] : memref<20000xf32, #tpu.memory_space<hbm>> -> memref<624xf32, #tpu.memory_space<hbm>>
      %dma_wait3A_314 = tpu.memref_slice %arg3[%multiple_of3A_307] : memref<20000xf32, #tpu.memory_space<hbm>> -> memref<624xf32, #tpu.memory_space<hbm>>
      tpu.wait_dma2 semaphore(%run_scoped3A : memref<!tpu.dma_semaphore, #tpu.memory_space<semaphore_mem>>) src(%arg9 : memref<624xf32, #tpu.memory_space<vmem>>) dst(%dma_wait3A_314 : memref<624xf32, #tpu.memory_space<hbm>>)
      tpu.yield
    }) : () -> ()
    %eq3A_308 = arith.constant 15 : i32
    %eq3A_309 = arith.cmpi eq, %arg1, %eq3A_308 : i32
    %convert_element_type3A_310 = arith.extui %eq3A_309 : i1 to i32
    %cond3A_311 = arith.constant 0 : i32
    %cond3A_312 = arith.cmpi ne, %convert_element_type3A_310, %cond3A_311 : i32
    scf.if %cond3A_312 {
      "tpu.region"() ({
        %run_scoped3A = tpu.sem_alloc : memref<!tpu.dma_semaphore, #tpu.memory_space<semaphore_mem>>
        %dma_start3A = arith.constant 0 : i32
        %dma_start3A_318 = tpu.memref_slice %arg9[%dma_start3A] : memref<624xf32, #tpu.memory_space<vmem>> -> memref<16xf32, #tpu.memory_space<vmem>>
        %dma_start3A_319 = arith.constant 9984 : i32
        %dma_start3A_320 = tpu.memref_slice %arg18[%dma_start3A_319] : memref<10000xf32, #tpu.memory_space<vmem_shared>> -> memref<16xf32, #tpu.memory_space<vmem_shared>>
        %dma_start3A_321 = arith.constant 0 : i32
        %dma_start3A_322 = tpu.memref_slice %arg9[%dma_start3A_321] : memref<624xf32, #tpu.memory_space<vmem>> -> memref<16xf32, #tpu.memory_space<vmem>>
        %dma_start3A_323 = arith.constant 9984 : i32
        %dma_start3A_324 = tpu.memref_slice %arg18[%dma_start3A_323] : memref<10000xf32, #tpu.memory_space<vmem_shared>> -> memref<16xf32, #tpu.memory_space<vmem_shared>>
        tpu.enqueue_dma source(%dma_start3A_324 : memref<16xf32, #tpu.memory_space<vmem_shared>>) target(%dma_start3A_322 : memref<16xf32, #tpu.memory_space<vmem>>) target_semaphore(%run_scoped3A : memref<!tpu.dma_semaphore, #tpu.memory_space<semaphore_mem>>)
        %dma_wait3A = arith.constant 0 : i32
        %dma_wait3A_325 = tpu.memref_slice %arg9[%dma_wait3A] : memref<624xf32, #tpu.memory_space<vmem>> -> memref<16xf32, #tpu.memory_space<vmem>>
        %dma_wait3A_326 = arith.constant 9984 : i32
        %dma_wait3A_327 = tpu.memref_slice %arg18[%dma_wait3A_326] : memref<10000xf32, #tpu.memory_space<vmem_shared>> -> memref<16xf32, #tpu.memory_space<vmem_shared>>
        %dma_wait3A_328 = arith.constant 0 : i32
        %dma_wait3A_329 = tpu.memref_slice %arg9[%dma_wait3A_328] : memref<624xf32, #tpu.memory_space<vmem>> -> memref<16xf32, #tpu.memory_space<vmem>>
        %dma_wait3A_330 = arith.constant 9984 : i32
        %dma_wait3A_331 = tpu.memref_slice %arg18[%dma_wait3A_330] : memref<10000xf32, #tpu.memory_space<vmem_shared>> -> memref<16xf32, #tpu.memory_space<vmem_shared>>
        tpu.wait_dma2 semaphore(%run_scoped3A : memref<!tpu.dma_semaphore, #tpu.memory_space<semaphore_mem>>) src(%dma_wait3A_331 : memref<16xf32, #tpu.memory_space<vmem_shared>>) dst(%dma_wait3A_329 : memref<16xf32, #tpu.memory_space<vmem>>)
        tpu.yield
      }) : () -> ()
      %mul3A_313 = arith.constant 10000 : i32
      %mul3A_314 = arith.muli %arg0, %mul3A_313 : i32
      %add3A_315 = arith.constant 9984 : i32
      %add3A_316 = arith.addi %mul3A_314, %add3A_315 : i32
      %multiple_of3A_317 = tpu.assume_multiple %add3A_316, 8 : i32
      "tpu.region"() ({
        %run_scoped3A = tpu.sem_alloc : memref<!tpu.dma_semaphore, #tpu.memory_space<semaphore_mem>>
        %dma_start3A = arith.constant 0 : i32
        %dma_start3A_318 = tpu.memref_slice %arg9[%dma_start3A] : memref<624xf32, #tpu.memory_space<vmem>> -> memref<16xf32, #tpu.memory_space<vmem>>
        %dma_start3A_319 = tpu.memref_slice %arg3[%multiple_of3A_317] : memref<20000xf32, #tpu.memory_space<hbm>> -> memref<16xf32, #tpu.memory_space<hbm>>
        %dma_start3A_320 = tpu.memref_slice %arg3[%multiple_of3A_317] : memref<20000xf32, #tpu.memory_space<hbm>> -> memref<16xf32, #tpu.memory_space<hbm>>
        %dma_start3A_321 = arith.constant 0 : i32
        %dma_start3A_322 = tpu.memref_slice %arg9[%dma_start3A_321] : memref<624xf32, #tpu.memory_space<vmem>> -> memref<16xf32, #tpu.memory_space<vmem>>
        tpu.enqueue_dma source(%dma_start3A_322 : memref<16xf32, #tpu.memory_space<vmem>>) target(%dma_start3A_320 : memref<16xf32, #tpu.memory_space<hbm>>) target_semaphore(%run_scoped3A : memref<!tpu.dma_semaphore, #tpu.memory_space<semaphore_mem>>)
        %dma_wait3A = arith.constant 0 : i32
        %dma_wait3A_323 = tpu.memref_slice %arg9[%dma_wait3A] : memref<624xf32, #tpu.memory_space<vmem>> -> memref<16xf32, #tpu.memory_space<vmem>>
        %dma_wait3A_324 = tpu.memref_slice %arg3[%multiple_of3A_317] : memref<20000xf32, #tpu.memory_space<hbm>> -> memref<16xf32, #tpu.memory_space<hbm>>
        %dma_wait3A_325 = tpu.memref_slice %arg3[%multiple_of3A_317] : memref<20000xf32, #tpu.memory_space<hbm>> -> memref<16xf32, #tpu.memory_space<hbm>>
        %dma_wait3A_326 = arith.constant 0 : i32
        %dma_wait3A_327 = tpu.memref_slice %arg9[%dma_wait3A_326] : memref<624xf32, #tpu.memory_space<vmem>> -> memref<16xf32, #tpu.memory_space<vmem>>
        tpu.wait_dma2 semaphore(%run_scoped3A : memref<!tpu.dma_semaphore, #tpu.memory_space<semaphore_mem>>) src(%dma_wait3A_327 : memref<16xf32, #tpu.memory_space<vmem>>) dst(%dma_wait3A_325 : memref<16xf32, #tpu.memory_space<hbm>>)
        tpu.yield
      }) : () -> ()
    } else {
    }
    return
  }
}

#map = affine_map<(d0, d1) -> (0, 0)>
#map1 = affine_map<(d0, d1) -> (0, 0, 0)>
module attributes {stable_mosaic.version = 14 : i64} {
  func.func @_agg_body(%arg0: i32, %arg1: i32, %arg2: memref<10000x128xf32, #tpu.memory_space<hbm>>, %arg3: memref<2500x128xi32, #tpu.memory_space<hbm>>, %arg4: memref<2500x128xi32, #tpu.memory_space<hbm>>, %arg5: memref<2x10000x128xf32, #tpu.memory_space<hbm>>, %arg6: memref<128xi32, #tpu.memory_space<vmem>>, %arg7: memref<128xi32, #tpu.memory_space<vmem>>, %arg8: memref<128xi32, #tpu.memory_space<vmem>>, %arg9: memref<128xi32, #tpu.memory_space<vmem>>, %arg10: memref<128xi32, #tpu.memory_space<vmem>>, %arg11: memref<128xi32, #tpu.memory_space<vmem>>, %arg12: memref<128xi32, #tpu.memory_space<vmem>>, %arg13: memref<128xi32, #tpu.memory_space<vmem>>, %arg14: memref<128xi32, #tpu.memory_space<vmem>>, %arg15: memref<128xi32, #tpu.memory_space<vmem>>, %arg16: memref<128xi32, #tpu.memory_space<vmem>>, %arg17: memref<128xi32, #tpu.memory_space<vmem>>, %arg18: memref<128x128xf32, #tpu.memory_space<vmem>>, %arg19: memref<128x128xf32, #tpu.memory_space<vmem>>, %arg20: memref<128x128xf32, #tpu.memory_space<vmem>>, %arg21: memref<!tpu.dma_semaphore, #tpu.memory_space<semaphore_mem>>, %arg22: memref<!tpu.dma_semaphore, #tpu.memory_space<semaphore_mem>>, %arg23: memref<!tpu.dma_semaphore, #tpu.memory_space<semaphore_mem>>, %arg24: memref<!tpu.dma_semaphore, #tpu.memory_space<semaphore_mem>>, %arg25: memref<!tpu.dma_semaphore, #tpu.memory_space<semaphore_mem>>, %arg26: memref<!tpu.dma_semaphore, #tpu.memory_space<semaphore_mem>>, %arg27: memref<!tpu.dma_semaphore, #tpu.memory_space<semaphore_mem>>, %arg28: memref<!tpu.dma_semaphore, #tpu.memory_space<semaphore_mem>>, %arg29: memref<!tpu.dma_semaphore, #tpu.memory_space<semaphore_mem>>, %arg30: memref<!tpu.dma_semaphore, #tpu.memory_space<semaphore_mem>>, %arg31: memref<!tpu.dma_semaphore, #tpu.memory_space<semaphore_mem>>, %arg32: memref<!tpu.dma_semaphore, #tpu.memory_space<semaphore_mem>>, %arg33: memref<!tpu.dma_semaphore, #tpu.memory_space<semaphore_mem>>, %arg34: memref<!tpu.dma_semaphore, #tpu.memory_space<semaphore_mem>>, %arg35: memref<!tpu.dma_semaphore, #tpu.memory_space<semaphore_mem>>, %arg36: memref<!tpu.dma_semaphore, #tpu.memory_space<semaphore_mem>>, %arg37: memref<!tpu.dma_semaphore, #tpu.memory_space<semaphore_mem>>, %arg38: memref<!tpu.dma_semaphore, #tpu.memory_space<semaphore_mem>>, %arg39: memref<10000x128xf32, #tpu.memory_space<vmem_shared>>) attributes {dimension_semantics = [#tpu.dimension_semantics<core_parallel>, #tpu.dimension_semantics<subcore_parallel>], iteration_bounds = array<i64: 2, 16>, scalar_prefetch = 0 : i64, scratch_operands = 34 : i64, tpu.core_type = #tpu.core_type<sc_vector_subcore>, window_params = [{transform_indices = #map}, {transform_indices = #map}, {transform_indices = #map}, {transform_indices = #map1}]} {
    %mul3A = arith.constant 2 : i32
    %mul3A_0 = arith.muli %arg1, %mul3A : i32
    %add3A = arith.addi %mul3A_0, %arg0 : i32
    %mul3A_1 = arith.constant 624 : i32
    %mul3A_2 = arith.muli %arg1, %mul3A_1 : i32
    %multiple_of3A = tpu.assume_multiple %mul3A_2, 8 : i32
    "tpu.region"() ({
      %run_scoped3A = tpu.sem_alloc : memref<!tpu.dma_semaphore, #tpu.memory_space<semaphore_mem>>
      %dma_start3A = arith.constant 0 : i32
      %dma_start3A_39 = tpu.memref_slice %arg39[%multiple_of3A, %dma_start3A] : memref<10000x128xf32, #tpu.memory_space<vmem_shared>> -> memref<624x128xf32, #tpu.memory_space<vmem_shared>>
      %dma_start3A_40 = arith.constant 0 : i32
      %dma_start3A_41 = tpu.memref_slice %arg2[%multiple_of3A, %dma_start3A_40] : memref<10000x128xf32, #tpu.memory_space<hbm>> -> memref<624x128xf32, #tpu.memory_space<hbm>>
      tpu.enqueue_dma source(%dma_start3A_41 : memref<624x128xf32, #tpu.memory_space<hbm>>) target(%dma_start3A_39 : memref<624x128xf32, #tpu.memory_space<vmem_shared>>) target_semaphore(%run_scoped3A : memref<!tpu.dma_semaphore, #tpu.memory_space<semaphore_mem>>)
      %dma_wait3A = arith.constant 0 : i32
      %dma_wait3A_42 = tpu.memref_slice %arg39[%multiple_of3A, %dma_wait3A] : memref<10000x128xf32, #tpu.memory_space<vmem_shared>> -> memref<624x128xf32, #tpu.memory_space<vmem_shared>>
      %dma_wait3A_43 = arith.constant 0 : i32
      %dma_wait3A_44 = tpu.memref_slice %arg2[%multiple_of3A, %dma_wait3A_43] : memref<10000x128xf32, #tpu.memory_space<hbm>> -> memref<624x128xf32, #tpu.memory_space<hbm>>
      tpu.wait_dma2 semaphore(%run_scoped3A : memref<!tpu.dma_semaphore, #tpu.memory_space<semaphore_mem>>) src(%dma_wait3A_44 : memref<624x128xf32, #tpu.memory_space<hbm>>) dst(%dma_wait3A_42 : memref<624x128xf32, #tpu.memory_space<vmem_shared>>)
      tpu.yield
    }) : () -> ()
    %eq3A = arith.constant 15 : i32
    %eq3A_3 = arith.cmpi eq, %arg1, %eq3A : i32
    %convert_element_type3A = arith.extui %eq3A_3 : i1 to i32
    %cond3A = arith.constant 0 : i32
    %cond3A_4 = arith.cmpi ne, %convert_element_type3A, %cond3A : i32
    scf.if %cond3A_4 {
      "tpu.region"() ({
        %run_scoped3A = tpu.sem_alloc : memref<!tpu.dma_semaphore, #tpu.memory_space<semaphore_mem>>
        %dma_start3A = arith.constant 9984 : i32
        %dma_start3A_39 = arith.constant 0 : i32
        %dma_start3A_40 = tpu.memref_slice %arg39[%dma_start3A, %dma_start3A_39] : memref<10000x128xf32, #tpu.memory_space<vmem_shared>> -> memref<16x128xf32, #tpu.memory_space<vmem_shared>>
        %dma_start3A_41 = arith.constant 9984 : i32
        %dma_start3A_42 = arith.constant 0 : i32
        %dma_start3A_43 = tpu.memref_slice %arg2[%dma_start3A_41, %dma_start3A_42] : memref<10000x128xf32, #tpu.memory_space<hbm>> -> memref<16x128xf32, #tpu.memory_space<hbm>>
        tpu.enqueue_dma source(%dma_start3A_43 : memref<16x128xf32, #tpu.memory_space<hbm>>) target(%dma_start3A_40 : memref<16x128xf32, #tpu.memory_space<vmem_shared>>) target_semaphore(%run_scoped3A : memref<!tpu.dma_semaphore, #tpu.memory_space<semaphore_mem>>)
        %dma_wait3A = arith.constant 9984 : i32
        %dma_wait3A_44 = arith.constant 0 : i32
        %dma_wait3A_45 = tpu.memref_slice %arg39[%dma_wait3A, %dma_wait3A_44] : memref<10000x128xf32, #tpu.memory_space<vmem_shared>> -> memref<16x128xf32, #tpu.memory_space<vmem_shared>>
        %dma_wait3A_46 = arith.constant 9984 : i32
        %dma_wait3A_47 = arith.constant 0 : i32
        %dma_wait3A_48 = tpu.memref_slice %arg2[%dma_wait3A_46, %dma_wait3A_47] : memref<10000x128xf32, #tpu.memory_space<hbm>> -> memref<16x128xf32, #tpu.memory_space<hbm>>
        tpu.wait_dma2 semaphore(%run_scoped3A : memref<!tpu.dma_semaphore, #tpu.memory_space<semaphore_mem>>) src(%dma_wait3A_48 : memref<16x128xf32, #tpu.memory_space<hbm>>) dst(%dma_wait3A_45 : memref<16x128xf32, #tpu.memory_space<vmem_shared>>)
        tpu.yield
      }) : () -> ()
    } else {
    }
    %barrier3A = arith.constant 0 : index
    tpu.barrier barrier_id(%barrier3A)
    %add3A_5 = arith.constant 0 : i32
    %add3A_6 = arith.addi %add3A, %add3A_5 : i32
    %lt3A = arith.constant 2500 : i32
    %lt3A_7 = arith.cmpi slt, %add3A_6, %lt3A : i32
    %convert_element_type3A_8 = arith.extui %lt3A_7 : i1 to i32
    %cond3A_9 = arith.constant 0 : i32
    %cond3A_10 = arith.cmpi ne, %convert_element_type3A_8, %cond3A_9 : i32
    scf.if %cond3A_10 {
      %add3A_39 = arith.constant 0 : i32
      %add3A_40 = arith.addi %add3A, %add3A_39 : i32
      %dma_start3A = arith.constant 0 : i32
      %dma_start3A_41 = tpu.memref_slice %arg3[%add3A_40, %dma_start3A] : memref<2500x128xi32, #tpu.memory_space<hbm>> -> memref<1x128xi32, #tpu.memory_space<hbm>>
      %dma_start3A_42 = tpu.memref_squeeze %dma_start3A_41 : memref<1x128xi32, #tpu.memory_space<hbm>> -> memref<128xi32, #tpu.memory_space<hbm>>
      %dma_start3A_43 = arith.constant 0 : i32
      %dma_start3A_44 = tpu.memref_slice %arg3[%add3A_40, %dma_start3A_43] : memref<2500x128xi32, #tpu.memory_space<hbm>> -> memref<1x128xi32, #tpu.memory_space<hbm>>
      %dma_start3A_45 = tpu.memref_squeeze %dma_start3A_44 : memref<1x128xi32, #tpu.memory_space<hbm>> -> memref<128xi32, #tpu.memory_space<hbm>>
      tpu.enqueue_dma source(%dma_start3A_45 : memref<128xi32, #tpu.memory_space<hbm>>) target(%arg6 : memref<128xi32, #tpu.memory_space<vmem>>) target_semaphore(%arg21 : memref<!tpu.dma_semaphore, #tpu.memory_space<semaphore_mem>>)
      %add3A_46 = arith.constant 0 : i32
      %add3A_47 = arith.addi %add3A, %add3A_46 : i32
      %dma_start3A_48 = arith.constant 0 : i32
      %dma_start3A_49 = tpu.memref_slice %arg4[%add3A_47, %dma_start3A_48] : memref<2500x128xi32, #tpu.memory_space<hbm>> -> memref<1x128xi32, #tpu.memory_space<hbm>>
      %dma_start3A_50 = tpu.memref_squeeze %dma_start3A_49 : memref<1x128xi32, #tpu.memory_space<hbm>> -> memref<128xi32, #tpu.memory_space<hbm>>
      %dma_start3A_51 = arith.constant 0 : i32
      %dma_start3A_52 = tpu.memref_slice %arg4[%add3A_47, %dma_start3A_51] : memref<2500x128xi32, #tpu.memory_space<hbm>> -> memref<1x128xi32, #tpu.memory_space<hbm>>
      %dma_start3A_53 = tpu.memref_squeeze %dma_start3A_52 : memref<1x128xi32, #tpu.memory_space<hbm>> -> memref<128xi32, #tpu.memory_space<hbm>>
      tpu.enqueue_dma source(%dma_start3A_53 : memref<128xi32, #tpu.memory_space<hbm>>) target(%arg12 : memref<128xi32, #tpu.memory_space<vmem>>) target_semaphore(%arg27 : memref<!tpu.dma_semaphore, #tpu.memory_space<semaphore_mem>>)
    } else {
    }
    %add3A_11 = arith.constant 32 : i32
    %add3A_12 = arith.addi %add3A, %add3A_11 : i32
    %lt3A_13 = arith.constant 2500 : i32
    %lt3A_14 = arith.cmpi slt, %add3A_12, %lt3A_13 : i32
    %convert_element_type3A_15 = arith.extui %lt3A_14 : i1 to i32
    %cond3A_16 = arith.constant 0 : i32
    %cond3A_17 = arith.cmpi ne, %convert_element_type3A_15, %cond3A_16 : i32
    scf.if %cond3A_17 {
      %add3A_39 = arith.constant 32 : i32
      %add3A_40 = arith.addi %add3A, %add3A_39 : i32
      %dma_start3A = arith.constant 0 : i32
      %dma_start3A_41 = tpu.memref_slice %arg3[%add3A_40, %dma_start3A] : memref<2500x128xi32, #tpu.memory_space<hbm>> -> memref<1x128xi32, #tpu.memory_space<hbm>>
      %dma_start3A_42 = tpu.memref_squeeze %dma_start3A_41 : memref<1x128xi32, #tpu.memory_space<hbm>> -> memref<128xi32, #tpu.memory_space<hbm>>
      %dma_start3A_43 = arith.constant 0 : i32
      %dma_start3A_44 = tpu.memref_slice %arg3[%add3A_40, %dma_start3A_43] : memref<2500x128xi32, #tpu.memory_space<hbm>> -> memref<1x128xi32, #tpu.memory_space<hbm>>
      %dma_start3A_45 = tpu.memref_squeeze %dma_start3A_44 : memref<1x128xi32, #tpu.memory_space<hbm>> -> memref<128xi32, #tpu.memory_space<hbm>>
      tpu.enqueue_dma source(%dma_start3A_45 : memref<128xi32, #tpu.memory_space<hbm>>) target(%arg7 : memref<128xi32, #tpu.memory_space<vmem>>) target_semaphore(%arg22 : memref<!tpu.dma_semaphore, #tpu.memory_space<semaphore_mem>>)
      %add3A_46 = arith.constant 32 : i32
      %add3A_47 = arith.addi %add3A, %add3A_46 : i32
      %dma_start3A_48 = arith.constant 0 : i32
      %dma_start3A_49 = tpu.memref_slice %arg4[%add3A_47, %dma_start3A_48] : memref<2500x128xi32, #tpu.memory_space<hbm>> -> memref<1x128xi32, #tpu.memory_space<hbm>>
      %dma_start3A_50 = tpu.memref_squeeze %dma_start3A_49 : memref<1x128xi32, #tpu.memory_space<hbm>> -> memref<128xi32, #tpu.memory_space<hbm>>
      %dma_start3A_51 = arith.constant 0 : i32
      %dma_start3A_52 = tpu.memref_slice %arg4[%add3A_47, %dma_start3A_51] : memref<2500x128xi32, #tpu.memory_space<hbm>> -> memref<1x128xi32, #tpu.memory_space<hbm>>
      %dma_start3A_53 = tpu.memref_squeeze %dma_start3A_52 : memref<1x128xi32, #tpu.memory_space<hbm>> -> memref<128xi32, #tpu.memory_space<hbm>>
      tpu.enqueue_dma source(%dma_start3A_53 : memref<128xi32, #tpu.memory_space<hbm>>) target(%arg13 : memref<128xi32, #tpu.memory_space<vmem>>) target_semaphore(%arg28 : memref<!tpu.dma_semaphore, #tpu.memory_space<semaphore_mem>>)
    } else {
    }
    %add3A_18 = arith.constant 64 : i32
    %add3A_19 = arith.addi %add3A, %add3A_18 : i32
    %lt3A_20 = arith.constant 2500 : i32
    %lt3A_21 = arith.cmpi slt, %add3A_19, %lt3A_20 : i32
    %convert_element_type3A_22 = arith.extui %lt3A_21 : i1 to i32
    %cond3A_23 = arith.constant 0 : i32
    %cond3A_24 = arith.cmpi ne, %convert_element_type3A_22, %cond3A_23 : i32
    scf.if %cond3A_24 {
      %add3A_39 = arith.constant 64 : i32
      %add3A_40 = arith.addi %add3A, %add3A_39 : i32
      %dma_start3A = arith.constant 0 : i32
      %dma_start3A_41 = tpu.memref_slice %arg3[%add3A_40, %dma_start3A] : memref<2500x128xi32, #tpu.memory_space<hbm>> -> memref<1x128xi32, #tpu.memory_space<hbm>>
      %dma_start3A_42 = tpu.memref_squeeze %dma_start3A_41 : memref<1x128xi32, #tpu.memory_space<hbm>> -> memref<128xi32, #tpu.memory_space<hbm>>
      %dma_start3A_43 = arith.constant 0 : i32
      %dma_start3A_44 = tpu.memref_slice %arg3[%add3A_40, %dma_start3A_43] : memref<2500x128xi32, #tpu.memory_space<hbm>> -> memref<1x128xi32, #tpu.memory_space<hbm>>
      %dma_start3A_45 = tpu.memref_squeeze %dma_start3A_44 : memref<1x128xi32, #tpu.memory_space<hbm>> -> memref<128xi32, #tpu.memory_space<hbm>>
      tpu.enqueue_dma source(%dma_start3A_45 : memref<128xi32, #tpu.memory_space<hbm>>) target(%arg8 : memref<128xi32, #tpu.memory_space<vmem>>) target_semaphore(%arg23 : memref<!tpu.dma_semaphore, #tpu.memory_space<semaphore_mem>>)
      %add3A_46 = arith.constant 64 : i32
      %add3A_47 = arith.addi %add3A, %add3A_46 : i32
      %dma_start3A_48 = arith.constant 0 : i32
      %dma_start3A_49 = tpu.memref_slice %arg4[%add3A_47, %dma_start3A_48] : memref<2500x128xi32, #tpu.memory_space<hbm>> -> memref<1x128xi32, #tpu.memory_space<hbm>>
      %dma_start3A_50 = tpu.memref_squeeze %dma_start3A_49 : memref<1x128xi32, #tpu.memory_space<hbm>> -> memref<128xi32, #tpu.memory_space<hbm>>
      %dma_start3A_51 = arith.constant 0 : i32
      %dma_start3A_52 = tpu.memref_slice %arg4[%add3A_47, %dma_start3A_51] : memref<2500x128xi32, #tpu.memory_space<hbm>> -> memref<1x128xi32, #tpu.memory_space<hbm>>
      %dma_start3A_53 = tpu.memref_squeeze %dma_start3A_52 : memref<1x128xi32, #tpu.memory_space<hbm>> -> memref<128xi32, #tpu.memory_space<hbm>>
      tpu.enqueue_dma source(%dma_start3A_53 : memref<128xi32, #tpu.memory_space<hbm>>) target(%arg14 : memref<128xi32, #tpu.memory_space<vmem>>) target_semaphore(%arg29 : memref<!tpu.dma_semaphore, #tpu.memory_space<semaphore_mem>>)
    } else {
    }
    %scan3A = arith.constant 0 : i32
    %scan3A_25 = arith.constant 0 : i32
    %scan3A_26 = arith.constant 14 : i32
    %scan3A_27 = arith.addi %scan3A_25, %scan3A_26 : i32
    %scan3A_28 = arith.constant 1 : i32
    scf.for %scan3A_39 = %scan3A_25 to %scan3A_27 step %scan3A_28  : i32 {
      %mul3A_40 = arith.constant 6 : i32
      %mul3A_41 = arith.muli %mul3A_40, %scan3A_39 : i32
      %add3A_42 = arith.constant 0 : i32
      %add3A_43 = arith.addi %mul3A_41, %add3A_42 : i32
      %ge3A = arith.constant 3 : i32
      %ge3A_44 = arith.cmpi sge, %add3A_43, %ge3A : i32
      %sub3A = arith.constant 3 : i32
      %sub3A_45 = arith.subi %add3A_43, %sub3A : i32
      %mul3A_46 = arith.constant 32 : i32
      %mul3A_47 = arith.muli %mul3A_46, %sub3A_45 : i32
      %add3A_48 = arith.addi %add3A, %mul3A_47 : i32
      %lt3A_49 = arith.constant 2500 : i32
      %lt3A_50 = arith.cmpi slt, %add3A_48, %lt3A_49 : i32
      %and3A = arith.andi %ge3A_44, %lt3A_50 : i1
      %convert_element_type3A_51 = arith.extui %and3A : i1 to i32
      %cond3A_52 = arith.constant 0 : i32
      %cond3A_53 = arith.cmpi ne, %convert_element_type3A_51, %cond3A_52 : i32
      scf.if %cond3A_53 {
        %dma_wait3A = arith.constant 0 : i32
        %dma_wait3A_325 = arith.constant 0 : i32
        %dma_wait3A_326 = tpu.memref_slice %arg39[%dma_wait3A, %dma_wait3A_325] : memref<10000x128xf32, #tpu.memory_space<vmem_shared>> -> memref<10000x128xf32, #tpu.memory_space<vmem_shared>>
        tpu.wait_indirect_dma semaphore(%arg36 : memref<!tpu.dma_semaphore, #tpu.memory_space<semaphore_mem>>) src(%arg18 : memref<128x128xf32, #tpu.memory_space<vmem>>) dst(%dma_wait3A_326 : memref<10000x128xf32, #tpu.memory_space<vmem_shared>>)
      } else {
      }
      %add3A_54 = arith.constant 3 : i32
      %add3A_55 = arith.addi %add3A_43, %add3A_54 : i32
      %mul3A_56 = arith.constant 32 : i32
      %mul3A_57 = arith.muli %mul3A_56, %add3A_55 : i32
      %add3A_58 = arith.addi %add3A, %mul3A_57 : i32
      %lt3A_59 = arith.constant 2500 : i32
      %lt3A_60 = arith.cmpi slt, %add3A_58, %lt3A_59 : i32
      %convert_element_type3A_61 = arith.extui %lt3A_60 : i1 to i32
      %cond3A_62 = arith.constant 0 : i32
      %cond3A_63 = arith.cmpi ne, %convert_element_type3A_61, %cond3A_62 : i32
      scf.if %cond3A_63 {
        %add3A_325 = arith.constant 3 : i32
        %add3A_326 = arith.addi %add3A_43, %add3A_325 : i32
        %mul3A_327 = arith.constant 32 : i32
        %mul3A_328 = arith.muli %mul3A_327, %add3A_326 : i32
        %add3A_329 = arith.addi %add3A, %mul3A_328 : i32
        %dma_start3A = arith.constant 0 : i32
        %dma_start3A_330 = tpu.memref_slice %arg3[%add3A_329, %dma_start3A] : memref<2500x128xi32, #tpu.memory_space<hbm>> -> memref<1x128xi32, #tpu.memory_space<hbm>>
        %dma_start3A_331 = tpu.memref_squeeze %dma_start3A_330 : memref<1x128xi32, #tpu.memory_space<hbm>> -> memref<128xi32, #tpu.memory_space<hbm>>
        %dma_start3A_332 = arith.constant 0 : i32
        %dma_start3A_333 = tpu.memref_slice %arg3[%add3A_329, %dma_start3A_332] : memref<2500x128xi32, #tpu.memory_space<hbm>> -> memref<1x128xi32, #tpu.memory_space<hbm>>
        %dma_start3A_334 = tpu.memref_squeeze %dma_start3A_333 : memref<1x128xi32, #tpu.memory_space<hbm>> -> memref<128xi32, #tpu.memory_space<hbm>>
        tpu.enqueue_dma source(%dma_start3A_334 : memref<128xi32, #tpu.memory_space<hbm>>) target(%arg9 : memref<128xi32, #tpu.memory_space<vmem>>) target_semaphore(%arg24 : memref<!tpu.dma_semaphore, #tpu.memory_space<semaphore_mem>>)
        %add3A_335 = arith.constant 3 : i32
        %add3A_336 = arith.addi %add3A_43, %add3A_335 : i32
        %mul3A_337 = arith.constant 32 : i32
        %mul3A_338 = arith.muli %mul3A_337, %add3A_336 : i32
        %add3A_339 = arith.addi %add3A, %mul3A_338 : i32
        %dma_start3A_340 = arith.constant 0 : i32
        %dma_start3A_341 = tpu.memref_slice %arg4[%add3A_339, %dma_start3A_340] : memref<2500x128xi32, #tpu.memory_space<hbm>> -> memref<1x128xi32, #tpu.memory_space<hbm>>
        %dma_start3A_342 = tpu.memref_squeeze %dma_start3A_341 : memref<1x128xi32, #tpu.memory_space<hbm>> -> memref<128xi32, #tpu.memory_space<hbm>>
        %dma_start3A_343 = arith.constant 0 : i32
        %dma_start3A_344 = tpu.memref_slice %arg4[%add3A_339, %dma_start3A_343] : memref<2500x128xi32, #tpu.memory_space<hbm>> -> memref<1x128xi32, #tpu.memory_space<hbm>>
        %dma_start3A_345 = tpu.memref_squeeze %dma_start3A_344 : memref<1x128xi32, #tpu.memory_space<hbm>> -> memref<128xi32, #tpu.memory_space<hbm>>
        tpu.enqueue_dma source(%dma_start3A_345 : memref<128xi32, #tpu.memory_space<hbm>>) target(%arg15 : memref<128xi32, #tpu.memory_space<vmem>>) target_semaphore(%arg30 : memref<!tpu.dma_semaphore, #tpu.memory_space<semaphore_mem>>)
      } else {
      }
      %mul3A_64 = arith.constant 32 : i32
      %mul3A_65 = arith.muli %mul3A_64, %add3A_43 : i32
      %add3A_66 = arith.addi %add3A, %mul3A_65 : i32
      %lt3A_67 = arith.constant 2500 : i32
      %lt3A_68 = arith.cmpi slt, %add3A_66, %lt3A_67 : i32
      %convert_element_type3A_69 = arith.extui %lt3A_68 : i1 to i32
      %cond3A_70 = arith.constant 0 : i32
      %cond3A_71 = arith.cmpi ne, %convert_element_type3A_69, %cond3A_70 : i32
      scf.if %cond3A_71 {
        %mul3A_325 = arith.constant 32 : i32
        %mul3A_326 = arith.muli %mul3A_325, %add3A_43 : i32
        %add3A_327 = arith.addi %add3A, %mul3A_326 : i32
        %dma_wait3A = arith.constant 0 : i32
        %dma_wait3A_328 = tpu.memref_slice %arg3[%add3A_327, %dma_wait3A] : memref<2500x128xi32, #tpu.memory_space<hbm>> -> memref<1x128xi32, #tpu.memory_space<hbm>>
        %dma_wait3A_329 = tpu.memref_squeeze %dma_wait3A_328 : memref<1x128xi32, #tpu.memory_space<hbm>> -> memref<128xi32, #tpu.memory_space<hbm>>
        %dma_wait3A_330 = arith.constant 0 : i32
        %dma_wait3A_331 = tpu.memref_slice %arg3[%add3A_327, %dma_wait3A_330] : memref<2500x128xi32, #tpu.memory_space<hbm>> -> memref<1x128xi32, #tpu.memory_space<hbm>>
        %dma_wait3A_332 = tpu.memref_squeeze %dma_wait3A_331 : memref<1x128xi32, #tpu.memory_space<hbm>> -> memref<128xi32, #tpu.memory_space<hbm>>
        tpu.wait_dma2 semaphore(%arg21 : memref<!tpu.dma_semaphore, #tpu.memory_space<semaphore_mem>>) src(%dma_wait3A_332 : memref<128xi32, #tpu.memory_space<hbm>>) dst(%arg6 : memref<128xi32, #tpu.memory_space<vmem>>)
        %dma_start3A = arith.constant 0 : i32
        %dma_start3A_333 = arith.constant 0 : i32
        %dma_start3A_334 = tpu.memref_slice %arg2[%dma_start3A, %dma_start3A_333] : memref<10000x128xf32, #tpu.memory_space<hbm>> -> memref<10000x128xf32, #tpu.memory_space<hbm>>
        tpu.enqueue_indirect_dma source(%dma_start3A_334 : memref<10000x128xf32, #tpu.memory_space<hbm>>) target(%arg18 : memref<128x128xf32, #tpu.memory_space<vmem>>) offsets(%arg6 : memref<128xi32, #tpu.memory_space<vmem>>) semaphore(%arg33 : memref<!tpu.dma_semaphore, #tpu.memory_space<semaphore_mem>>)
      } else {
      }
      %ge3A_72 = arith.constant 2 : i32
      %ge3A_73 = arith.cmpi sge, %add3A_43, %ge3A_72 : i32
      %sub3A_74 = arith.constant 2 : i32
      %sub3A_75 = arith.subi %add3A_43, %sub3A_74 : i32
      %mul3A_76 = arith.constant 32 : i32
      %mul3A_77 = arith.muli %mul3A_76, %sub3A_75 : i32
      %add3A_78 = arith.addi %add3A, %mul3A_77 : i32
      %lt3A_79 = arith.constant 2500 : i32
      %lt3A_80 = arith.cmpi slt, %add3A_78, %lt3A_79 : i32
      %and3A_81 = arith.andi %ge3A_73, %lt3A_80 : i1
      %convert_element_type3A_82 = arith.extui %and3A_81 : i1 to i32
      %cond3A_83 = arith.constant 0 : i32
      %cond3A_84 = arith.cmpi ne, %convert_element_type3A_82, %cond3A_83 : i32
      scf.if %cond3A_84 {
        %dma_wait3A = arith.constant 0 : i32
        %dma_wait3A_325 = arith.constant 0 : i32
        %dma_wait3A_326 = tpu.memref_slice %arg2[%dma_wait3A, %dma_wait3A_325] : memref<10000x128xf32, #tpu.memory_space<hbm>> -> memref<10000x128xf32, #tpu.memory_space<hbm>>
        tpu.wait_indirect_dma semaphore(%arg34 : memref<!tpu.dma_semaphore, #tpu.memory_space<semaphore_mem>>) src(%dma_wait3A_326 : memref<10000x128xf32, #tpu.memory_space<hbm>>) dst(%arg19 : memref<128x128xf32, #tpu.memory_space<vmem>>)
        %sub3A_327 = arith.constant 2 : i32
        %sub3A_328 = arith.subi %add3A_43, %sub3A_327 : i32
        %mul3A_329 = arith.constant 32 : i32
        %mul3A_330 = arith.muli %mul3A_329, %sub3A_328 : i32
        %add3A_331 = arith.addi %add3A, %mul3A_330 : i32
        %dma_wait3A_332 = arith.constant 0 : i32
        %dma_wait3A_333 = tpu.memref_slice %arg4[%add3A_331, %dma_wait3A_332] : memref<2500x128xi32, #tpu.memory_space<hbm>> -> memref<1x128xi32, #tpu.memory_space<hbm>>
        %dma_wait3A_334 = tpu.memref_squeeze %dma_wait3A_333 : memref<1x128xi32, #tpu.memory_space<hbm>> -> memref<128xi32, #tpu.memory_space<hbm>>
        %dma_wait3A_335 = arith.constant 0 : i32
        %dma_wait3A_336 = tpu.memref_slice %arg4[%add3A_331, %dma_wait3A_335] : memref<2500x128xi32, #tpu.memory_space<hbm>> -> memref<1x128xi32, #tpu.memory_space<hbm>>
        %dma_wait3A_337 = tpu.memref_squeeze %dma_wait3A_336 : memref<1x128xi32, #tpu.memory_space<hbm>> -> memref<128xi32, #tpu.memory_space<hbm>>
        tpu.wait_dma2 semaphore(%arg31 : memref<!tpu.dma_semaphore, #tpu.memory_space<semaphore_mem>>) src(%dma_wait3A_337 : memref<128xi32, #tpu.memory_space<hbm>>) dst(%arg16 : memref<128xi32, #tpu.memory_space<vmem>>)
        %dma_start3A = arith.constant 0 : i32
        %dma_start3A_338 = arith.constant 0 : i32
        %dma_start3A_339 = tpu.memref_slice %arg39[%dma_start3A, %dma_start3A_338] : memref<10000x128xf32, #tpu.memory_space<vmem_shared>> -> memref<10000x128xf32, #tpu.memory_space<vmem_shared>>
        tpu.enqueue_indirect_dma source(%arg19 : memref<128x128xf32, #tpu.memory_space<vmem>>) target(%dma_start3A_339 : memref<10000x128xf32, #tpu.memory_space<vmem_shared>>) offsets(%arg16 : memref<128xi32, #tpu.memory_space<vmem>>) semaphore(%arg37 : memref<!tpu.dma_semaphore, #tpu.memory_space<semaphore_mem>>) {add = true}
      } else {
      }
      %mul3A_85 = arith.constant 6 : i32
      %mul3A_86 = arith.muli %mul3A_85, %scan3A_39 : i32
      %add3A_87 = arith.constant 1 : i32
      %add3A_88 = arith.addi %mul3A_86, %add3A_87 : i32
      %ge3A_89 = arith.constant 3 : i32
      %ge3A_90 = arith.cmpi sge, %add3A_88, %ge3A_89 : i32
      %sub3A_91 = arith.constant 3 : i32
      %sub3A_92 = arith.subi %add3A_88, %sub3A_91 : i32
      %mul3A_93 = arith.constant 32 : i32
      %mul3A_94 = arith.muli %mul3A_93, %sub3A_92 : i32
      %add3A_95 = arith.addi %add3A, %mul3A_94 : i32
      %lt3A_96 = arith.constant 2500 : i32
      %lt3A_97 = arith.cmpi slt, %add3A_95, %lt3A_96 : i32
      %and3A_98 = arith.andi %ge3A_90, %lt3A_97 : i1
      %convert_element_type3A_99 = arith.extui %and3A_98 : i1 to i32
      %cond3A_100 = arith.constant 0 : i32
      %cond3A_101 = arith.cmpi ne, %convert_element_type3A_99, %cond3A_100 : i32
      scf.if %cond3A_101 {
        %dma_wait3A = arith.constant 0 : i32
        %dma_wait3A_325 = arith.constant 0 : i32
        %dma_wait3A_326 = tpu.memref_slice %arg39[%dma_wait3A, %dma_wait3A_325] : memref<10000x128xf32, #tpu.memory_space<vmem_shared>> -> memref<10000x128xf32, #tpu.memory_space<vmem_shared>>
        tpu.wait_indirect_dma semaphore(%arg37 : memref<!tpu.dma_semaphore, #tpu.memory_space<semaphore_mem>>) src(%arg19 : memref<128x128xf32, #tpu.memory_space<vmem>>) dst(%dma_wait3A_326 : memref<10000x128xf32, #tpu.memory_space<vmem_shared>>)
      } else {
      }
      %add3A_102 = arith.constant 3 : i32
      %add3A_103 = arith.addi %add3A_88, %add3A_102 : i32
      %mul3A_104 = arith.constant 32 : i32
      %mul3A_105 = arith.muli %mul3A_104, %add3A_103 : i32
      %add3A_106 = arith.addi %add3A, %mul3A_105 : i32
      %lt3A_107 = arith.constant 2500 : i32
      %lt3A_108 = arith.cmpi slt, %add3A_106, %lt3A_107 : i32
      %convert_element_type3A_109 = arith.extui %lt3A_108 : i1 to i32
      %cond3A_110 = arith.constant 0 : i32
      %cond3A_111 = arith.cmpi ne, %convert_element_type3A_109, %cond3A_110 : i32
      scf.if %cond3A_111 {
        %add3A_325 = arith.constant 3 : i32
        %add3A_326 = arith.addi %add3A_88, %add3A_325 : i32
        %mul3A_327 = arith.constant 32 : i32
        %mul3A_328 = arith.muli %mul3A_327, %add3A_326 : i32
        %add3A_329 = arith.addi %add3A, %mul3A_328 : i32
        %dma_start3A = arith.constant 0 : i32
        %dma_start3A_330 = tpu.memref_slice %arg3[%add3A_329, %dma_start3A] : memref<2500x128xi32, #tpu.memory_space<hbm>> -> memref<1x128xi32, #tpu.memory_space<hbm>>
        %dma_start3A_331 = tpu.memref_squeeze %dma_start3A_330 : memref<1x128xi32, #tpu.memory_space<hbm>> -> memref<128xi32, #tpu.memory_space<hbm>>
        %dma_start3A_332 = arith.constant 0 : i32
        %dma_start3A_333 = tpu.memref_slice %arg3[%add3A_329, %dma_start3A_332] : memref<2500x128xi32, #tpu.memory_space<hbm>> -> memref<1x128xi32, #tpu.memory_space<hbm>>
        %dma_start3A_334 = tpu.memref_squeeze %dma_start3A_333 : memref<1x128xi32, #tpu.memory_space<hbm>> -> memref<128xi32, #tpu.memory_space<hbm>>
        tpu.enqueue_dma source(%dma_start3A_334 : memref<128xi32, #tpu.memory_space<hbm>>) target(%arg10 : memref<128xi32, #tpu.memory_space<vmem>>) target_semaphore(%arg25 : memref<!tpu.dma_semaphore, #tpu.memory_space<semaphore_mem>>)
        %add3A_335 = arith.constant 3 : i32
        %add3A_336 = arith.addi %add3A_88, %add3A_335 : i32
        %mul3A_337 = arith.constant 32 : i32
        %mul3A_338 = arith.muli %mul3A_337, %add3A_336 : i32
        %add3A_339 = arith.addi %add3A, %mul3A_338 : i32
        %dma_start3A_340 = arith.constant 0 : i32
        %dma_start3A_341 = tpu.memref_slice %arg4[%add3A_339, %dma_start3A_340] : memref<2500x128xi32, #tpu.memory_space<hbm>> -> memref<1x128xi32, #tpu.memory_space<hbm>>
        %dma_start3A_342 = tpu.memref_squeeze %dma_start3A_341 : memref<1x128xi32, #tpu.memory_space<hbm>> -> memref<128xi32, #tpu.memory_space<hbm>>
        %dma_start3A_343 = arith.constant 0 : i32
        %dma_start3A_344 = tpu.memref_slice %arg4[%add3A_339, %dma_start3A_343] : memref<2500x128xi32, #tpu.memory_space<hbm>> -> memref<1x128xi32, #tpu.memory_space<hbm>>
        %dma_start3A_345 = tpu.memref_squeeze %dma_start3A_344 : memref<1x128xi32, #tpu.memory_space<hbm>> -> memref<128xi32, #tpu.memory_space<hbm>>
        tpu.enqueue_dma source(%dma_start3A_345 : memref<128xi32, #tpu.memory_space<hbm>>) target(%arg16 : memref<128xi32, #tpu.memory_space<vmem>>) target_semaphore(%arg31 : memref<!tpu.dma_semaphore, #tpu.memory_space<semaphore_mem>>)
      } else {
      }
      %mul3A_112 = arith.constant 32 : i32
      %mul3A_113 = arith.muli %mul3A_112, %add3A_88 : i32
      %add3A_114 = arith.addi %add3A, %mul3A_113 : i32
      %lt3A_115 = arith.constant 2500 : i32
      %lt3A_116 = arith.cmpi slt, %add3A_114, %lt3A_115 : i32
      %convert_element_type3A_117 = arith.extui %lt3A_116 : i1 to i32
      %cond3A_118 = arith.constant 0 : i32
      %cond3A_119 = arith.cmpi ne, %convert_element_type3A_117, %cond3A_118 : i32
      scf.if %cond3A_119 {
        %mul3A_325 = arith.constant 32 : i32
        %mul3A_326 = arith.muli %mul3A_325, %add3A_88 : i32
        %add3A_327 = arith.addi %add3A, %mul3A_326 : i32
        %dma_wait3A = arith.constant 0 : i32
        %dma_wait3A_328 = tpu.memref_slice %arg3[%add3A_327, %dma_wait3A] : memref<2500x128xi32, #tpu.memory_space<hbm>> -> memref<1x128xi32, #tpu.memory_space<hbm>>
        %dma_wait3A_329 = tpu.memref_squeeze %dma_wait3A_328 : memref<1x128xi32, #tpu.memory_space<hbm>> -> memref<128xi32, #tpu.memory_space<hbm>>
        %dma_wait3A_330 = arith.constant 0 : i32
        %dma_wait3A_331 = tpu.memref_slice %arg3[%add3A_327, %dma_wait3A_330] : memref<2500x128xi32, #tpu.memory_space<hbm>> -> memref<1x128xi32, #tpu.memory_space<hbm>>
        %dma_wait3A_332 = tpu.memref_squeeze %dma_wait3A_331 : memref<1x128xi32, #tpu.memory_space<hbm>> -> memref<128xi32, #tpu.memory_space<hbm>>
        tpu.wait_dma2 semaphore(%arg22 : memref<!tpu.dma_semaphore, #tpu.memory_space<semaphore_mem>>) src(%dma_wait3A_332 : memref<128xi32, #tpu.memory_space<hbm>>) dst(%arg7 : memref<128xi32, #tpu.memory_space<vmem>>)
        %dma_start3A = arith.constant 0 : i32
        %dma_start3A_333 = arith.constant 0 : i32
        %dma_start3A_334 = tpu.memref_slice %arg2[%dma_start3A, %dma_start3A_333] : memref<10000x128xf32, #tpu.memory_space<hbm>> -> memref<10000x128xf32, #tpu.memory_space<hbm>>
        tpu.enqueue_indirect_dma source(%dma_start3A_334 : memref<10000x128xf32, #tpu.memory_space<hbm>>) target(%arg19 : memref<128x128xf32, #tpu.memory_space<vmem>>) offsets(%arg7 : memref<128xi32, #tpu.memory_space<vmem>>) semaphore(%arg34 : memref<!tpu.dma_semaphore, #tpu.memory_space<semaphore_mem>>)
      } else {
      }
      %ge3A_120 = arith.constant 2 : i32
      %ge3A_121 = arith.cmpi sge, %add3A_88, %ge3A_120 : i32
      %sub3A_122 = arith.constant 2 : i32
      %sub3A_123 = arith.subi %add3A_88, %sub3A_122 : i32
      %mul3A_124 = arith.constant 32 : i32
      %mul3A_125 = arith.muli %mul3A_124, %sub3A_123 : i32
      %add3A_126 = arith.addi %add3A, %mul3A_125 : i32
      %lt3A_127 = arith.constant 2500 : i32
      %lt3A_128 = arith.cmpi slt, %add3A_126, %lt3A_127 : i32
      %and3A_129 = arith.andi %ge3A_121, %lt3A_128 : i1
      %convert_element_type3A_130 = arith.extui %and3A_129 : i1 to i32
      %cond3A_131 = arith.constant 0 : i32
      %cond3A_132 = arith.cmpi ne, %convert_element_type3A_130, %cond3A_131 : i32
      scf.if %cond3A_132 {
        %dma_wait3A = arith.constant 0 : i32
        %dma_wait3A_325 = arith.constant 0 : i32
        %dma_wait3A_326 = tpu.memref_slice %arg2[%dma_wait3A, %dma_wait3A_325] : memref<10000x128xf32, #tpu.memory_space<hbm>> -> memref<10000x128xf32, #tpu.memory_space<hbm>>
        tpu.wait_indirect_dma semaphore(%arg35 : memref<!tpu.dma_semaphore, #tpu.memory_space<semaphore_mem>>) src(%dma_wait3A_326 : memref<10000x128xf32, #tpu.memory_space<hbm>>) dst(%arg20 : memref<128x128xf32, #tpu.memory_space<vmem>>)
        %sub3A_327 = arith.constant 2 : i32
        %sub3A_328 = arith.subi %add3A_88, %sub3A_327 : i32
        %mul3A_329 = arith.constant 32 : i32
        %mul3A_330 = arith.muli %mul3A_329, %sub3A_328 : i32
        %add3A_331 = arith.addi %add3A, %mul3A_330 : i32
        %dma_wait3A_332 = arith.constant 0 : i32
        %dma_wait3A_333 = tpu.memref_slice %arg4[%add3A_331, %dma_wait3A_332] : memref<2500x128xi32, #tpu.memory_space<hbm>> -> memref<1x128xi32, #tpu.memory_space<hbm>>
        %dma_wait3A_334 = tpu.memref_squeeze %dma_wait3A_333 : memref<1x128xi32, #tpu.memory_space<hbm>> -> memref<128xi32, #tpu.memory_space<hbm>>
        %dma_wait3A_335 = arith.constant 0 : i32
        %dma_wait3A_336 = tpu.memref_slice %arg4[%add3A_331, %dma_wait3A_335] : memref<2500x128xi32, #tpu.memory_space<hbm>> -> memref<1x128xi32, #tpu.memory_space<hbm>>
        %dma_wait3A_337 = tpu.memref_squeeze %dma_wait3A_336 : memref<1x128xi32, #tpu.memory_space<hbm>> -> memref<128xi32, #tpu.memory_space<hbm>>
        tpu.wait_dma2 semaphore(%arg32 : memref<!tpu.dma_semaphore, #tpu.memory_space<semaphore_mem>>) src(%dma_wait3A_337 : memref<128xi32, #tpu.memory_space<hbm>>) dst(%arg17 : memref<128xi32, #tpu.memory_space<vmem>>)
        %dma_start3A = arith.constant 0 : i32
        %dma_start3A_338 = arith.constant 0 : i32
        %dma_start3A_339 = tpu.memref_slice %arg39[%dma_start3A, %dma_start3A_338] : memref<10000x128xf32, #tpu.memory_space<vmem_shared>> -> memref<10000x128xf32, #tpu.memory_space<vmem_shared>>
        tpu.enqueue_indirect_dma source(%arg20 : memref<128x128xf32, #tpu.memory_space<vmem>>) target(%dma_start3A_339 : memref<10000x128xf32, #tpu.memory_space<vmem_shared>>) offsets(%arg17 : memref<128xi32, #tpu.memory_space<vmem>>) semaphore(%arg38 : memref<!tpu.dma_semaphore, #tpu.memory_space<semaphore_mem>>) {add = true}
      } else {
      }
      %mul3A_133 = arith.constant 6 : i32
      %mul3A_134 = arith.muli %mul3A_133, %scan3A_39 : i32
      %add3A_135 = arith.constant 2 : i32
      %add3A_136 = arith.addi %mul3A_134, %add3A_135 : i32
      %ge3A_137 = arith.constant 3 : i32
      %ge3A_138 = arith.cmpi sge, %add3A_136, %ge3A_137 : i32
      %sub3A_139 = arith.constant 3 : i32
      %sub3A_140 = arith.subi %add3A_136, %sub3A_139 : i32
      %mul3A_141 = arith.constant 32 : i32
      %mul3A_142 = arith.muli %mul3A_141, %sub3A_140 : i32
      %add3A_143 = arith.addi %add3A, %mul3A_142 : i32
      %lt3A_144 = arith.constant 2500 : i32
      %lt3A_145 = arith.cmpi slt, %add3A_143, %lt3A_144 : i32
      %and3A_146 = arith.andi %ge3A_138, %lt3A_145 : i1
      %convert_element_type3A_147 = arith.extui %and3A_146 : i1 to i32
      %cond3A_148 = arith.constant 0 : i32
      %cond3A_149 = arith.cmpi ne, %convert_element_type3A_147, %cond3A_148 : i32
      scf.if %cond3A_149 {
        %dma_wait3A = arith.constant 0 : i32
        %dma_wait3A_325 = arith.constant 0 : i32
        %dma_wait3A_326 = tpu.memref_slice %arg39[%dma_wait3A, %dma_wait3A_325] : memref<10000x128xf32, #tpu.memory_space<vmem_shared>> -> memref<10000x128xf32, #tpu.memory_space<vmem_shared>>
        tpu.wait_indirect_dma semaphore(%arg38 : memref<!tpu.dma_semaphore, #tpu.memory_space<semaphore_mem>>) src(%arg20 : memref<128x128xf32, #tpu.memory_space<vmem>>) dst(%dma_wait3A_326 : memref<10000x128xf32, #tpu.memory_space<vmem_shared>>)
      } else {
      }
      %add3A_150 = arith.constant 3 : i32
      %add3A_151 = arith.addi %add3A_136, %add3A_150 : i32
      %mul3A_152 = arith.constant 32 : i32
      %mul3A_153 = arith.muli %mul3A_152, %add3A_151 : i32
      %add3A_154 = arith.addi %add3A, %mul3A_153 : i32
      %lt3A_155 = arith.constant 2500 : i32
      %lt3A_156 = arith.cmpi slt, %add3A_154, %lt3A_155 : i32
      %convert_element_type3A_157 = arith.extui %lt3A_156 : i1 to i32
      %cond3A_158 = arith.constant 0 : i32
      %cond3A_159 = arith.cmpi ne, %convert_element_type3A_157, %cond3A_158 : i32
      scf.if %cond3A_159 {
        %add3A_325 = arith.constant 3 : i32
        %add3A_326 = arith.addi %add3A_136, %add3A_325 : i32
        %mul3A_327 = arith.constant 32 : i32
        %mul3A_328 = arith.muli %mul3A_327, %add3A_326 : i32
        %add3A_329 = arith.addi %add3A, %mul3A_328 : i32
        %dma_start3A = arith.constant 0 : i32
        %dma_start3A_330 = tpu.memref_slice %arg3[%add3A_329, %dma_start3A] : memref<2500x128xi32, #tpu.memory_space<hbm>> -> memref<1x128xi32, #tpu.memory_space<hbm>>
        %dma_start3A_331 = tpu.memref_squeeze %dma_start3A_330 : memref<1x128xi32, #tpu.memory_space<hbm>> -> memref<128xi32, #tpu.memory_space<hbm>>
        %dma_start3A_332 = arith.constant 0 : i32
        %dma_start3A_333 = tpu.memref_slice %arg3[%add3A_329, %dma_start3A_332] : memref<2500x128xi32, #tpu.memory_space<hbm>> -> memref<1x128xi32, #tpu.memory_space<hbm>>
        %dma_start3A_334 = tpu.memref_squeeze %dma_start3A_333 : memref<1x128xi32, #tpu.memory_space<hbm>> -> memref<128xi32, #tpu.memory_space<hbm>>
        tpu.enqueue_dma source(%dma_start3A_334 : memref<128xi32, #tpu.memory_space<hbm>>) target(%arg11 : memref<128xi32, #tpu.memory_space<vmem>>) target_semaphore(%arg26 : memref<!tpu.dma_semaphore, #tpu.memory_space<semaphore_mem>>)
        %add3A_335 = arith.constant 3 : i32
        %add3A_336 = arith.addi %add3A_136, %add3A_335 : i32
        %mul3A_337 = arith.constant 32 : i32
        %mul3A_338 = arith.muli %mul3A_337, %add3A_336 : i32
        %add3A_339 = arith.addi %add3A, %mul3A_338 : i32
        %dma_start3A_340 = arith.constant 0 : i32
        %dma_start3A_341 = tpu.memref_slice %arg4[%add3A_339, %dma_start3A_340] : memref<2500x128xi32, #tpu.memory_space<hbm>> -> memref<1x128xi32, #tpu.memory_space<hbm>>
        %dma_start3A_342 = tpu.memref_squeeze %dma_start3A_341 : memref<1x128xi32, #tpu.memory_space<hbm>> -> memref<128xi32, #tpu.memory_space<hbm>>
        %dma_start3A_343 = arith.constant 0 : i32
        %dma_start3A_344 = tpu.memref_slice %arg4[%add3A_339, %dma_start3A_343] : memref<2500x128xi32, #tpu.memory_space<hbm>> -> memref<1x128xi32, #tpu.memory_space<hbm>>
        %dma_start3A_345 = tpu.memref_squeeze %dma_start3A_344 : memref<1x128xi32, #tpu.memory_space<hbm>> -> memref<128xi32, #tpu.memory_space<hbm>>
        tpu.enqueue_dma source(%dma_start3A_345 : memref<128xi32, #tpu.memory_space<hbm>>) target(%arg17 : memref<128xi32, #tpu.memory_space<vmem>>) target_semaphore(%arg32 : memref<!tpu.dma_semaphore, #tpu.memory_space<semaphore_mem>>)
      } else {
      }
      %mul3A_160 = arith.constant 32 : i32
      %mul3A_161 = arith.muli %mul3A_160, %add3A_136 : i32
      %add3A_162 = arith.addi %add3A, %mul3A_161 : i32
      %lt3A_163 = arith.constant 2500 : i32
      %lt3A_164 = arith.cmpi slt, %add3A_162, %lt3A_163 : i32
      %convert_element_type3A_165 = arith.extui %lt3A_164 : i1 to i32
      %cond3A_166 = arith.constant 0 : i32
      %cond3A_167 = arith.cmpi ne, %convert_element_type3A_165, %cond3A_166 : i32
      scf.if %cond3A_167 {
        %mul3A_325 = arith.constant 32 : i32
        %mul3A_326 = arith.muli %mul3A_325, %add3A_136 : i32
        %add3A_327 = arith.addi %add3A, %mul3A_326 : i32
        %dma_wait3A = arith.constant 0 : i32
        %dma_wait3A_328 = tpu.memref_slice %arg3[%add3A_327, %dma_wait3A] : memref<2500x128xi32, #tpu.memory_space<hbm>> -> memref<1x128xi32, #tpu.memory_space<hbm>>
        %dma_wait3A_329 = tpu.memref_squeeze %dma_wait3A_328 : memref<1x128xi32, #tpu.memory_space<hbm>> -> memref<128xi32, #tpu.memory_space<hbm>>
        %dma_wait3A_330 = arith.constant 0 : i32
        %dma_wait3A_331 = tpu.memref_slice %arg3[%add3A_327, %dma_wait3A_330] : memref<2500x128xi32, #tpu.memory_space<hbm>> -> memref<1x128xi32, #tpu.memory_space<hbm>>
        %dma_wait3A_332 = tpu.memref_squeeze %dma_wait3A_331 : memref<1x128xi32, #tpu.memory_space<hbm>> -> memref<128xi32, #tpu.memory_space<hbm>>
        tpu.wait_dma2 semaphore(%arg23 : memref<!tpu.dma_semaphore, #tpu.memory_space<semaphore_mem>>) src(%dma_wait3A_332 : memref<128xi32, #tpu.memory_space<hbm>>) dst(%arg8 : memref<128xi32, #tpu.memory_space<vmem>>)
        %dma_start3A = arith.constant 0 : i32
        %dma_start3A_333 = arith.constant 0 : i32
        %dma_start3A_334 = tpu.memref_slice %arg2[%dma_start3A, %dma_start3A_333] : memref<10000x128xf32, #tpu.memory_space<hbm>> -> memref<10000x128xf32, #tpu.memory_space<hbm>>
        tpu.enqueue_indirect_dma source(%dma_start3A_334 : memref<10000x128xf32, #tpu.memory_space<hbm>>) target(%arg20 : memref<128x128xf32, #tpu.memory_space<vmem>>) offsets(%arg8 : memref<128xi32, #tpu.memory_space<vmem>>) semaphore(%arg35 : memref<!tpu.dma_semaphore, #tpu.memory_space<semaphore_mem>>)
      } else {
      }
      %ge3A_168 = arith.constant 2 : i32
      %ge3A_169 = arith.cmpi sge, %add3A_136, %ge3A_168 : i32
      %sub3A_170 = arith.constant 2 : i32
      %sub3A_171 = arith.subi %add3A_136, %sub3A_170 : i32
      %mul3A_172 = arith.constant 32 : i32
      %mul3A_173 = arith.muli %mul3A_172, %sub3A_171 : i32
      %add3A_174 = arith.addi %add3A, %mul3A_173 : i32
      %lt3A_175 = arith.constant 2500 : i32
      %lt3A_176 = arith.cmpi slt, %add3A_174, %lt3A_175 : i32
      %and3A_177 = arith.andi %ge3A_169, %lt3A_176 : i1
      %convert_element_type3A_178 = arith.extui %and3A_177 : i1 to i32
      %cond3A_179 = arith.constant 0 : i32
      %cond3A_180 = arith.cmpi ne, %convert_element_type3A_178, %cond3A_179 : i32
      scf.if %cond3A_180 {
        %dma_wait3A = arith.constant 0 : i32
        %dma_wait3A_325 = arith.constant 0 : i32
        %dma_wait3A_326 = tpu.memref_slice %arg2[%dma_wait3A, %dma_wait3A_325] : memref<10000x128xf32, #tpu.memory_space<hbm>> -> memref<10000x128xf32, #tpu.memory_space<hbm>>
        tpu.wait_indirect_dma semaphore(%arg33 : memref<!tpu.dma_semaphore, #tpu.memory_space<semaphore_mem>>) src(%dma_wait3A_326 : memref<10000x128xf32, #tpu.memory_space<hbm>>) dst(%arg18 : memref<128x128xf32, #tpu.memory_space<vmem>>)
        %sub3A_327 = arith.constant 2 : i32
        %sub3A_328 = arith.subi %add3A_136, %sub3A_327 : i32
        %mul3A_329 = arith.constant 32 : i32
        %mul3A_330 = arith.muli %mul3A_329, %sub3A_328 : i32
        %add3A_331 = arith.addi %add3A, %mul3A_330 : i32
        %dma_wait3A_332 = arith.constant 0 : i32
        %dma_wait3A_333 = tpu.memref_slice %arg4[%add3A_331, %dma_wait3A_332] : memref<2500x128xi32, #tpu.memory_space<hbm>> -> memref<1x128xi32, #tpu.memory_space<hbm>>
        %dma_wait3A_334 = tpu.memref_squeeze %dma_wait3A_333 : memref<1x128xi32, #tpu.memory_space<hbm>> -> memref<128xi32, #tpu.memory_space<hbm>>
        %dma_wait3A_335 = arith.constant 0 : i32
        %dma_wait3A_336 = tpu.memref_slice %arg4[%add3A_331, %dma_wait3A_335] : memref<2500x128xi32, #tpu.memory_space<hbm>> -> memref<1x128xi32, #tpu.memory_space<hbm>>
        %dma_wait3A_337 = tpu.memref_squeeze %dma_wait3A_336 : memref<1x128xi32, #tpu.memory_space<hbm>> -> memref<128xi32, #tpu.memory_space<hbm>>
        tpu.wait_dma2 semaphore(%arg27 : memref<!tpu.dma_semaphore, #tpu.memory_space<semaphore_mem>>) src(%dma_wait3A_337 : memref<128xi32, #tpu.memory_space<hbm>>) dst(%arg12 : memref<128xi32, #tpu.memory_space<vmem>>)
        %dma_start3A = arith.constant 0 : i32
        %dma_start3A_338 = arith.constant 0 : i32
        %dma_start3A_339 = tpu.memref_slice %arg39[%dma_start3A, %dma_start3A_338] : memref<10000x128xf32, #tpu.memory_space<vmem_shared>> -> memref<10000x128xf32, #tpu.memory_space<vmem_shared>>
        tpu.enqueue_indirect_dma source(%arg18 : memref<128x128xf32, #tpu.memory_space<vmem>>) target(%dma_start3A_339 : memref<10000x128xf32, #tpu.memory_space<vmem_shared>>) offsets(%arg12 : memref<128xi32, #tpu.memory_space<vmem>>) semaphore(%arg36 : memref<!tpu.dma_semaphore, #tpu.memory_space<semaphore_mem>>) {add = true}
      } else {
      }
      %mul3A_181 = arith.constant 6 : i32
      %mul3A_182 = arith.muli %mul3A_181, %scan3A_39 : i32
      %add3A_183 = arith.constant 3 : i32
      %add3A_184 = arith.addi %mul3A_182, %add3A_183 : i32
      %ge3A_185 = arith.constant 3 : i32
      %ge3A_186 = arith.cmpi sge, %add3A_184, %ge3A_185 : i32
      %sub3A_187 = arith.constant 3 : i32
      %sub3A_188 = arith.subi %add3A_184, %sub3A_187 : i32
      %mul3A_189 = arith.constant 32 : i32
      %mul3A_190 = arith.muli %mul3A_189, %sub3A_188 : i32
      %add3A_191 = arith.addi %add3A, %mul3A_190 : i32
      %lt3A_192 = arith.constant 2500 : i32
      %lt3A_193 = arith.cmpi slt, %add3A_191, %lt3A_192 : i32
      %and3A_194 = arith.andi %ge3A_186, %lt3A_193 : i1
      %convert_element_type3A_195 = arith.extui %and3A_194 : i1 to i32
      %cond3A_196 = arith.constant 0 : i32
      %cond3A_197 = arith.cmpi ne, %convert_element_type3A_195, %cond3A_196 : i32
      scf.if %cond3A_197 {
        %dma_wait3A = arith.constant 0 : i32
        %dma_wait3A_325 = arith.constant 0 : i32
        %dma_wait3A_326 = tpu.memref_slice %arg39[%dma_wait3A, %dma_wait3A_325] : memref<10000x128xf32, #tpu.memory_space<vmem_shared>> -> memref<10000x128xf32, #tpu.memory_space<vmem_shared>>
        tpu.wait_indirect_dma semaphore(%arg36 : memref<!tpu.dma_semaphore, #tpu.memory_space<semaphore_mem>>) src(%arg18 : memref<128x128xf32, #tpu.memory_space<vmem>>) dst(%dma_wait3A_326 : memref<10000x128xf32, #tpu.memory_space<vmem_shared>>)
      } else {
      }
      %add3A_198 = arith.constant 3 : i32
      %add3A_199 = arith.addi %add3A_184, %add3A_198 : i32
      %mul3A_200 = arith.constant 32 : i32
      %mul3A_201 = arith.muli %mul3A_200, %add3A_199 : i32
      %add3A_202 = arith.addi %add3A, %mul3A_201 : i32
      %lt3A_203 = arith.constant 2500 : i32
      %lt3A_204 = arith.cmpi slt, %add3A_202, %lt3A_203 : i32
      %convert_element_type3A_205 = arith.extui %lt3A_204 : i1 to i32
      %cond3A_206 = arith.constant 0 : i32
      %cond3A_207 = arith.cmpi ne, %convert_element_type3A_205, %cond3A_206 : i32
      scf.if %cond3A_207 {
        %add3A_325 = arith.constant 3 : i32
        %add3A_326 = arith.addi %add3A_184, %add3A_325 : i32
        %mul3A_327 = arith.constant 32 : i32
        %mul3A_328 = arith.muli %mul3A_327, %add3A_326 : i32
        %add3A_329 = arith.addi %add3A, %mul3A_328 : i32
        %dma_start3A = arith.constant 0 : i32
        %dma_start3A_330 = tpu.memref_slice %arg3[%add3A_329, %dma_start3A] : memref<2500x128xi32, #tpu.memory_space<hbm>> -> memref<1x128xi32, #tpu.memory_space<hbm>>
        %dma_start3A_331 = tpu.memref_squeeze %dma_start3A_330 : memref<1x128xi32, #tpu.memory_space<hbm>> -> memref<128xi32, #tpu.memory_space<hbm>>
        %dma_start3A_332 = arith.constant 0 : i32
        %dma_start3A_333 = tpu.memref_slice %arg3[%add3A_329, %dma_start3A_332] : memref<2500x128xi32, #tpu.memory_space<hbm>> -> memref<1x128xi32, #tpu.memory_space<hbm>>
        %dma_start3A_334 = tpu.memref_squeeze %dma_start3A_333 : memref<1x128xi32, #tpu.memory_space<hbm>> -> memref<128xi32, #tpu.memory_space<hbm>>
        tpu.enqueue_dma source(%dma_start3A_334 : memref<128xi32, #tpu.memory_space<hbm>>) target(%arg6 : memref<128xi32, #tpu.memory_space<vmem>>) target_semaphore(%arg21 : memref<!tpu.dma_semaphore, #tpu.memory_space<semaphore_mem>>)
        %add3A_335 = arith.constant 3 : i32
        %add3A_336 = arith.addi %add3A_184, %add3A_335 : i32
        %mul3A_337 = arith.constant 32 : i32
        %mul3A_338 = arith.muli %mul3A_337, %add3A_336 : i32
        %add3A_339 = arith.addi %add3A, %mul3A_338 : i32
        %dma_start3A_340 = arith.constant 0 : i32
        %dma_start3A_341 = tpu.memref_slice %arg4[%add3A_339, %dma_start3A_340] : memref<2500x128xi32, #tpu.memory_space<hbm>> -> memref<1x128xi32, #tpu.memory_space<hbm>>
        %dma_start3A_342 = tpu.memref_squeeze %dma_start3A_341 : memref<1x128xi32, #tpu.memory_space<hbm>> -> memref<128xi32, #tpu.memory_space<hbm>>
        %dma_start3A_343 = arith.constant 0 : i32
        %dma_start3A_344 = tpu.memref_slice %arg4[%add3A_339, %dma_start3A_343] : memref<2500x128xi32, #tpu.memory_space<hbm>> -> memref<1x128xi32, #tpu.memory_space<hbm>>
        %dma_start3A_345 = tpu.memref_squeeze %dma_start3A_344 : memref<1x128xi32, #tpu.memory_space<hbm>> -> memref<128xi32, #tpu.memory_space<hbm>>
        tpu.enqueue_dma source(%dma_start3A_345 : memref<128xi32, #tpu.memory_space<hbm>>) target(%arg12 : memref<128xi32, #tpu.memory_space<vmem>>) target_semaphore(%arg27 : memref<!tpu.dma_semaphore, #tpu.memory_space<semaphore_mem>>)
      } else {
      }
      %mul3A_208 = arith.constant 32 : i32
      %mul3A_209 = arith.muli %mul3A_208, %add3A_184 : i32
      %add3A_210 = arith.addi %add3A, %mul3A_209 : i32
      %lt3A_211 = arith.constant 2500 : i32
      %lt3A_212 = arith.cmpi slt, %add3A_210, %lt3A_211 : i32
      %convert_element_type3A_213 = arith.extui %lt3A_212 : i1 to i32
      %cond3A_214 = arith.constant 0 : i32
      %cond3A_215 = arith.cmpi ne, %convert_element_type3A_213, %cond3A_214 : i32
      scf.if %cond3A_215 {
        %mul3A_325 = arith.constant 32 : i32
        %mul3A_326 = arith.muli %mul3A_325, %add3A_184 : i32
        %add3A_327 = arith.addi %add3A, %mul3A_326 : i32
        %dma_wait3A = arith.constant 0 : i32
        %dma_wait3A_328 = tpu.memref_slice %arg3[%add3A_327, %dma_wait3A] : memref<2500x128xi32, #tpu.memory_space<hbm>> -> memref<1x128xi32, #tpu.memory_space<hbm>>
        %dma_wait3A_329 = tpu.memref_squeeze %dma_wait3A_328 : memref<1x128xi32, #tpu.memory_space<hbm>> -> memref<128xi32, #tpu.memory_space<hbm>>
        %dma_wait3A_330 = arith.constant 0 : i32
        %dma_wait3A_331 = tpu.memref_slice %arg3[%add3A_327, %dma_wait3A_330] : memref<2500x128xi32, #tpu.memory_space<hbm>> -> memref<1x128xi32, #tpu.memory_space<hbm>>
        %dma_wait3A_332 = tpu.memref_squeeze %dma_wait3A_331 : memref<1x128xi32, #tpu.memory_space<hbm>> -> memref<128xi32, #tpu.memory_space<hbm>>
        tpu.wait_dma2 semaphore(%arg24 : memref<!tpu.dma_semaphore, #tpu.memory_space<semaphore_mem>>) src(%dma_wait3A_332 : memref<128xi32, #tpu.memory_space<hbm>>) dst(%arg9 : memref<128xi32, #tpu.memory_space<vmem>>)
        %dma_start3A = arith.constant 0 : i32
        %dma_start3A_333 = arith.constant 0 : i32
        %dma_start3A_334 = tpu.memref_slice %arg2[%dma_start3A, %dma_start3A_333] : memref<10000x128xf32, #tpu.memory_space<hbm>> -> memref<10000x128xf32, #tpu.memory_space<hbm>>
        tpu.enqueue_indirect_dma source(%dma_start3A_334 : memref<10000x128xf32, #tpu.memory_space<hbm>>) target(%arg18 : memref<128x128xf32, #tpu.memory_space<vmem>>) offsets(%arg9 : memref<128xi32, #tpu.memory_space<vmem>>) semaphore(%arg33 : memref<!tpu.dma_semaphore, #tpu.memory_space<semaphore_mem>>)
      } else {
      }
      %ge3A_216 = arith.constant 2 : i32
      %ge3A_217 = arith.cmpi sge, %add3A_184, %ge3A_216 : i32
      %sub3A_218 = arith.constant 2 : i32
      %sub3A_219 = arith.subi %add3A_184, %sub3A_218 : i32
      %mul3A_220 = arith.constant 32 : i32
      %mul3A_221 = arith.muli %mul3A_220, %sub3A_219 : i32
      %add3A_222 = arith.addi %add3A, %mul3A_221 : i32
      %lt3A_223 = arith.constant 2500 : i32
      %lt3A_224 = arith.cmpi slt, %add3A_222, %lt3A_223 : i32
      %and3A_225 = arith.andi %ge3A_217, %lt3A_224 : i1
      %convert_element_type3A_226 = arith.extui %and3A_225 : i1 to i32
      %cond3A_227 = arith.constant 0 : i32
      %cond3A_228 = arith.cmpi ne, %convert_element_type3A_226, %cond3A_227 : i32
      scf.if %cond3A_228 {
        %dma_wait3A = arith.constant 0 : i32
        %dma_wait3A_325 = arith.constant 0 : i32
        %dma_wait3A_326 = tpu.memref_slice %arg2[%dma_wait3A, %dma_wait3A_325] : memref<10000x128xf32, #tpu.memory_space<hbm>> -> memref<10000x128xf32, #tpu.memory_space<hbm>>
        tpu.wait_indirect_dma semaphore(%arg34 : memref<!tpu.dma_semaphore, #tpu.memory_space<semaphore_mem>>) src(%dma_wait3A_326 : memref<10000x128xf32, #tpu.memory_space<hbm>>) dst(%arg19 : memref<128x128xf32, #tpu.memory_space<vmem>>)
        %sub3A_327 = arith.constant 2 : i32
        %sub3A_328 = arith.subi %add3A_184, %sub3A_327 : i32
        %mul3A_329 = arith.constant 32 : i32
        %mul3A_330 = arith.muli %mul3A_329, %sub3A_328 : i32
        %add3A_331 = arith.addi %add3A, %mul3A_330 : i32
        %dma_wait3A_332 = arith.constant 0 : i32
        %dma_wait3A_333 = tpu.memref_slice %arg4[%add3A_331, %dma_wait3A_332] : memref<2500x128xi32, #tpu.memory_space<hbm>> -> memref<1x128xi32, #tpu.memory_space<hbm>>
        %dma_wait3A_334 = tpu.memref_squeeze %dma_wait3A_333 : memref<1x128xi32, #tpu.memory_space<hbm>> -> memref<128xi32, #tpu.memory_space<hbm>>
        %dma_wait3A_335 = arith.constant 0 : i32
        %dma_wait3A_336 = tpu.memref_slice %arg4[%add3A_331, %dma_wait3A_335] : memref<2500x128xi32, #tpu.memory_space<hbm>> -> memref<1x128xi32, #tpu.memory_space<hbm>>
        %dma_wait3A_337 = tpu.memref_squeeze %dma_wait3A_336 : memref<1x128xi32, #tpu.memory_space<hbm>> -> memref<128xi32, #tpu.memory_space<hbm>>
        tpu.wait_dma2 semaphore(%arg28 : memref<!tpu.dma_semaphore, #tpu.memory_space<semaphore_mem>>) src(%dma_wait3A_337 : memref<128xi32, #tpu.memory_space<hbm>>) dst(%arg13 : memref<128xi32, #tpu.memory_space<vmem>>)
        %dma_start3A = arith.constant 0 : i32
        %dma_start3A_338 = arith.constant 0 : i32
        %dma_start3A_339 = tpu.memref_slice %arg39[%dma_start3A, %dma_start3A_338] : memref<10000x128xf32, #tpu.memory_space<vmem_shared>> -> memref<10000x128xf32, #tpu.memory_space<vmem_shared>>
        tpu.enqueue_indirect_dma source(%arg19 : memref<128x128xf32, #tpu.memory_space<vmem>>) target(%dma_start3A_339 : memref<10000x128xf32, #tpu.memory_space<vmem_shared>>) offsets(%arg13 : memref<128xi32, #tpu.memory_space<vmem>>) semaphore(%arg37 : memref<!tpu.dma_semaphore, #tpu.memory_space<semaphore_mem>>) {add = true}
      } else {
      }
      %mul3A_229 = arith.constant 6 : i32
      %mul3A_230 = arith.muli %mul3A_229, %scan3A_39 : i32
      %add3A_231 = arith.constant 4 : i32
      %add3A_232 = arith.addi %mul3A_230, %add3A_231 : i32
      %ge3A_233 = arith.constant 3 : i32
      %ge3A_234 = arith.cmpi sge, %add3A_232, %ge3A_233 : i32
      %sub3A_235 = arith.constant 3 : i32
      %sub3A_236 = arith.subi %add3A_232, %sub3A_235 : i32
      %mul3A_237 = arith.constant 32 : i32
      %mul3A_238 = arith.muli %mul3A_237, %sub3A_236 : i32
      %add3A_239 = arith.addi %add3A, %mul3A_238 : i32
      %lt3A_240 = arith.constant 2500 : i32
      %lt3A_241 = arith.cmpi slt, %add3A_239, %lt3A_240 : i32
      %and3A_242 = arith.andi %ge3A_234, %lt3A_241 : i1
      %convert_element_type3A_243 = arith.extui %and3A_242 : i1 to i32
      %cond3A_244 = arith.constant 0 : i32
      %cond3A_245 = arith.cmpi ne, %convert_element_type3A_243, %cond3A_244 : i32
      scf.if %cond3A_245 {
        %dma_wait3A = arith.constant 0 : i32
        %dma_wait3A_325 = arith.constant 0 : i32
        %dma_wait3A_326 = tpu.memref_slice %arg39[%dma_wait3A, %dma_wait3A_325] : memref<10000x128xf32, #tpu.memory_space<vmem_shared>> -> memref<10000x128xf32, #tpu.memory_space<vmem_shared>>
        tpu.wait_indirect_dma semaphore(%arg37 : memref<!tpu.dma_semaphore, #tpu.memory_space<semaphore_mem>>) src(%arg19 : memref<128x128xf32, #tpu.memory_space<vmem>>) dst(%dma_wait3A_326 : memref<10000x128xf32, #tpu.memory_space<vmem_shared>>)
      } else {
      }
      %add3A_246 = arith.constant 3 : i32
      %add3A_247 = arith.addi %add3A_232, %add3A_246 : i32
      %mul3A_248 = arith.constant 32 : i32
      %mul3A_249 = arith.muli %mul3A_248, %add3A_247 : i32
      %add3A_250 = arith.addi %add3A, %mul3A_249 : i32
      %lt3A_251 = arith.constant 2500 : i32
      %lt3A_252 = arith.cmpi slt, %add3A_250, %lt3A_251 : i32
      %convert_element_type3A_253 = arith.extui %lt3A_252 : i1 to i32
      %cond3A_254 = arith.constant 0 : i32
      %cond3A_255 = arith.cmpi ne, %convert_element_type3A_253, %cond3A_254 : i32
      scf.if %cond3A_255 {
        %add3A_325 = arith.constant 3 : i32
        %add3A_326 = arith.addi %add3A_232, %add3A_325 : i32
        %mul3A_327 = arith.constant 32 : i32
        %mul3A_328 = arith.muli %mul3A_327, %add3A_326 : i32
        %add3A_329 = arith.addi %add3A, %mul3A_328 : i32
        %dma_start3A = arith.constant 0 : i32
        %dma_start3A_330 = tpu.memref_slice %arg3[%add3A_329, %dma_start3A] : memref<2500x128xi32, #tpu.memory_space<hbm>> -> memref<1x128xi32, #tpu.memory_space<hbm>>
        %dma_start3A_331 = tpu.memref_squeeze %dma_start3A_330 : memref<1x128xi32, #tpu.memory_space<hbm>> -> memref<128xi32, #tpu.memory_space<hbm>>
        %dma_start3A_332 = arith.constant 0 : i32
        %dma_start3A_333 = tpu.memref_slice %arg3[%add3A_329, %dma_start3A_332] : memref<2500x128xi32, #tpu.memory_space<hbm>> -> memref<1x128xi32, #tpu.memory_space<hbm>>
        %dma_start3A_334 = tpu.memref_squeeze %dma_start3A_333 : memref<1x128xi32, #tpu.memory_space<hbm>> -> memref<128xi32, #tpu.memory_space<hbm>>
        tpu.enqueue_dma source(%dma_start3A_334 : memref<128xi32, #tpu.memory_space<hbm>>) target(%arg7 : memref<128xi32, #tpu.memory_space<vmem>>) target_semaphore(%arg22 : memref<!tpu.dma_semaphore, #tpu.memory_space<semaphore_mem>>)
        %add3A_335 = arith.constant 3 : i32
        %add3A_336 = arith.addi %add3A_232, %add3A_335 : i32
        %mul3A_337 = arith.constant 32 : i32
        %mul3A_338 = arith.muli %mul3A_337, %add3A_336 : i32
        %add3A_339 = arith.addi %add3A, %mul3A_338 : i32
        %dma_start3A_340 = arith.constant 0 : i32
        %dma_start3A_341 = tpu.memref_slice %arg4[%add3A_339, %dma_start3A_340] : memref<2500x128xi32, #tpu.memory_space<hbm>> -> memref<1x128xi32, #tpu.memory_space<hbm>>
        %dma_start3A_342 = tpu.memref_squeeze %dma_start3A_341 : memref<1x128xi32, #tpu.memory_space<hbm>> -> memref<128xi32, #tpu.memory_space<hbm>>
        %dma_start3A_343 = arith.constant 0 : i32
        %dma_start3A_344 = tpu.memref_slice %arg4[%add3A_339, %dma_start3A_343] : memref<2500x128xi32, #tpu.memory_space<hbm>> -> memref<1x128xi32, #tpu.memory_space<hbm>>
        %dma_start3A_345 = tpu.memref_squeeze %dma_start3A_344 : memref<1x128xi32, #tpu.memory_space<hbm>> -> memref<128xi32, #tpu.memory_space<hbm>>
        tpu.enqueue_dma source(%dma_start3A_345 : memref<128xi32, #tpu.memory_space<hbm>>) target(%arg13 : memref<128xi32, #tpu.memory_space<vmem>>) target_semaphore(%arg28 : memref<!tpu.dma_semaphore, #tpu.memory_space<semaphore_mem>>)
      } else {
      }
      %mul3A_256 = arith.constant 32 : i32
      %mul3A_257 = arith.muli %mul3A_256, %add3A_232 : i32
      %add3A_258 = arith.addi %add3A, %mul3A_257 : i32
      %lt3A_259 = arith.constant 2500 : i32
      %lt3A_260 = arith.cmpi slt, %add3A_258, %lt3A_259 : i32
      %convert_element_type3A_261 = arith.extui %lt3A_260 : i1 to i32
      %cond3A_262 = arith.constant 0 : i32
      %cond3A_263 = arith.cmpi ne, %convert_element_type3A_261, %cond3A_262 : i32
      scf.if %cond3A_263 {
        %mul3A_325 = arith.constant 32 : i32
        %mul3A_326 = arith.muli %mul3A_325, %add3A_232 : i32
        %add3A_327 = arith.addi %add3A, %mul3A_326 : i32
        %dma_wait3A = arith.constant 0 : i32
        %dma_wait3A_328 = tpu.memref_slice %arg3[%add3A_327, %dma_wait3A] : memref<2500x128xi32, #tpu.memory_space<hbm>> -> memref<1x128xi32, #tpu.memory_space<hbm>>
        %dma_wait3A_329 = tpu.memref_squeeze %dma_wait3A_328 : memref<1x128xi32, #tpu.memory_space<hbm>> -> memref<128xi32, #tpu.memory_space<hbm>>
        %dma_wait3A_330 = arith.constant 0 : i32
        %dma_wait3A_331 = tpu.memref_slice %arg3[%add3A_327, %dma_wait3A_330] : memref<2500x128xi32, #tpu.memory_space<hbm>> -> memref<1x128xi32, #tpu.memory_space<hbm>>
        %dma_wait3A_332 = tpu.memref_squeeze %dma_wait3A_331 : memref<1x128xi32, #tpu.memory_space<hbm>> -> memref<128xi32, #tpu.memory_space<hbm>>
        tpu.wait_dma2 semaphore(%arg25 : memref<!tpu.dma_semaphore, #tpu.memory_space<semaphore_mem>>) src(%dma_wait3A_332 : memref<128xi32, #tpu.memory_space<hbm>>) dst(%arg10 : memref<128xi32, #tpu.memory_space<vmem>>)
        %dma_start3A = arith.constant 0 : i32
        %dma_start3A_333 = arith.constant 0 : i32
        %dma_start3A_334 = tpu.memref_slice %arg2[%dma_start3A, %dma_start3A_333] : memref<10000x128xf32, #tpu.memory_space<hbm>> -> memref<10000x128xf32, #tpu.memory_space<hbm>>
        tpu.enqueue_indirect_dma source(%dma_start3A_334 : memref<10000x128xf32, #tpu.memory_space<hbm>>) target(%arg19 : memref<128x128xf32, #tpu.memory_space<vmem>>) offsets(%arg10 : memref<128xi32, #tpu.memory_space<vmem>>) semaphore(%arg34 : memref<!tpu.dma_semaphore, #tpu.memory_space<semaphore_mem>>)
      } else {
      }
      %ge3A_264 = arith.constant 2 : i32
      %ge3A_265 = arith.cmpi sge, %add3A_232, %ge3A_264 : i32
      %sub3A_266 = arith.constant 2 : i32
      %sub3A_267 = arith.subi %add3A_232, %sub3A_266 : i32
      %mul3A_268 = arith.constant 32 : i32
      %mul3A_269 = arith.muli %mul3A_268, %sub3A_267 : i32
      %add3A_270 = arith.addi %add3A, %mul3A_269 : i32
      %lt3A_271 = arith.constant 2500 : i32
      %lt3A_272 = arith.cmpi slt, %add3A_270, %lt3A_271 : i32
      %and3A_273 = arith.andi %ge3A_265, %lt3A_272 : i1
      %convert_element_type3A_274 = arith.extui %and3A_273 : i1 to i32
      %cond3A_275 = arith.constant 0 : i32
      %cond3A_276 = arith.cmpi ne, %convert_element_type3A_274, %cond3A_275 : i32
      scf.if %cond3A_276 {
        %dma_wait3A = arith.constant 0 : i32
        %dma_wait3A_325 = arith.constant 0 : i32
        %dma_wait3A_326 = tpu.memref_slice %arg2[%dma_wait3A, %dma_wait3A_325] : memref<10000x128xf32, #tpu.memory_space<hbm>> -> memref<10000x128xf32, #tpu.memory_space<hbm>>
        tpu.wait_indirect_dma semaphore(%arg35 : memref<!tpu.dma_semaphore, #tpu.memory_space<semaphore_mem>>) src(%dma_wait3A_326 : memref<10000x128xf32, #tpu.memory_space<hbm>>) dst(%arg20 : memref<128x128xf32, #tpu.memory_space<vmem>>)
        %sub3A_327 = arith.constant 2 : i32
        %sub3A_328 = arith.subi %add3A_232, %sub3A_327 : i32
        %mul3A_329 = arith.constant 32 : i32
        %mul3A_330 = arith.muli %mul3A_329, %sub3A_328 : i32
        %add3A_331 = arith.addi %add3A, %mul3A_330 : i32
        %dma_wait3A_332 = arith.constant 0 : i32
        %dma_wait3A_333 = tpu.memref_slice %arg4[%add3A_331, %dma_wait3A_332] : memref<2500x128xi32, #tpu.memory_space<hbm>> -> memref<1x128xi32, #tpu.memory_space<hbm>>
        %dma_wait3A_334 = tpu.memref_squeeze %dma_wait3A_333 : memref<1x128xi32, #tpu.memory_space<hbm>> -> memref<128xi32, #tpu.memory_space<hbm>>
        %dma_wait3A_335 = arith.constant 0 : i32
        %dma_wait3A_336 = tpu.memref_slice %arg4[%add3A_331, %dma_wait3A_335] : memref<2500x128xi32, #tpu.memory_space<hbm>> -> memref<1x128xi32, #tpu.memory_space<hbm>>
        %dma_wait3A_337 = tpu.memref_squeeze %dma_wait3A_336 : memref<1x128xi32, #tpu.memory_space<hbm>> -> memref<128xi32, #tpu.memory_space<hbm>>
        tpu.wait_dma2 semaphore(%arg29 : memref<!tpu.dma_semaphore, #tpu.memory_space<semaphore_mem>>) src(%dma_wait3A_337 : memref<128xi32, #tpu.memory_space<hbm>>) dst(%arg14 : memref<128xi32, #tpu.memory_space<vmem>>)
        %dma_start3A = arith.constant 0 : i32
        %dma_start3A_338 = arith.constant 0 : i32
        %dma_start3A_339 = tpu.memref_slice %arg39[%dma_start3A, %dma_start3A_338] : memref<10000x128xf32, #tpu.memory_space<vmem_shared>> -> memref<10000x128xf32, #tpu.memory_space<vmem_shared>>
        tpu.enqueue_indirect_dma source(%arg20 : memref<128x128xf32, #tpu.memory_space<vmem>>) target(%dma_start3A_339 : memref<10000x128xf32, #tpu.memory_space<vmem_shared>>) offsets(%arg14 : memref<128xi32, #tpu.memory_space<vmem>>) semaphore(%arg38 : memref<!tpu.dma_semaphore, #tpu.memory_space<semaphore_mem>>) {add = true}
      } else {
      }
      %mul3A_277 = arith.constant 6 : i32
      %mul3A_278 = arith.muli %mul3A_277, %scan3A_39 : i32
      %add3A_279 = arith.constant 5 : i32
      %add3A_280 = arith.addi %mul3A_278, %add3A_279 : i32
      %ge3A_281 = arith.constant 3 : i32
      %ge3A_282 = arith.cmpi sge, %add3A_280, %ge3A_281 : i32
      %sub3A_283 = arith.constant 3 : i32
      %sub3A_284 = arith.subi %add3A_280, %sub3A_283 : i32
      %mul3A_285 = arith.constant 32 : i32
      %mul3A_286 = arith.muli %mul3A_285, %sub3A_284 : i32
      %add3A_287 = arith.addi %add3A, %mul3A_286 : i32
      %lt3A_288 = arith.constant 2500 : i32
      %lt3A_289 = arith.cmpi slt, %add3A_287, %lt3A_288 : i32
      %and3A_290 = arith.andi %ge3A_282, %lt3A_289 : i1
      %convert_element_type3A_291 = arith.extui %and3A_290 : i1 to i32
      %cond3A_292 = arith.constant 0 : i32
      %cond3A_293 = arith.cmpi ne, %convert_element_type3A_291, %cond3A_292 : i32
      scf.if %cond3A_293 {
        %dma_wait3A = arith.constant 0 : i32
        %dma_wait3A_325 = arith.constant 0 : i32
        %dma_wait3A_326 = tpu.memref_slice %arg39[%dma_wait3A, %dma_wait3A_325] : memref<10000x128xf32, #tpu.memory_space<vmem_shared>> -> memref<10000x128xf32, #tpu.memory_space<vmem_shared>>
        tpu.wait_indirect_dma semaphore(%arg38 : memref<!tpu.dma_semaphore, #tpu.memory_space<semaphore_mem>>) src(%arg20 : memref<128x128xf32, #tpu.memory_space<vmem>>) dst(%dma_wait3A_326 : memref<10000x128xf32, #tpu.memory_space<vmem_shared>>)
      } else {
      }
      %add3A_294 = arith.constant 3 : i32
      %add3A_295 = arith.addi %add3A_280, %add3A_294 : i32
      %mul3A_296 = arith.constant 32 : i32
      %mul3A_297 = arith.muli %mul3A_296, %add3A_295 : i32
      %add3A_298 = arith.addi %add3A, %mul3A_297 : i32
      %lt3A_299 = arith.constant 2500 : i32
      %lt3A_300 = arith.cmpi slt, %add3A_298, %lt3A_299 : i32
      %convert_element_type3A_301 = arith.extui %lt3A_300 : i1 to i32
      %cond3A_302 = arith.constant 0 : i32
      %cond3A_303 = arith.cmpi ne, %convert_element_type3A_301, %cond3A_302 : i32
      scf.if %cond3A_303 {
        %add3A_325 = arith.constant 3 : i32
        %add3A_326 = arith.addi %add3A_280, %add3A_325 : i32
        %mul3A_327 = arith.constant 32 : i32
        %mul3A_328 = arith.muli %mul3A_327, %add3A_326 : i32
        %add3A_329 = arith.addi %add3A, %mul3A_328 : i32
        %dma_start3A = arith.constant 0 : i32
        %dma_start3A_330 = tpu.memref_slice %arg3[%add3A_329, %dma_start3A] : memref<2500x128xi32, #tpu.memory_space<hbm>> -> memref<1x128xi32, #tpu.memory_space<hbm>>
        %dma_start3A_331 = tpu.memref_squeeze %dma_start3A_330 : memref<1x128xi32, #tpu.memory_space<hbm>> -> memref<128xi32, #tpu.memory_space<hbm>>
        %dma_start3A_332 = arith.constant 0 : i32
        %dma_start3A_333 = tpu.memref_slice %arg3[%add3A_329, %dma_start3A_332] : memref<2500x128xi32, #tpu.memory_space<hbm>> -> memref<1x128xi32, #tpu.memory_space<hbm>>
        %dma_start3A_334 = tpu.memref_squeeze %dma_start3A_333 : memref<1x128xi32, #tpu.memory_space<hbm>> -> memref<128xi32, #tpu.memory_space<hbm>>
        tpu.enqueue_dma source(%dma_start3A_334 : memref<128xi32, #tpu.memory_space<hbm>>) target(%arg8 : memref<128xi32, #tpu.memory_space<vmem>>) target_semaphore(%arg23 : memref<!tpu.dma_semaphore, #tpu.memory_space<semaphore_mem>>)
        %add3A_335 = arith.constant 3 : i32
        %add3A_336 = arith.addi %add3A_280, %add3A_335 : i32
        %mul3A_337 = arith.constant 32 : i32
        %mul3A_338 = arith.muli %mul3A_337, %add3A_336 : i32
        %add3A_339 = arith.addi %add3A, %mul3A_338 : i32
        %dma_start3A_340 = arith.constant 0 : i32
        %dma_start3A_341 = tpu.memref_slice %arg4[%add3A_339, %dma_start3A_340] : memref<2500x128xi32, #tpu.memory_space<hbm>> -> memref<1x128xi32, #tpu.memory_space<hbm>>
        %dma_start3A_342 = tpu.memref_squeeze %dma_start3A_341 : memref<1x128xi32, #tpu.memory_space<hbm>> -> memref<128xi32, #tpu.memory_space<hbm>>
        %dma_start3A_343 = arith.constant 0 : i32
        %dma_start3A_344 = tpu.memref_slice %arg4[%add3A_339, %dma_start3A_343] : memref<2500x128xi32, #tpu.memory_space<hbm>> -> memref<1x128xi32, #tpu.memory_space<hbm>>
        %dma_start3A_345 = tpu.memref_squeeze %dma_start3A_344 : memref<1x128xi32, #tpu.memory_space<hbm>> -> memref<128xi32, #tpu.memory_space<hbm>>
        tpu.enqueue_dma source(%dma_start3A_345 : memref<128xi32, #tpu.memory_space<hbm>>) target(%arg14 : memref<128xi32, #tpu.memory_space<vmem>>) target_semaphore(%arg29 : memref<!tpu.dma_semaphore, #tpu.memory_space<semaphore_mem>>)
      } else {
      }
      %mul3A_304 = arith.constant 32 : i32
      %mul3A_305 = arith.muli %mul3A_304, %add3A_280 : i32
      %add3A_306 = arith.addi %add3A, %mul3A_305 : i32
      %lt3A_307 = arith.constant 2500 : i32
      %lt3A_308 = arith.cmpi slt, %add3A_306, %lt3A_307 : i32
      %convert_element_type3A_309 = arith.extui %lt3A_308 : i1 to i32
      %cond3A_310 = arith.constant 0 : i32
      %cond3A_311 = arith.cmpi ne, %convert_element_type3A_309, %cond3A_310 : i32
      scf.if %cond3A_311 {
        %mul3A_325 = arith.constant 32 : i32
        %mul3A_326 = arith.muli %mul3A_325, %add3A_280 : i32
        %add3A_327 = arith.addi %add3A, %mul3A_326 : i32
        %dma_wait3A = arith.constant 0 : i32
        %dma_wait3A_328 = tpu.memref_slice %arg3[%add3A_327, %dma_wait3A] : memref<2500x128xi32, #tpu.memory_space<hbm>> -> memref<1x128xi32, #tpu.memory_space<hbm>>
        %dma_wait3A_329 = tpu.memref_squeeze %dma_wait3A_328 : memref<1x128xi32, #tpu.memory_space<hbm>> -> memref<128xi32, #tpu.memory_space<hbm>>
        %dma_wait3A_330 = arith.constant 0 : i32
        %dma_wait3A_331 = tpu.memref_slice %arg3[%add3A_327, %dma_wait3A_330] : memref<2500x128xi32, #tpu.memory_space<hbm>> -> memref<1x128xi32, #tpu.memory_space<hbm>>
        %dma_wait3A_332 = tpu.memref_squeeze %dma_wait3A_331 : memref<1x128xi32, #tpu.memory_space<hbm>> -> memref<128xi32, #tpu.memory_space<hbm>>
        tpu.wait_dma2 semaphore(%arg26 : memref<!tpu.dma_semaphore, #tpu.memory_space<semaphore_mem>>) src(%dma_wait3A_332 : memref<128xi32, #tpu.memory_space<hbm>>) dst(%arg11 : memref<128xi32, #tpu.memory_space<vmem>>)
        %dma_start3A = arith.constant 0 : i32
        %dma_start3A_333 = arith.constant 0 : i32
        %dma_start3A_334 = tpu.memref_slice %arg2[%dma_start3A, %dma_start3A_333] : memref<10000x128xf32, #tpu.memory_space<hbm>> -> memref<10000x128xf32, #tpu.memory_space<hbm>>
        tpu.enqueue_indirect_dma source(%dma_start3A_334 : memref<10000x128xf32, #tpu.memory_space<hbm>>) target(%arg20 : memref<128x128xf32, #tpu.memory_space<vmem>>) offsets(%arg11 : memref<128xi32, #tpu.memory_space<vmem>>) semaphore(%arg35 : memref<!tpu.dma_semaphore, #tpu.memory_space<semaphore_mem>>)
      } else {
      }
      %ge3A_312 = arith.constant 2 : i32
      %ge3A_313 = arith.cmpi sge, %add3A_280, %ge3A_312 : i32
      %sub3A_314 = arith.constant 2 : i32
      %sub3A_315 = arith.subi %add3A_280, %sub3A_314 : i32
      %mul3A_316 = arith.constant 32 : i32
      %mul3A_317 = arith.muli %mul3A_316, %sub3A_315 : i32
      %add3A_318 = arith.addi %add3A, %mul3A_317 : i32
      %lt3A_319 = arith.constant 2500 : i32
      %lt3A_320 = arith.cmpi slt, %add3A_318, %lt3A_319 : i32
      %and3A_321 = arith.andi %ge3A_313, %lt3A_320 : i1
      %convert_element_type3A_322 = arith.extui %and3A_321 : i1 to i32
      %cond3A_323 = arith.constant 0 : i32
      %cond3A_324 = arith.cmpi ne, %convert_element_type3A_322, %cond3A_323 : i32
      scf.if %cond3A_324 {
        %dma_wait3A = arith.constant 0 : i32
        %dma_wait3A_325 = arith.constant 0 : i32
        %dma_wait3A_326 = tpu.memref_slice %arg2[%dma_wait3A, %dma_wait3A_325] : memref<10000x128xf32, #tpu.memory_space<hbm>> -> memref<10000x128xf32, #tpu.memory_space<hbm>>
        tpu.wait_indirect_dma semaphore(%arg33 : memref<!tpu.dma_semaphore, #tpu.memory_space<semaphore_mem>>) src(%dma_wait3A_326 : memref<10000x128xf32, #tpu.memory_space<hbm>>) dst(%arg18 : memref<128x128xf32, #tpu.memory_space<vmem>>)
        %sub3A_327 = arith.constant 2 : i32
        %sub3A_328 = arith.subi %add3A_280, %sub3A_327 : i32
        %mul3A_329 = arith.constant 32 : i32
        %mul3A_330 = arith.muli %mul3A_329, %sub3A_328 : i32
        %add3A_331 = arith.addi %add3A, %mul3A_330 : i32
        %dma_wait3A_332 = arith.constant 0 : i32
        %dma_wait3A_333 = tpu.memref_slice %arg4[%add3A_331, %dma_wait3A_332] : memref<2500x128xi32, #tpu.memory_space<hbm>> -> memref<1x128xi32, #tpu.memory_space<hbm>>
        %dma_wait3A_334 = tpu.memref_squeeze %dma_wait3A_333 : memref<1x128xi32, #tpu.memory_space<hbm>> -> memref<128xi32, #tpu.memory_space<hbm>>
        %dma_wait3A_335 = arith.constant 0 : i32
        %dma_wait3A_336 = tpu.memref_slice %arg4[%add3A_331, %dma_wait3A_335] : memref<2500x128xi32, #tpu.memory_space<hbm>> -> memref<1x128xi32, #tpu.memory_space<hbm>>
        %dma_wait3A_337 = tpu.memref_squeeze %dma_wait3A_336 : memref<1x128xi32, #tpu.memory_space<hbm>> -> memref<128xi32, #tpu.memory_space<hbm>>
        tpu.wait_dma2 semaphore(%arg30 : memref<!tpu.dma_semaphore, #tpu.memory_space<semaphore_mem>>) src(%dma_wait3A_337 : memref<128xi32, #tpu.memory_space<hbm>>) dst(%arg15 : memref<128xi32, #tpu.memory_space<vmem>>)
        %dma_start3A = arith.constant 0 : i32
        %dma_start3A_338 = arith.constant 0 : i32
        %dma_start3A_339 = tpu.memref_slice %arg39[%dma_start3A, %dma_start3A_338] : memref<10000x128xf32, #tpu.memory_space<vmem_shared>> -> memref<10000x128xf32, #tpu.memory_space<vmem_shared>>
        tpu.enqueue_indirect_dma source(%arg18 : memref<128x128xf32, #tpu.memory_space<vmem>>) target(%dma_start3A_339 : memref<10000x128xf32, #tpu.memory_space<vmem_shared>>) offsets(%arg15 : memref<128xi32, #tpu.memory_space<vmem>>) semaphore(%arg36 : memref<!tpu.dma_semaphore, #tpu.memory_space<semaphore_mem>>) {add = true}
      } else {
      }
    }
    %scan3A_29 = arith.constant 14 : i32
    %barrier3A_30 = arith.constant 0 : index
    tpu.barrier barrier_id(%barrier3A_30)
    %mul3A_31 = arith.constant 624 : i32
    %mul3A_32 = arith.muli %arg1, %mul3A_31 : i32
    %multiple_of3A_33 = tpu.assume_multiple %mul3A_32, 8 : i32
    "tpu.region"() ({
      %run_scoped3A = tpu.sem_alloc : memref<!tpu.dma_semaphore, #tpu.memory_space<semaphore_mem>>
      %dma_start3A = arith.constant 0 : i32
      %dma_start3A_39 = arith.constant 0 : i32
      %dma_start3A_40 = tpu.memref_slice %arg5[%arg0, %dma_start3A, %dma_start3A_39] : memref<2x10000x128xf32, #tpu.memory_space<hbm>> -> memref<1x10000x128xf32, #tpu.memory_space<hbm>>
      %dma_start3A_41 = tpu.memref_squeeze %dma_start3A_40 : memref<1x10000x128xf32, #tpu.memory_space<hbm>> -> memref<10000x128xf32, #tpu.memory_space<hbm>>
      %dma_start3A_42 = arith.constant 0 : i32
      %dma_start3A_43 = tpu.memref_slice %dma_start3A_41[%multiple_of3A_33, %dma_start3A_42] : memref<10000x128xf32, #tpu.memory_space<hbm>> -> memref<624x128xf32, #tpu.memory_space<hbm>>
      %dma_start3A_44 = arith.constant 0 : i32
      %dma_start3A_45 = tpu.memref_slice %arg39[%multiple_of3A_33, %dma_start3A_44] : memref<10000x128xf32, #tpu.memory_space<vmem_shared>> -> memref<624x128xf32, #tpu.memory_space<vmem_shared>>
      tpu.enqueue_dma source(%dma_start3A_45 : memref<624x128xf32, #tpu.memory_space<vmem_shared>>) target(%dma_start3A_43 : memref<624x128xf32, #tpu.memory_space<hbm>>) target_semaphore(%run_scoped3A : memref<!tpu.dma_semaphore, #tpu.memory_space<semaphore_mem>>)
      %dma_wait3A = arith.constant 0 : i32
      %dma_wait3A_46 = arith.constant 0 : i32
      %dma_wait3A_47 = tpu.memref_slice %arg5[%arg0, %dma_wait3A, %dma_wait3A_46] : memref<2x10000x128xf32, #tpu.memory_space<hbm>> -> memref<1x10000x128xf32, #tpu.memory_space<hbm>>
      %dma_wait3A_48 = tpu.memref_squeeze %dma_wait3A_47 : memref<1x10000x128xf32, #tpu.memory_space<hbm>> -> memref<10000x128xf32, #tpu.memory_space<hbm>>
      %dma_wait3A_49 = arith.constant 0 : i32
      %dma_wait3A_50 = tpu.memref_slice %dma_wait3A_48[%multiple_of3A_33, %dma_wait3A_49] : memref<10000x128xf32, #tpu.memory_space<hbm>> -> memref<624x128xf32, #tpu.memory_space<hbm>>
      %dma_wait3A_51 = arith.constant 0 : i32
      %dma_wait3A_52 = tpu.memref_slice %arg39[%multiple_of3A_33, %dma_wait3A_51] : memref<10000x128xf32, #tpu.memory_space<vmem_shared>> -> memref<624x128xf32, #tpu.memory_space<vmem_shared>>
      tpu.wait_dma2 semaphore(%run_scoped3A : memref<!tpu.dma_semaphore, #tpu.memory_space<semaphore_mem>>) src(%dma_wait3A_52 : memref<624x128xf32, #tpu.memory_space<vmem_shared>>) dst(%dma_wait3A_50 : memref<624x128xf32, #tpu.memory_space<hbm>>)
      tpu.yield
    }) : () -> ()
    %eq3A_34 = arith.constant 15 : i32
    %eq3A_35 = arith.cmpi eq, %arg1, %eq3A_34 : i32
    %convert_element_type3A_36 = arith.extui %eq3A_35 : i1 to i32
    %cond3A_37 = arith.constant 0 : i32
    %cond3A_38 = arith.cmpi ne, %convert_element_type3A_36, %cond3A_37 : i32
    scf.if %cond3A_38 {
      "tpu.region"() ({
        %run_scoped3A = tpu.sem_alloc : memref<!tpu.dma_semaphore, #tpu.memory_space<semaphore_mem>>
        %dma_start3A = arith.constant 0 : i32
        %dma_start3A_39 = arith.constant 0 : i32
        %dma_start3A_40 = tpu.memref_slice %arg5[%arg0, %dma_start3A, %dma_start3A_39] : memref<2x10000x128xf32, #tpu.memory_space<hbm>> -> memref<1x10000x128xf32, #tpu.memory_space<hbm>>
        %dma_start3A_41 = tpu.memref_squeeze %dma_start3A_40 : memref<1x10000x128xf32, #tpu.memory_space<hbm>> -> memref<10000x128xf32, #tpu.memory_space<hbm>>
        %dma_start3A_42 = arith.constant 9984 : i32
        %dma_start3A_43 = arith.constant 0 : i32
        %dma_start3A_44 = tpu.memref_slice %dma_start3A_41[%dma_start3A_42, %dma_start3A_43] : memref<10000x128xf32, #tpu.memory_space<hbm>> -> memref<16x128xf32, #tpu.memory_space<hbm>>
        %dma_start3A_45 = arith.constant 9984 : i32
        %dma_start3A_46 = arith.constant 0 : i32
        %dma_start3A_47 = tpu.memref_slice %arg39[%dma_start3A_45, %dma_start3A_46] : memref<10000x128xf32, #tpu.memory_space<vmem_shared>> -> memref<16x128xf32, #tpu.memory_space<vmem_shared>>
        tpu.enqueue_dma source(%dma_start3A_47 : memref<16x128xf32, #tpu.memory_space<vmem_shared>>) target(%dma_start3A_44 : memref<16x128xf32, #tpu.memory_space<hbm>>) target_semaphore(%run_scoped3A : memref<!tpu.dma_semaphore, #tpu.memory_space<semaphore_mem>>)
        %dma_wait3A = arith.constant 0 : i32
        %dma_wait3A_48 = arith.constant 0 : i32
        %dma_wait3A_49 = tpu.memref_slice %arg5[%arg0, %dma_wait3A, %dma_wait3A_48] : memref<2x10000x128xf32, #tpu.memory_space<hbm>> -> memref<1x10000x128xf32, #tpu.memory_space<hbm>>
        %dma_wait3A_50 = tpu.memref_squeeze %dma_wait3A_49 : memref<1x10000x128xf32, #tpu.memory_space<hbm>> -> memref<10000x128xf32, #tpu.memory_space<hbm>>
        %dma_wait3A_51 = arith.constant 9984 : i32
        %dma_wait3A_52 = arith.constant 0 : i32
        %dma_wait3A_53 = tpu.memref_slice %dma_wait3A_50[%dma_wait3A_51, %dma_wait3A_52] : memref<10000x128xf32, #tpu.memory_space<hbm>> -> memref<16x128xf32, #tpu.memory_space<hbm>>
        %dma_wait3A_54 = arith.constant 9984 : i32
        %dma_wait3A_55 = arith.constant 0 : i32
        %dma_wait3A_56 = tpu.memref_slice %arg39[%dma_wait3A_54, %dma_wait3A_55] : memref<10000x128xf32, #tpu.memory_space<vmem_shared>> -> memref<16x128xf32, #tpu.memory_space<vmem_shared>>
        tpu.wait_dma2 semaphore(%run_scoped3A : memref<!tpu.dma_semaphore, #tpu.memory_space<semaphore_mem>>) src(%dma_wait3A_56 : memref<16x128xf32, #tpu.memory_space<vmem_shared>>) dst(%dma_wait3A_53 : memref<16x128xf32, #tpu.memory_space<hbm>>)
        tpu.yield
      }) : () -> ()
    } else {
    }
    return
  }
}

module attributes {stable_mosaic.version = 14 : i64} {
  func.func @_scale_body(%arg0: i32, %arg1: memref<2000x128xf32, #tpu.memory_space<vmem>>, %arg2: memref<2x2000x1xf32, #tpu.memory_space<vmem>>, %arg3: memref<2000x128xf32, #tpu.memory_space<vmem>>) attributes {dimension_semantics = [#tpu.dimension_semantics<arbitrary>], iteration_bounds = array<i64: 5>, scalar_prefetch = 0 : i64, scratch_operands = 0 : i64, tpu.core_type = #tpu.core_type<tc>, window_params = [{transform_indices = @transform_0, window_bounds = array<i64: 2000, 128>}, {transform_indices = @transform_1, window_bounds = array<i64: 2, 2000, 1>}, {transform_indices = @transform_2, window_bounds = array<i64: 2000, 128>}]} {
    %get3A = arith.constant 0 : index
    %get3A_0 = arith.constant 0 : index
    %get3A_1 = arith.constant 0 : index
    %get3A_2 = vector.load %arg2[%get3A, %get3A_0, %get3A_1] : memref<2x2000x1xf32, #tpu.memory_space<vmem>>, vector<1x2000x1xf32>
    %get3A_3 = vector.shape_cast %get3A_2 : vector<1x2000x1xf32> to vector<2000x1xf32>
    %get3A_4 = arith.constant 1 : index
    %get3A_5 = arith.constant 0 : index
    %get3A_6 = arith.constant 0 : index
    %get3A_7 = vector.load %arg2[%get3A_4, %get3A_5, %get3A_6] : memref<2x2000x1xf32, #tpu.memory_space<vmem>>, vector<1x2000x1xf32>
    %get3A_8 = vector.shape_cast %get3A_7 : vector<1x2000x1xf32> to vector<2000x1xf32>
    %add3A = arith.addf %get3A_3, %get3A_8 : vector<2000x1xf32>
    %add3A_9 = arith.constant 1.000000e+00 : f32
    %add3A_10 = vector.broadcast %add3A_9 : f32 to vector<2000x1xf32>
    %add3A_11 = arith.addf %add3A, %add3A_10 : vector<2000x1xf32>
    %div3A = arith.constant 1.000000e+00 : f32
    %div3A_12 = vector.broadcast %div3A : f32 to vector<2000x1xf32>
    %div3A_13 = arith.divf %div3A_12, %add3A_11 : vector<2000x1xf32>
    %get3A_14 = arith.constant 0 : index
    %get3A_15 = arith.constant 0 : index
    %get3A_16 = vector.load %arg1[%get3A_14, %get3A_15] : memref<2000x128xf32, #tpu.memory_space<vmem>>, vector<2000x128xf32>
    %mul3A = vector.broadcast %div3A_13 : vector<2000x1xf32> to vector<2000x128xf32>
    %mul3A_17 = arith.mulf %get3A_16, %mul3A : vector<2000x128xf32>
    %swap3A = arith.constant 0 : index
    %swap3A_18 = arith.constant 0 : index
    %swap3A_19 = vector.load %arg3[%swap3A, %swap3A_18] : memref<2000x128xf32, #tpu.memory_space<vmem>>, vector<2000x128xf32>
    tpu.vector_store %arg3[%swap3A, %swap3A_18], %mul3A_17 {strides = array<i32>} : memref<2000x128xf32, #tpu.memory_space<vmem>>, vector<2000x128xf32>,
    return
  }
  func.func @transform_0(%arg0: i32) -> (i32, i32) {
    %c0_i32 = arith.constant 0 : i32
    %c0_i32_0 = arith.constant 0 : i32
    return %arg0, %c0_i32 : i32, i32
  }
  func.func @transform_1(%arg0: i32) -> (i32, i32, i32) {
    %c0_i32 = arith.constant 0 : i32
    %c0_i32_0 = arith.constant 0 : i32
    %c0_i32_1 = arith.constant 0 : i32
    return %c0_i32, %arg0, %c0_i32_0 : i32, i32, i32
  }
  func.func @transform_2(%arg0: i32) -> (i32, i32) {
    %c0_i32 = arith.constant 0 : i32
    %c0_i32_0 = arith.constant 0 : i32
    return %arg0, %c0_i32 : i32, i32
  }
}

module attributes {stable_mosaic.version = 14 : i64} {
  func.func @_add_body(%arg0: i32, %arg1: memref<2x2000x128xf32, #tpu.memory_space<vmem>>, %arg2: memref<2000x128xf32, #tpu.memory_space<vmem>>, %arg3: memref<2000x128xf32, #tpu.memory_space<vmem>>) attributes {dimension_semantics = [#tpu.dimension_semantics<arbitrary>], iteration_bounds = array<i64: 5>, scalar_prefetch = 0 : i64, scratch_operands = 0 : i64, tpu.core_type = #tpu.core_type<tc>, window_params = [{transform_indices = @transform_0, window_bounds = array<i64: 2, 2000, 128>}, {transform_indices = @transform_1, window_bounds = array<i64: 2000, 128>}, {transform_indices = @transform_2, window_bounds = array<i64: 2000, 128>}]} {
    %get3A = arith.constant 0 : index
    %get3A_0 = arith.constant 0 : index
    %get3A_1 = arith.constant 0 : index
    %get3A_2 = vector.load %arg1[%get3A, %get3A_0, %get3A_1] : memref<2x2000x128xf32, #tpu.memory_space<vmem>>, vector<1x2000x128xf32>
    %get3A_3 = vector.shape_cast %get3A_2 : vector<1x2000x128xf32> to vector<2000x128xf32>
    %get3A_4 = arith.constant 0 : index
    %get3A_5 = arith.constant 0 : index
    %get3A_6 = vector.load %arg2[%get3A_4, %get3A_5] : memref<2000x128xf32, #tpu.memory_space<vmem>>, vector<2000x128xf32>
    %sub3A = arith.subf %get3A_3, %get3A_6 : vector<2000x128xf32>
    %get3A_7 = arith.constant 1 : index
    %get3A_8 = arith.constant 0 : index
    %get3A_9 = arith.constant 0 : index
    %get3A_10 = vector.load %arg1[%get3A_7, %get3A_8, %get3A_9] : memref<2x2000x128xf32, #tpu.memory_space<vmem>>, vector<1x2000x128xf32>
    %get3A_11 = vector.shape_cast %get3A_10 : vector<1x2000x128xf32> to vector<2000x128xf32>
    %add3A = arith.addf %sub3A, %get3A_11 : vector<2000x128xf32>
    %swap3A = arith.constant 0 : index
    %swap3A_12 = arith.constant 0 : index
    %swap3A_13 = vector.load %arg3[%swap3A, %swap3A_12] : memref<2000x128xf32, #tpu.memory_space<vmem>>, vector<2000x128xf32>
    tpu.vector_store %arg3[%swap3A, %swap3A_12], %add3A {strides = array<i32>} : memref<2000x128xf32, #tpu.memory_space<vmem>>, vector<2000x128xf32>,
    return
  }
  func.func @transform_0(%arg0: i32) -> (i32, i32, i32) {
    %c0_i32 = arith.constant 0 : i32
    %c0_i32_0 = arith.constant 0 : i32
    %c0_i32_1 = arith.constant 0 : i32
    return %c0_i32, %arg0, %c0_i32_0 : i32, i32, i32
  }
  func.func @transform_1(%arg0: i32) -> (i32, i32) {
    %c0_i32 = arith.constant 0 : i32
    %c0_i32_0 = arith.constant 0 : i32
    return %arg0, %c0_i32 : i32, i32
  }
  func.func @transform_2(%arg0: i32) -> (i32, i32) {
    %c0_i32 = arith.constant 0 : i32
    %c0_i32_0 = arith.constant 0 : i32
    return %arg0, %c0_i32 : i32, i32
  }
}

module attributes {stable_mosaic.version = 14 : i64} {
  func.func @_mm_body(%arg0: i32, %arg1: memref<2000x128xf32, #tpu.memory_space<vmem>>, %arg2: memref<128x128xf32, #tpu.memory_space<vmem>>, %arg3: memref<1x128xf32, #tpu.memory_space<vmem>>, %arg4: memref<2000x128xf32, #tpu.memory_space<vmem>>) attributes {dimension_semantics = [#tpu.dimension_semantics<arbitrary>], iteration_bounds = array<i64: 5>, scalar_prefetch = 0 : i64, scratch_operands = 0 : i64, tpu.core_type = #tpu.core_type<tc>, window_params = [{transform_indices = @transform_0, window_bounds = array<i64: 2000, 128>}, {pipeline_mode = #tpu.pipeline_mode<synchronous>, transform_indices = @transform_1, window_bounds = array<i64: 128, 128>}, {pipeline_mode = #tpu.pipeline_mode<synchronous>, transform_indices = @transform_2, window_bounds = array<i64: 1, 128>}, {transform_indices = @transform_3, window_bounds = array<i64: 2000, 128>}]} {
    %get3A = arith.constant 0 : index
    %get3A_0 = arith.constant 0 : index
    %get3A_1 = vector.load %arg1[%get3A, %get3A_0] : memref<2000x128xf32, #tpu.memory_space<vmem>>, vector<2000x128xf32>
    %get3A_2 = arith.constant 0 : index
    %get3A_3 = arith.constant 0 : index
    %get3A_4 = vector.load %arg2[%get3A_2, %get3A_3] : memref<128x128xf32, #tpu.memory_space<vmem>>, vector<128x128xf32>
    %dot_general3A = arith.constant dense<0.000000e+00> : vector<2000x128xf32>
    %dot_general3A_5 = tpu.matmul %get3A_1, %get3A_4, %dot_general3A {dimension_numbers = #tpu.dot_dimension_numbers<[1], [0], [0], [1], [0, 0, 1, 1], [], []>, transpose_lhs_hint = false} : vector<2000x128xf32>, vector<128x128xf32>, vector<2000x128xf32> -> vector<2000x128xf32>
    %get3A_6 = arith.constant 0 : index
    %get3A_7 = arith.constant 0 : index
    %get3A_8 = vector.load %arg3[%get3A_6, %get3A_7] : memref<1x128xf32, #tpu.memory_space<vmem>>, vector<1x128xf32>
    %add3A = vector.broadcast %get3A_8 : vector<1x128xf32> to vector<2000x128xf32>
    %add3A_9 = arith.addf %dot_general3A_5, %add3A : vector<2000x128xf32>
    %max3A = arith.constant 0.000000e+00 : f32
    %max3A_10 = vector.broadcast %max3A : f32 to vector<2000x128xf32>
    %max3A_11 = arith.maximumf %add3A_9, %max3A_10 : vector<2000x128xf32>
    %swap3A = arith.constant 0 : index
    %swap3A_12 = arith.constant 0 : index
    %swap3A_13 = vector.load %arg4[%swap3A, %swap3A_12] : memref<2000x128xf32, #tpu.memory_space<vmem>>, vector<2000x128xf32>
    tpu.vector_store %arg4[%swap3A, %swap3A_12], %max3A_11 {strides = array<i32>} : memref<2000x128xf32, #tpu.memory_space<vmem>>, vector<2000x128xf32>,
    return
  }
  func.func @transform_0(%arg0: i32) -> (i32, i32) {
    %c0_i32 = arith.constant 0 : i32
    %c0_i32_0 = arith.constant 0 : i32
    return %arg0, %c0_i32 : i32, i32
  }
  func.func @transform_1(%arg0: i32) -> (i32, i32) {
    %c0_i32 = arith.constant 0 : i32
    %c0_i32_0 = arith.constant 0 : i32
    %c0_i32_1 = arith.constant 0 : i32
    return %c0_i32, %c0_i32_0 : i32, i32
  }
  func.func @transform_2(%arg0: i32) -> (i32, i32) {
    %c0_i32 = arith.constant 0 : i32
    %c0_i32_0 = arith.constant 0 : i32
    %c0_i32_1 = arith.constant 0 : i32
    return %c0_i32, %c0_i32_0 : i32, i32
  }
  func.func @transform_3(%arg0: i32) -> (i32, i32) {
    %c0_i32 = arith.constant 0 : i32
    %c0_i32_0 = arith.constant 0 : i32
    return %arg0, %c0_i32 : i32, i32
  }
}

</mosaic_0001>

<sc_bundles>
// kernel: kernel.10.cloned.1.call-start
scs
__scs_entry_jumppad:
0x0: {  	(pc) =	sbr.rel $0x88, $3  }
0x1: {  	(tag) =	ssettag $0x0;
	lr =	simm.s32 $0x1  }
0x2: {  	[smem:$0x3F9C] =	sst lr;
	_ =	strace $0xD0000000  }
0x3: {  	_ = 	snop  }
0x4: {  	_ = 	snop  }
0x5: {  	_ = 	snop  }
0x6: {  	_ = 	snop  }
0x7: {  	_ = 	snop  }
__scs_overlays_trampoline_lowered:
0x8: {  	[smem:$0x3FAB] =	sst s0  }
0x9: {  	[smem:$0x3FAC] =	sst s1  }
0xa: {  	[smem:$0x3FAD] =	sst s2  }
0xb: {  	[smem:$0x3FAE] =	sst s3  }
0xc: {  	[smem:$0x3FAF] =	sst s4  }
0xd: {  	[smem:$0x3FB0] =	sst s5  }
0xe: {  	[smem:$0x3FB1] =	sst s6  }
0xf: {  	[smem:$0x3FB2] =	sst s7  }
0x10: {  	[smem:$0x3FB3] =	sst s8  }
0x11: {  	[smem:$0x3FB4] =	sst s9;
	s0 =	simm.s32 @!p0 $0x0  }
0x12: {  	s1 =	sld [smem:$0x3F9A];
	s0 =	simm.s32 @p0 $0x1  }
0x13: {  	[smem:$0x3FB5] =	sst s0;
	s0 =	simm.s32 @!p1 $0x0  }
0x14: {  	s2 =	sld [smem:$0x3F99];
	s0 =	simm.s32 @p1 $0x1  }
0x15: {  	[smem:$0x3FB6] =	sst s0;
	s0 =	simm.s32 @!p2 $0x0  }
0x16: {  	s3 =	sld [smem:$0x3FDB];
	s0 =	simm.s32 @p2 $0x1  }
0x17: {  	s4 =	simm.s32 $0x1BF5;
	[smem:$0x3FB8] =	sst s0  }
0x18: {  	s0 =	sld [smem:$0x3F9B];
	_ =	swait.ge [sflag:s4], $0x0  }
0x19: {  	s7 =	sld [smem:$0x3F9C]  }
0x1a: {  	s8 =	sadd.s32 $0xFFFFE003, lr  }
0x1b: {  	s9 =	sadd.s32 $0xFFFFFEF7, lr;
	s5 =	simm.s32 $0xFFFFFFFF;
	p2 =	slt.u32 s8, $0xFFFFF086  }
0x1c: {  	p1 =	slt.u32 s9, $0xF7A;
	s5 =	simm.s32 @!p2 $0x0  }
0x1d: {  	s5 =	simm.s32 @p1 $0x1;
	p0 =	seq.s32 s7, s2  }
0x1e: {  	s7 =	smul.u32 @!p0 $0xF7A, s2;
	p2 =	seq.s32 @!p0 s5, $0x0  }
0x1f: {  	s9 =	smul.u32 $0xF7A, s1;
	s8 =	simm.s32 @!p0 $0x1BF5;
	p2 =	por !p2, p0  }
0x20: {  	[sflag:s8] =	ssyncset.s32 @!p0 $0xFFFFF086;
	s6 =	sadd.s32 @!p0 s3, s7;
	s7 =	simm.s32 @!p0 $0x108  }
0x21: {  	s3 =	sadd.s32 s3, s9;
	s6 =	sadd.s32 @!p0 $0x88, s6;
	s7 =	simm.s32 @p2 $0x1082  }
0x22: {  	[simem:s7], [sflag:s8] =	dma.local @!p0 [hbm:s6], $0xF7A  }
0x23: {  	s9 =	sor.u32 $0xD0000000, s2;
	s6 =	simm.s32 $0x108;
	_ =	swait.ge @!p0 [sflag:s8], $0x0  }
0x24: {  	s3 =	sadd.s32 $0x88, s3;
	s6 =	simm.s32 @!p1 $0x1082;
	[sflag:s4] =	ssyncset.s32 $0xFFFFF086  }
0x25: {  	[simem:s6], [sflag:s4] =	dma.local [hbm:s3], $0xF7A  }
0x26: {  	[smem:$0x3F9C] =	sst s1;
	(tag) =	ssettag s2;
	_ =	strace s9  }
0x27: {  	s1 =	sld [smem:$0x3FAC]  }
0x28: {  	s2 =	sld [smem:$0x3FAD]  }
0x29: {  	s4 =	sld [smem:$0x3FAF]  }
0x2a: {  	p0 =	seq.s32 s5, $0x0;
	s5 =	sld [smem:$0x3FB0]  }
0x2b: {  	s6 =	sld [smem:$0x3FB1]  }
0x2c: {  	s7 =	sld [smem:$0x3FB2]  }
0x2d: {  	s3 =	simm.s32 $0x108;
	s8 =	sld [smem:$0x3FB3]  }
0x2e: {  	s3 =	simm.s32 @!p0 $0x1082;
	s9 =	sld [smem:$0x3FB4]  }
0x2f: {  	lr =	sadd.s32 s0, s3;
	s0 =	sld [smem:$0x3FAB]  }
0x30: {  	s3 =	sld [smem:$0x3FAE]  }
0x31: {  	[smem:$0x3FB7] =	sst s10  }
0x32: {  	s10 =	sld [smem:$0x3FB5];
	_ =	sdelay $0x3  }
0x33: {  	p0 =	seq.s32 s10, $0x1;
	s10 =	sld [smem:$0x3FB7];
	_ =	sdelay $0x3  }
0x34: {  	[smem:$0x3FB7] =	sst s10  }
0x35: {  	s10 =	sld [smem:$0x3FB6];
	_ =	sdelay $0x3  }
0x36: {  	p1 =	seq.s32 s10, $0x1;
	s10 =	sld [smem:$0x3FB7];
	_ =	sdelay $0x3  }
0x37: {  	[smem:$0x3FB7] =	sst s10  }
0x38: {  	s10 =	sld [smem:$0x3FB8]  }
0x39: {  	_ = 	snop;
	(pc) =	sbr.ind lr, $3  }
0x3a: {  	_ = 	snop  }
0x3b: {  	_ = 	snop  }
0x3c: {  	p2 =	seq.s32 s10, $0x1;
	s10 =	sld [smem:$0x3FB7]  }
0x3d: {  	_ =	shalt  }
0x3e: {  	_ =	shalt  }
0x3f: {  	_ =	shalt  }
0x40: {  	_ =	shalt  }
0x41: {  	_ =	shalt  }
0x42: {  	_ =	shalt  }
0x43: {  	_ =	shalt  }
0x44: {  	_ =	shalt  }
0x45: {  	_ =	shalt  }
0x46: {  	_ =	shalt  }
0x47: {  	_ =	shalt  }
0x48: {  	_ =	shalt  }
0x49: {  	_ =	shalt  }
0x4a: {  	_ =	shalt  }
0x4b: {  	_ =	shalt  }
0x4c: {  	_ =	shalt  }
0x4d: {  	_ =	shalt  }
0x4e: {  	_ =	shalt  }
0x4f: {  	_ =	shalt  }
0x50: {  	_ =	shalt  }
0x51: {  	_ =	shalt  }
0x52: {  	_ =	shalt  }
0x53: {  	_ =	shalt  }
0x54: {  	_ =	shalt  }
0x55: {  	_ =	shalt  }
0x56: {  	_ =	shalt  }
0x57: {  	_ =	shalt  }
0x58: {  	_ =	shalt  }
0x59: {  	_ =	shalt  }
0x5a: {  	_ =	shalt  }
0x5b: {  	_ =	shalt  }
0x5c: {  	_ =	shalt  }
0x5d: {  	_ =	shalt  }
0x5e: {  	_ =	shalt  }
0x5f: {  	_ =	shalt  }
0x60: {  	_ =	shalt  }
0x61: {  	_ =	shalt  }
0x62: {  	_ =	shalt  }
0x63: {  	_ =	shalt  }
0x64: {  	_ =	shalt  }
0x65: {  	_ =	shalt  }
0x66: {  	_ =	shalt  }
0x67: {  	_ =	shalt  }
0x68: {  	_ =	shalt  }
0x69: {  	_ =	shalt  }
0x6a: {  	_ =	shalt  }
0x6b: {  	_ =	shalt  }
0x6c: {  	_ =	shalt  }
0x6d: {  	_ =	shalt  }
0x6e: {  	_ =	shalt  }
0x6f: {  	_ =	shalt  }
0x70: {  	_ =	shalt  }
0x71: {  	_ =	shalt  }
0x72: {  	_ =	shalt  }
0x73: {  	_ =	shalt  }
0x74: {  	_ =	shalt  }
0x75: {  	_ =	shalt  }
0x76: {  	_ =	shalt  }
0x77: {  	_ =	shalt  }
0x78: {  	_ =	shalt  }
0x79: {  	_ =	shalt  }
0x7a: {  	_ =	shalt  }
0x7b: {  	_ =	shalt  }
0x7c: {  	_ =	shalt  }
0x7d: {  	_ =	shalt  }
0x7e: {  	_ =	shalt  }
0x7f: {  	_ =	shalt  }
0x80: {  	_ =	shalt  }
0x81: {  	_ =	shalt  }
0x82: {  	_ =	shalt  }
0x83: {  	_ =	shalt  }
0x84: {  	_ =	shalt  }
0x85: {  	_ =	shalt  }
0x86: {  	_ =	shalt  }
0x87: {  	_ =	shalt  }
.Lfunc_end0:
.L_simem_size_0:
called_computation.1_lowered:
.L_overlay_start_0:
0x88: {  	s2 =	sld [smem:$0x3FD9]  }
0x89: {  	s3 =	sld [smem:$0x3FFE];
	_ =	sdelay $0x1  }
0x8a: {  	s1 =	srdreg.scid  }
0x8b: {  	s0 =	sand.u32 $0x1, s1  }
0x8c: {  	s17 =	sshll.u32 s0, $0xA;
	s2 =	sadd.s32 s3, s2  }
0x8d: {  	s2 =	sadd.s32 s2, s17  }
0x8e: {  	[smem:$0x3FC3] =	sst s2  }
0x8f: {  	_ = 	snop  }
0x90: {  	s2 =	sld [smem:$0x3FC8]  }
0x91: {  	s18 =	sld [smem:$0x3FC7]  }
0x92: {  	s4 =	sld [smem:$0x3FD0];
	(tm) =	ssettm $0x1  }
0x93: {  	s5 =	sld [smem:$0x3FFB];
	_ =	sdelay $0x3  }
0x94: {  	_ =	strace s5  }
0x95: {  	s5 =	sld [smem:$0x3FFC];
	_ =	sdelay $0x3  }
0x96: {  	_ =	strace s5  }
0x97: {  	s5 =	sld [smem:$0x3FFD];
	_ =	sdelay $0x3  }
0x98: {  	_ =	strace s5  }
0x99: {  	_ =	strace $0x8FFFFFFF  }
0x9a: {  	s19 =	sld [smem:$0x3FDB];
	_ =	sdelay $0x1  }
0x9b: {  	s6 =	simm.s32 $_scs_section_size  }
0x9c: {  	s7 =	simm.s32 $_size__tile_overlayer_lowered;
	s8 =	simm.s32 $_tile_overlayer_lowered  }
0x9d: {  	s22 =	simm.s32 $0x1BFF;
	s21 =	sshll.u32 s8, $0x1;
	s5 =	sadd.s32 s6, s19  }
0x9e: {  	s9 =	simm.s32 $0x0;
	s20 =	sshll.u32 s7, $0x1;
	s7 =	sadd.s32 s21, s5  }
0x9f: {  	[timem:s9], [sflag:s22] =	dma.local [hbm:s7], s20  }
0xa0: {  	_ =	swait.ge [sflag:s22], s20  }
0xa1: {  	s6 =	ssub.s32 $0x0, s20;
	[sflag:s22] =	ssyncset.done $0x0  }
0xa2: {  	[sflag:s22] =	ssyncadd.s32 s6;
	_ =	sdelay $0x1  }
0xa3: {  	s23 =	simm.s32 $0x1B8B  }
0xa4: {  	_ =	swait.ge [sflag:s23], $0x1  }
0xa5: {  	[sflag:s23] =	ssyncset.done $0x0  }
0xa6: {  	s25 =	simm.s32 $0x1B8E;
	s24 =	sld [smem:$0x3FFE];
	[sflag:s23] =	ssyncadd.s32 $0xFFFFFFFF  }
0xa7: {  	s26 =	simm.s32 $execute0_lowered;
	[smem:$0x3FD2] =	sst s25  }
0xa8: {  	s7 =	sshll.u32 s26, $0x1;
	_ =	strace $0x80000049;
	[dreg:$0x1] =	wrdreg $0xFFFFFFFF  }
0xa9: {  	s28 =	simm.s32 $_size_execute0_lowered;
	s5 =	sadd.s32 s5, s7;
	[dreg:$0x0] =	wrdreg $0x0  }
0xaa: {  	s7 =	sshll.u32 s28, $0x1;
	[dreg:$0x2] =	wrdreg s5  }
0xab: {  	[dreg:$0x3] =	wrdreg s7  }
0xac: {  	[dreg:$0x4] =	wrdreg $0xC0  }
0xad: {  	_ =	task [dreg:s9], $0x5FFFF  }
0xae: {  	[dreg:$0x1] =	wrdreg $0xFFFFFFFF  }
0xaf: {  	[dreg:$0x0] =	wrdreg $0x60  }
0xb0: {  	[dreg:$0x2] =	wrdreg s4  }
0xb1: {  	[dreg:$0x3] =	wrdreg s2  }
0xb2: {  	[dreg:$0x4] =	wrdreg s18  }
0xb3: {  	[dreg:$0x5] =	wrdreg s24  }
0xb4: {  	[dreg:$0x6] =	wrdreg $0xC6000  }
0xb5: {  	[dreg:$0x7] =	wrdreg $0x9  }
0xb6: {  	_ =	task.clear_ibuf [dreg:s9], $0x8FFFF;
	_ =	strace $0x90000049  }
0xb7: {  	s29 =	simm.s32 $0x9;
	_ =	strace $0x8000004B  }
0xb8: {  	_ =	swait.ge [sflag:s29], $0x1  }
0xb9: {  	[sflag:s29] =	ssyncadd.s32 $0xFFFFFFFF  }
0xba: {  	_ =	strace $0x9000004B  }
0xbb: {  	_ =	sfence  }
0xbc: {  	s30 =	sld [smem:$0x0];
	_ =	sdelay $0x2  }
0xbd: {  	s31 =	sshll.u32 s1, $0xD;
	s1 =	sshrl.u32 s1, $0x2  }
0xbe: {  	s3 =	sand.u32 $0x4000, s31;
	s1 =	sadd.s32 s1, s30  }
0xbf: {  	s0 =	sor.u32 s3, s0;
	s1 =	sshll.u32 s1, $0x11  }
0xc0: {  	s0 =	sor.u32 s1, s0  }
0xc1: {  	s0 =	sadd.s32 $0x8F2B, s0  }
0xc2: {  	[sflag:s0] =	ssyncadd.remote.s32 $0x1  }
0xc3: {  	_ =	sfence.sel $0xFFFF  }
0xc4: {  	[dreg:$0x0] =	wrdreg $0xFFFFFFFF;
	(pc) =	sbr.abs _section_cstart, $3  }
0xc5: {  	[dreg:$0x1] =	wrdreg $0xFFFFFFFF  }
0xc6: {  	_ =	task.clear_ibuf [dreg:s9], $0x2FFFF;
	_ =	strace $0x9FFFFFFF  }
0xc7: {  	(tm) =	ssettm $0x7FFFFFFF  }
tec
execute0_lowered:
.L_overlay_start_1:
0x0: {  	(tag) =	ssettag $0x1  }
0x1: {  	s1 =	rddreg [dreg:$0x0]  }
0x2: {  	s3 =	rddreg [dreg:$0x1]  }
0x3: {  	s0 =	rddreg [dreg:$0x2]  }
0x4: {  	s5 =	rddreg [dreg:$0x3]  }
0x5: {  	s2 =	rddreg [dreg:$0x4];
	s6 =	srdreg.scid  }
0x6: {  	s4 =	simm.s32 $0x0;
	s20 =	stileid.u32;
	s8 =	sand.u32 $0x1, s6  }
0x7: {  	[smem:$0x7FF] =	sst s4;
	s11 =	smul.u32 $0x4E000, s20;
	s31 =	sshll.u32 s20, $0x1  }
0x8: {  	s14 =	smul.u32 $0x2700, s20;
	s15 =	sshll.u32 s20, $0x6;
	s16 =	sadd.s32 $0x138000, s2  }
0x9: {  	s17 =	sadd.s32 $0x27000, s1;
	s12 =	sshll.u32 s20, $0x5;
	s6 =	smul.u32 $0x27100, s8  }
0xa: {  	s9 =	ssub.s32 $0x2, s8;
	_ =	strace $0x8000004A;
	[dreg:$0x18] =	wrdreg s16  }
0xb: {  	[dreg:$0x19] =	wrdreg s17;
	s18 =	sand.u32 $0x180, s12;
	s19 =	ssub.s32 $0x9C4, s31  }
0xc: {  	s22 =	ssub.s32 $0x984, s31;
	s10 =	sshrl.u32 s9, $0x1;
	[dreg:$0x15] =	wrdreg s14  }
0xd: {  	s13 =	sshrl.u32 s11, $0x2;
	s11 =	sadd.s32 s1, s14;
	[dreg:$0x6] =	wrdreg s19  }
0xe: {  	[dreg:$0x7] =	wrdreg s22;
	s7 =	sadd.s32 s6, s5;
	s5 =	ssub.s32 s9, s10  }
0xf: {  	s6 =	sor.u32 s8, s31;
	s9 =	sadd.s32 s13, s2;
	[dreg:$0x17] =	wrdreg s11  }
0x10: {  	s8 =	sshll.u32 s8, $0x4;
	s10 =	ssub.s32 $0x9A4, s31;
	[dreg:$0x16] =	wrdreg s9  }
0x11: {  	s9 =	sor.u32 $0x1C13, s15;
	s11 =	sshll.u32 s6, $0x4;
	s8 =	sor.u32 s8, s12  }
0x12: {  	[dreg:$0x8] =	wrdreg s10;
	s13 =	sadd.s32 s3, s11;
	s14 =	sand.u32 $0x70, s11  }
0x13: {  	s15 =	sadd.s32 s0, s11;
	s23 =	sor.u32 $0x1000, s11;
	s8 =	sand.u32 $0x70, s8  }
0x14: {  	s26 =	sor.u32 $0xE00, s11;
	s16 =	sor.u32 $0xC00, s11;
	[dreg:$0x1a] =	wrdreg s13  }
0x15: {  	[dreg:$0x1b] =	wrdreg s15;
	s13 =	sor.u32 s18, s14;
	s14 =	sand.u32 $0x1180, s23  }
0x16: {  	s29 =	sand.u32 $0xF80, s26;
	s17 =	sand.u32 $0xD80, s16;
	s26 =	sor.u32 $0x800, s11  }
0x17: {  	s21 =	sor.u32 $0x200, s13;
	s24 =	sadd.s32 s14, s3;
	s25 =	sadd.s32 s14, s0  }
0x18: {  	s31 =	sadd.s32 s29, s3;
	s12 =	sadd.s32 s29, s0;
	s19 =	sadd.s32 s17, s3  }
0x19: {  	s13 =	sor.u32 $0x400, s13;
	s29 =	sand.u32 $0x980, s26;
	s10 =	sadd.s32 s8, s24  }
0x1a: {  	s28 =	sadd.s32 s8, s25;
	s30 =	sadd.s32 s3, s21;
	[dreg:$0x9] =	wrdreg s10  }
0x1b: {  	s12 =	sadd.s32 s8, s12;
	s18 =	sadd.s32 s0, s21;
	[dreg:$0x1c] =	wrdreg s30  }
0x1c: {  	s21 =	sor.u32 $0xA00, s11;
	s16 =	sadd.s32 s3, s13;
	[dreg:$0xa] =	wrdreg s28  }
0x1d: {  	s11 =	sor.u32 $0x600, s11;
	s10 =	sadd.s32 s8, s31;
	[dreg:$0x1d] =	wrdreg s18  }
0x1e: {  	[dreg:$0xc] =	wrdreg s12;
	s12 =	sadd.s32 s17, s0;
	s23 =	sand.u32 $0xB80, s21  }
0x1f: {  	s17 =	sadd.s32 s0, s13;
	s18 =	sadd.s32 $0x1400, s7;
	s30 =	sadd.s32 s29, s3  }
0x20: {  	s11 =	sand.u32 $0x780, s11;
	[dreg:$0xb] =	wrdreg s10;
	s10 =	sadd.s32 s8, s19  }
0x21: {  	s22 =	sadd.s32 s8, s12;
	s24 =	sadd.s32 s23, s3;
	[dreg:$0xd] =	wrdreg s10  }
0x22: {  	s25 =	sadd.s32 s23, s0;
	s7 =	sadd.s32 s8, s30;
	[dreg:$0xe] =	wrdreg s22  }
0x23: {  	s3 =	sadd.s32 s11, s3;
	s10 =	sadd.s32 s8, s24;
	[dreg:$0x11] =	wrdreg s7  }
0x24: {  	s28 =	sadd.s32 s8, s25;
	s3 =	sadd.s32 s8, s3;
	[dreg:$0xf] =	wrdreg s10  }
0x25: {  	[dreg:$0x10] =	wrdreg s28;
	s10 =	sadd.s32 s29, s0;
	s0 =	sadd.s32 s11, s0  }
0x26: {  	p1 =	sne.s32 s20, $0xF;
	[dreg:$0x13] =	wrdreg s3;
	s0 =	sadd.s32 s8, s0  }
0x27: {  	s31 =	sadd.s32 s8, s10;
	[dreg:$0x14] =	wrdreg s0;
	s0 =	simm.s32 @!p1 $0x0  }
0x28: {  	s20 =	simm.s32 $0x13;
	[dreg:$0x12] =	wrdreg s31;
	s0 =	simm.s32 @p1 $0x1  }
0x29: {  	s26 =	simm.s32 $0x0;
	s19 =	smax.u32 s5, $0x1;
	[smem:$0x7FD] =	sst s0  }
.LBB2_1:
0x2a: {  	s0 =	rddreg [dreg:$0x16]  }
0x2b: {  	s11 =	rddreg [dreg:$0x17];
	s28 =	sshrl.u32 s0, $0x3  }
0x2c: {  	[spmem:s28], [sflag:s9] =	dma.local [hbm:s11], $0x2700  }
0x2d: {  	_ =	swait.ge [sflag:s20], $0x2700  }
0x2e: {  	[sflag:s20] =	ssyncset.done $0x0;
	s0 =	rddreg [dreg:$0x18]  }
0x2f: {  	[sflag:s20] =	ssyncadd.s32 $0xFFFFD900;
	s29 =	sshrl.u32 @!p1 s0, $0x3;
	s0 =	rddreg [dreg:$0x19]  }
0x30: {  	[spmem:s29], [sflag:s9] =	dma.local @!p1 [hbm:s0], $0x100  }
0x31: {  	s0 =	simm.s32 @!p1 $0x13  }
0x32: {  	_ =	swait.ge @!p1 [sflag:s0], $0x100  }
0x33: {  	[sflag:s0] =	ssyncset.done @!p1 $0x0  }
0x34: {  	[sflag:s0] =	ssyncadd.s32 @!p1 $0xFFFFFF00  }
0x35: {  	[bflag:$0x0] =	sbarrier.arrive $0xFFFF  }
0x36: {  	s12 =	rddreg [dreg:$0x1a]  }
0x37: {  	[tilespmem:s4], [sflag:$0x1] =	stream.linear.gather [hbm4b:s12+s4], $0x80, $0x38;
	[tilespmem:$0x1FE80] =	vst v63  }
0x38: {  	s3 =	simm.s32 $0x300;
	s13 =	rddreg [dreg:$0x1b]  }
0x39: {  	[tilespmem:s3], [sflag:$0x7] =	stream.linear.gather [hbm4b:s13+s4], $0x80, $0x38;
	[tilespmem:$0x1FE80] =	vst v63  }
0x3a: {  	s15 =	simm.s32 $0x80;
	s14 =	rddreg [dreg:$0x1c]  }
0x3b: {  	[tilespmem:s15], [sflag:$0x2] =	stream.linear.gather [hbm4b:s14+s4], $0x80, $0x38;
	[tilespmem:$0x1FE80] =	vst v63  }
0x3c: {  	s22 =	simm.s32 $0x380;
	s21 =	rddreg [dreg:$0x1d]  }
0x3d: {  	[tilespmem:s22], [sflag:$0x8] =	stream.linear.gather [hbm4b:s21+s4], $0x80, $0x38;
	[tilespmem:$0x1FE80] =	vst v63  }
0x3e: {  	s23 =	simm.s32 $0x100;
	p2 =	por $0x1, $0x1  }
0x3f: {  	[tilespmem:s23], [sflag:$0x3] =	stream.linear.gather [hbm4b:s16+s4], $0x80, $0x38;
	[tilespmem:$0x1FE80] =	vst v63  }
0x40: {  	s24 =	simm.s32 $0x400;
	s3 =	simm.s32 @!p2 $0x10  }
0x41: {  	[tilespmem:s24], [sflag:$0x9] =	stream.linear.gather [hbm4b:s17+s4], $0x80, $0x38;
	[tilespmem:$0x1FE80] =	vst v63  }
0x42: {  	s0 =	sadd.s32 $0x0, s6;
	_ =	swait.ge @!p2 [sflag:s3], $0x4000  }
0x43: {  	s7 =	sadd.s32 $0x60, s0;
	s5 =	rddreg [dreg:$0x13]  }
0x44: {  	p1 =	sgt.u32 s7, $0x9C3;
	s8 =	rddreg [dreg:$0x6]  }
0x45: {  	s10 =	simm.s32 @!p1 $0x0;
	[sflag:s3] =	ssyncset.done @!p2 $0x0;
	s7 =	rddreg [dreg:$0x14]  }
0x46: {  	[sflag:s3] =	ssyncadd.s32 @!p2 $0xFFFFC000;
	s5 =	sadd.s32 @!p1 $0x0, s5;
	s3 =	simm.s32 @!p1 $0x180  }
0x47: {  	[tilespmem:s3], [sflag:$0x4] =	stream.linear.gather @!p1 [hbm4b:s5+s10], $0x80, $0x38;
	[tilespmem:$0x1FE80] =	vst v63  }
0x48: {  	s30 =	simm.s32 @!p1 $0x480;
	p3 =	sle.u32 s8, $0x0;
	s5 =	sadd.s32 @!p1 $0x0, s7  }
0x49: {  	[tilespmem:s30], [sflag:$0xA] =	stream.linear.gather @!p1 [hbm4b:s5+s10], $0x80, $0x38;
	[tilespmem:$0x1FE80] =	vst v63  }
0x4a: {  	s5 =	simm.s32 @!p3 $0x1  }
0x4b: {  	_ =	swait.ge @!p3 [sflag:s5], $0x80  }
0x4c: {  	s11 =	simm.s32 @!p2 $0xE;
	s7 =	simm.s32 @!p3 $0x0;
	[sflag:s5] =	ssyncset.done @!p3 $0x0  }
0x4d: {  	s8 =	simm.s32 @!p3 $0x80;
	s10 =	simm.s32 @!p3 $0x600;
	[sflag:s5] =	ssyncadd.s32 @!p3 $0xFFFFFF80  }
0x4e: {  	[tilespmem:s10], [sflag:$0xD] =	stream.indirect.gather @!p3 [hbm4b:s1+s8], $0x80, s7, s8, $0xb8;
	[tilespmem:$0x1FE80] =	vst v63  }
0x4f: {  	_ =	swait.ge @!p2 [sflag:s11], $0x4000  }
0x50: {  	[sflag:s11] =	ssyncset.done @!p2 $0x0  }
0x51: {  	s5 =	simm.s32 @!p2 $0xB;
	[sflag:s11] =	ssyncadd.s32 @!p2 $0xFFFFC000  }
0x52: {  	_ =	swait.ge @!p2 [sflag:s5], $0x80  }
0x53: {  	s13 =	simm.s32 @!p2 $0x80;
	s7 =	simm.s32 @!p2 $0x500;
	[sflag:s5] =	ssyncset.done @!p2 $0x0  }
0x54: {  	s11 =	simm.s32 @!p2 $0x4600;
	[sflag:s5] =	ssyncadd.s32 @!p2 $0xFFFFFF80;
	s5 =	simm.s32 @!p2 $0x11  }
0x55: {  	[spmem:s2] =	stream.indirect.scatter.add.f32 @!p2 [tilespmem:s11], [sflag:$0x11], $0x80, s7, s13, $0xb8;
	[tilespmem:$0x1FE80] =	vst v63  }
0x56: {  	_ =	swait.ge @!p2 [sflag:s5], $0x4000  }
0x57: {  	s25 =	sadd.s32 $0x80, s0;
	s7 =	rddreg [dreg:$0x11]  }
0x58: {  	p0 =	sgt.u32 s25, $0x9C3;
	s12 =	rddreg [dreg:$0x8]  }
0x59: {  	s21 =	simm.s32 @!p0 $0x0;
	[sflag:s5] =	ssyncset.done @!p2 $0x0;
	s11 =	rddreg [dreg:$0x12]  }
0x5a: {  	[sflag:s5] =	ssyncadd.s32 @!p2 $0xFFFFC000;
	s7 =	sadd.s32 @!p0 $0x0, s7;
	s5 =	simm.s32 @!p0 $0x200  }
0x5b: {  	[tilespmem:s5], [sflag:$0x5] =	stream.linear.gather @!p0 [hbm4b:s7+s21], $0x80, $0x38;
	[tilespmem:$0x1FE80] =	vst v63  }
0x5c: {  	p4 =	sle.u32 s12, $0x0;
	s7 =	sadd.s32 @!p0 $0x0, s11;
	s11 =	simm.s32 @!p0 $0x500  }
0x5d: {  	[tilespmem:s11], [sflag:$0xB] =	stream.linear.gather @!p0 [hbm4b:s7+s21], $0x80, $0x38;
	[tilespmem:$0x1FE80] =	vst v63  }
0x5e: {  	s7 =	simm.s32 @!p4 $0x2  }
0x5f: {  	_ =	swait.ge @!p4 [sflag:s7], $0x80  }
0x60: {  	s12 =	simm.s32 @!p4 $0x4600;
	[sflag:s7] =	ssyncset.done @!p4 $0x0  }
0x61: {  	s21 =	simm.s32 @!p2 $0xF;
	s11 =	simm.s32 @!p4 $0x80;
	[sflag:s7] =	ssyncadd.s32 @!p4 $0xFFFFFF80  }
0x62: {  	[tilespmem:s12], [sflag:$0xE] =	stream.indirect.gather @!p4 [hbm4b:s1+s11], $0x80, s11, s11, $0xb8;
	[tilespmem:$0x1FE80] =	vst v63  }
0x63: {  	_ =	swait.ge @!p2 [sflag:s21], $0x4000  }
0x64: {  	[sflag:s21] =	ssyncset.done @!p2 $0x0  }
0x65: {  	s7 =	simm.s32 @!p2 $0xC;
	[sflag:s21] =	ssyncadd.s32 @!p2 $0xFFFFC000  }
0x66: {  	_ =	swait.ge @!p2 [sflag:s7], $0x80  }
0x67: {  	s22 =	simm.s32 @!p2 $0x8600;
	[sflag:s7] =	ssyncset.done @!p2 $0x0  }
0x68: {  	s21 =	simm.s32 @!p2 $0x580;
	[sflag:s7] =	ssyncadd.s32 @!p2 $0xFFFFFF80;
	s7 =	simm.s32 @!p2 $0x12  }
0x69: {  	[spmem:s2] =	stream.indirect.scatter.add.f32 @!p2 [tilespmem:s22], [sflag:$0x12], $0x80, s21, s13, $0xb8;
	[tilespmem:$0x1FE80] =	vst v63  }
0x6a: {  	_ =	swait.ge @!p2 [sflag:s7], $0x4000  }
0x6b: {  	s13 =	rddreg [dreg:$0xf]  }
0x6c: {  	s15 =	rddreg [dreg:$0x7]  }
0x6d: {  	s14 =	sadd.s32 $0xA0, s0;
	[sflag:s7] =	ssyncset.done @!p2 $0x0;
	s21 =	rddreg [dreg:$0x10]  }
0x6e: {  	[sflag:s7] =	ssyncadd.s32 @!p2 $0xFFFFC000;
	p2 =	sgt.u32 s14, $0x9C3;
	p5 =	sle.u32 s15, $0x0  }
0x6f: {  	s13 =	sadd.s32 @!p2 $0x0, s13;
	s23 =	simm.s32 @!p2 $0x0;
	s7 =	simm.s32 @!p2 $0x280  }
0x70: {  	[tilespmem:s7], [sflag:$0x6] =	stream.linear.gather @!p2 [hbm4b:s13+s23], $0x80, $0x38;
	[tilespmem:$0x1FE80] =	vst v63  }
0x71: {  	s22 =	simm.s32 @!p5 $0x3;
	s13 =	sadd.s32 @!p2 $0x0, s21;
	s21 =	simm.s32 @!p2 $0x580  }
0x72: {  	[tilespmem:s21], [sflag:$0xC] =	stream.linear.gather @!p2 [hbm4b:s13+s23], $0x80, $0x38;
	[tilespmem:$0x1FE80] =	vst v63  }
0x73: {  	_ =	swait.ge @!p5 [sflag:s22], $0x80  }
0x74: {  	s13 =	simm.s32 @!p5 $0x8600;
	[sflag:s22] =	ssyncset.done @!p5 $0x0  }
0x75: {  	s21 =	simm.s32 @!p5 $0x80;
	[sflag:s22] =	ssyncadd.s32 @!p5 $0xFFFFFF80;
	s22 =	simm.s32 @!p5 $0x100  }
0x76: {  	[tilespmem:s13], [sflag:$0xF] =	stream.indirect.gather @!p5 [hbm4b:s1+s21], $0x80, s22, s21, $0xb8;
	[tilespmem:$0x1FE80] =	vst v63  }
0x77: {  	s22 =	simm.s32 @!p3 $0xD  }
0x78: {  	_ =	swait.ge @!p3 [sflag:s22], $0x4000  }
0x79: {  	[sflag:s22] =	ssyncset.done @!p3 $0x0  }
0x7a: {  	[sflag:s22] =	ssyncadd.s32 @!p3 $0xFFFFC000;
	s22 =	simm.s32 @!p3 $0x7  }
0x7b: {  	_ =	swait.ge @!p3 [sflag:s22], $0x80  }
0x7c: {  	[sflag:s22] =	ssyncset.done @!p3 $0x0  }
0x7d: {  	[sflag:s22] =	ssyncadd.s32 @!p3 $0xFFFFFF80;
	s22 =	simm.s32 @!p3 $0x300  }
0x7e: {  	[spmem:s2] =	stream.indirect.scatter.add.f32 @!p3 [tilespmem:s10], [sflag:$0x10], $0x80, s22, s8, $0xb8;
	[tilespmem:$0x1FE80] =	vst v63  }
0x7f: {  	s8 =	simm.s32 @!p3 $0x10  }
0x80: {  	_ =	swait.ge @!p3 [sflag:s8], $0x4000  }
0x81: {  	s24 =	sadd.s32 $0xC0, s0;
	s10 =	rddreg [dreg:$0xd]  }
0x82: {  	p6 =	sgt.u32 s24, $0x9C3;
	[sflag:s8] =	ssyncset.done @!p3 $0x0;
	s22 =	rddreg [dreg:$0xe]  }
0x83: {  	[sflag:s8] =	ssyncadd.s32 @!p3 $0xFFFFC000;
	s8 =	sadd.s32 @!p6 $0x0, s10;
	s10 =	simm.s32 @!p6 $0x0  }
0x84: {  	[tilespmem:s10], [sflag:$0x1] =	stream.linear.gather @!p6 [hbm4b:s8+s10], $0x80, $0x38;
	[tilespmem:$0x1FE80] =	vst v63  }
0x85: {  	s22 =	sadd.s32 @!p6 $0x0, s22;
	s8 =	simm.s32 @!p6 $0x300  }
0x86: {  	[tilespmem:s8], [sflag:$0x7] =	stream.linear.gather @!p6 [hbm4b:s22+s10], $0x80, $0x38;
	[tilespmem:$0x1FE80] =	vst v63  }
0x87: {  	s8 =	simm.s32 @!p1 $0x4  }
0x88: {  	_ =	swait.ge @!p1 [sflag:s8], $0x80  }
0x89: {  	s23 =	simm.s32 @!p1 $0x600;
	[sflag:s8] =	ssyncset.done @!p1 $0x0  }
0x8a: {  	s22 =	simm.s32 @!p1 $0x80;
	[sflag:s8] =	ssyncadd.s32 @!p1 $0xFFFFFF80;
	s8 =	simm.s32 @!p4 $0xE  }
0x8b: {  	[tilespmem:s23], [sflag:$0xD] =	stream.indirect.gather @!p1 [hbm4b:s1+s22], $0x80, s3, s22, $0xb8;
	[tilespmem:$0x1FE80] =	vst v63  }
0x8c: {  	_ =	swait.ge @!p4 [sflag:s8], $0x4000  }
0x8d: {  	[sflag:s8] =	ssyncset.done @!p4 $0x0  }
0x8e: {  	s3 =	simm.s32 @!p4 $0x8;
	[sflag:s8] =	ssyncadd.s32 @!p4 $0xFFFFC000  }
0x8f: {  	_ =	swait.ge @!p4 [sflag:s3], $0x80  }
0x90: {  	[sflag:s3] =	ssyncset.done @!p4 $0x0  }
0x91: {  	s8 =	simm.s32 @!p4 $0x380;
	[sflag:s3] =	ssyncadd.s32 @!p4 $0xFFFFFF80;
	s3 =	simm.s32 @!p4 $0x11  }
0x92: {  	[spmem:s2] =	stream.indirect.scatter.add.f32 @!p4 [tilespmem:s12], [sflag:$0x11], $0x80, s8, s11, $0xb8;
	[tilespmem:$0x1FE80] =	vst v63  }
0x93: {  	s25 =	sadd.s32 $0xE0, s0;
	_ =	swait.ge @!p4 [sflag:s3], $0x4000  }
0x94: {  	p3 =	sgt.u32 s25, $0x9C3;
	s8 =	rddreg [dreg:$0xb]  }
0x95: {  	s10 =	simm.s32 @!p3 $0x80;
	[sflag:s3] =	ssyncset.done @!p4 $0x0;
	s11 =	rddreg [dreg:$0xc]  }
0x96: {  	[sflag:s3] =	ssyncadd.s32 @!p4 $0xFFFFC000;
	s3 =	sadd.s32 @!p3 $0x0, s8;
	s8 =	simm.s32 @!p3 $0x0  }
0x97: {  	[tilespmem:s10], [sflag:$0x2] =	stream.linear.gather @!p3 [hbm4b:s3+s8], $0x80, $0x38;
	[tilespmem:$0x1FE80] =	vst v63  }
0x98: {  	s3 =	sadd.s32 @!p3 $0x0, s11;
	s10 =	simm.s32 @!p3 $0x380  }
0x99: {  	[tilespmem:s10], [sflag:$0x8] =	stream.linear.gather @!p3 [hbm4b:s3+s8], $0x80, $0x38;
	[tilespmem:$0x1FE80] =	vst v63  }
0x9a: {  	s3 =	simm.s32 @!p0 $0x5  }
0x9b: {  	_ =	swait.ge @!p0 [sflag:s3], $0x80  }
0x9c: {  	[sflag:s3] =	ssyncset.done @!p0 $0x0  }
0x9d: {  	s8 =	simm.s32 @!p0 $0x80;
	[sflag:s3] =	ssyncadd.s32 @!p0 $0xFFFFFF80;
	s3 =	simm.s32 @!p0 $0x4600  }
0x9e: {  	[tilespmem:s3], [sflag:$0xE] =	stream.indirect.gather @!p0 [hbm4b:s1+s8], $0x80, s5, s8, $0xb8;
	[tilespmem:$0x1FE80] =	vst v63  }
0x9f: {  	s3 =	simm.s32 @!p5 $0xF  }
0xa0: {  	_ =	swait.ge @!p5 [sflag:s3], $0x4000  }
0xa1: {  	[sflag:s3] =	ssyncset.done @!p5 $0x0  }
0xa2: {  	[sflag:s3] =	ssyncadd.s32 @!p5 $0xFFFFC000;
	s3 =	simm.s32 @!p5 $0x9  }
0xa3: {  	_ =	swait.ge @!p5 [sflag:s3], $0x80  }
0xa4: {  	[sflag:s3] =	ssyncset.done @!p5 $0x0  }
0xa5: {  	[sflag:s3] =	ssyncadd.s32 @!p5 $0xFFFFFF80;
	s3 =	simm.s32 @!p5 $0x400  }
0xa6: {  	[spmem:s2] =	stream.indirect.scatter.add.f32 @!p5 [tilespmem:s13], [sflag:$0x12], $0x80, s3, s21, $0xb8;
	[tilespmem:$0x1FE80] =	vst v63  }
0xa7: {  	s3 =	simm.s32 @!p5 $0x12  }
0xa8: {  	_ =	swait.ge @!p5 [sflag:s3], $0x4000  }
0xa9: {  	s0 =	sadd.s32 $0x100, s0;
	s5 =	rddreg [dreg:$0x9];
	[sflag:s3] =	ssyncset.done @!p5 $0x0  }
0xaa: {  	p0 =	sgt.u32 s0, $0x9C3;
	s8 =	rddreg [dreg:$0xa];
	[sflag:s3] =	ssyncadd.s32 @!p5 $0xFFFFC000  }
0xab: {  	s0 =	sadd.s32 @!p0 $0x0, s5;
	s3 =	simm.s32 @!p0 $0x0;
	s5 =	simm.s32 @!p0 $0x100  }
0xac: {  	[tilespmem:s5], [sflag:$0x3] =	stream.linear.gather @!p0 [hbm4b:s0+s3], $0x80, $0x38;
	[tilespmem:$0x1FE80] =	vst v63  }
0xad: {  	s0 =	sadd.s32 @!p0 $0x0, s8;
	s5 =	simm.s32 @!p0 $0x400  }
0xae: {  	[tilespmem:s5], [sflag:$0x9] =	stream.linear.gather @!p0 [hbm4b:s0+s3], $0x80, $0x38;
	[tilespmem:$0x1FE80] =	vst v63  }
0xaf: {  	s0 =	simm.s32 @!p2 $0x6  }
0xb0: {  	_ =	swait.ge @!p2 [sflag:s0], $0x80  }
0xb1: {  	[sflag:s0] =	ssyncset.done @!p2 $0x0  }
0xb2: {  	s3 =	simm.s32 @!p2 $0x80;
	[sflag:s0] =	ssyncadd.s32 @!p2 $0xFFFFFF80;
	s0 =	simm.s32 @!p2 $0x8600  }
0xb3: {  	[tilespmem:s0], [sflag:$0xF] =	stream.indirect.gather @!p2 [hbm4b:s1+s3], $0x80, s7, s3, $0xb8;
	[tilespmem:$0x1FE80] =	vst v63  }
0xb4: {  	s0 =	simm.s32 @!p1 $0xD  }
0xb5: {  	_ =	swait.ge @!p1 [sflag:s0], $0x4000  }
0xb6: {  	s31 =	simm.s32 $0xC00;
	[sflag:s0] =	ssyncset.done @!p1 $0x0  }
0xb7: {  	s5 =	simm.s32 @!p1 $0xA;
	[sflag:s0] =	ssyncadd.s32 @!p1 $0xFFFFC000;
	s0 =	simm.s32 $0x0  }
.LBB2_2:
0xb8: {  	_ =	swait.ge @!p1 [sflag:s5], $0x80;
	s3 =	smov.u32 s31  }
0xb9: {  	s0 =	sadd.s32 $0xC0, s0;
	[sflag:s5] =	ssyncset.done @!p1 $0x0;
	p0 =	seq.s32 s3, $0x0  }
0xba: {  	s7 =	sadd.s32 s0, s6;
	[sflag:s5] =	ssyncadd.s32 @!p1 $0xFFFFFF80;
	s5 =	simm.s32 @!p0 $0x10  }
0xbb: {  	s14 =	sadd.s32 $0x60, s7;
	s11 =	sadd.s32 $0x80, s7;
	s24 =	sadd.s32 $0xE0, s7  }
0xbc: {  	[spmem:s2] =	stream.indirect.scatter.add.f32 @!p1 [tilespmem:s23], [sflag:$0x10], $0x80, s30, s22, $0xb8;
	[tilespmem:$0x1FE80] =	vst v63  }
0xbd: {  	s21 =	sadd.s32 $0x100, s7;
	p1 =	sgt.u32 s14, $0x9C3;
	_ =	swait.ge @!p0 [sflag:s5], $0x4000  }
0xbe: {  	s12 =	simm.s32 @!p1 $0x0;
	[sflag:s5] =	ssyncset.done @!p0 $0x0;
	s8 =	rddreg [dreg:$0x13]  }
0xbf: {  	s25 =	simm.s32 @!p1 $0x180;
	s10 =	rddreg [dreg:$0x6];
	[sflag:s5] =	ssyncadd.s32 @!p0 $0xFFFFC000  }
0xc0: {  	s5 =	rddreg [dreg:$0x14];
	s8 =	sadd.s32 @!p1 s3, s8;
	p5 =	sge.u32 s0, s10  }
0xc1: {  	[tilespmem:s25], [sflag:$0x4] =	stream.linear.gather @!p1 [hbm4b:s8+s12], $0x80, $0x38;
	[tilespmem:$0x1FE80] =	vst v63  }
0xc2: {  	s30 =	simm.s32 @!p1 $0x480;
	s5 =	sadd.s32 @!p1 s3, s5;
	s8 =	simm.s32 @!p5 $0x1  }
0xc3: {  	[tilespmem:s30], [sflag:$0xA] =	stream.linear.gather @!p1 [hbm4b:s5+s12], $0x80, $0x38;
	[tilespmem:$0x1FE80] =	vst v63  }
0xc4: {  	s22 =	sadd.s32 $0xC0, s7;
	s23 =	simm.s32 @!p5 $0x80;
	_ =	swait.ge @!p5 [sflag:s8], $0x80  }
0xc5: {  	s10 =	simm.s32 @!p5 $0x600;
	s5 =	sadd.s32 $0xA0, s7;
	[sflag:s8] =	ssyncset.done @!p5 $0x0  }
0xc6: {  	s7 =	simm.s32 @!p5 $0x0;
	s12 =	simm.s32 @!p0 $0xE;
	[sflag:s8] =	ssyncadd.s32 @!p5 $0xFFFFFF80  }
0xc7: {  	[tilespmem:s10], [sflag:$0xD] =	stream.indirect.gather @!p5 [hbm4b:s1+s23], $0x80, s7, s23, $0xb8;
	[tilespmem:$0x1FE80] =	vst v63  }
0xc8: {  	_ =	swait.ge @!p0 [sflag:s12], $0x4000  }
0xc9: {  	[sflag:s12] =	ssyncset.done @!p0 $0x0  }
0xca: {  	s7 =	simm.s32 @!p0 $0xB;
	[sflag:s12] =	ssyncadd.s32 @!p0 $0xFFFFC000  }
0xcb: {  	_ =	swait.ge @!p0 [sflag:s7], $0x80  }
0xcc: {  	s14 =	simm.s32 @!p0 $0x80;
	s8 =	simm.s32 @!p0 $0x500;
	[sflag:s7] =	ssyncset.done @!p0 $0x0  }
0xcd: {  	s12 =	simm.s32 @!p0 $0x4600;
	[sflag:s7] =	ssyncadd.s32 @!p0 $0xFFFFFF80;
	s7 =	simm.s32 @!p0 $0x11  }
0xce: {  	[spmem:s2] =	stream.indirect.scatter.add.f32 @!p0 [tilespmem:s12], [sflag:$0x11], $0x80, s8, s14, $0xb8;
	[tilespmem:$0x1FE80] =	vst v63  }
0xcf: {  	_ =	swait.ge @!p0 [sflag:s7], $0x4000  }
0xd0: {  	s8 =	rddreg [dreg:$0x11]  }
0xd1: {  	p3 =	sgt.u32 s11, $0x9C3;
	s15 =	rddreg [dreg:$0x8]  }
0xd2: {  	s13 =	simm.s32 @!p3 $0x0;
	[sflag:s7] =	ssyncset.done @!p0 $0x0;
	s11 =	rddreg [dreg:$0x12]  }
0xd3: {  	[sflag:s7] =	ssyncadd.s32 @!p0 $0xFFFFC000;
	s8 =	sadd.s32 @!p3 s3, s8;
	s7 =	simm.s32 @!p3 $0x200  }
0xd4: {  	[tilespmem:s7], [sflag:$0x5] =	stream.linear.gather @!p3 [hbm4b:s8+s13], $0x80, $0x38;
	[tilespmem:$0x1FE80] =	vst v63  }
0xd5: {  	p6 =	sge.u32 s0, s15;
	s8 =	sadd.s32 @!p3 s3, s11;
	s11 =	simm.s32 @!p3 $0x500  }
0xd6: {  	[tilespmem:s11], [sflag:$0xB] =	stream.linear.gather @!p3 [hbm4b:s8+s13], $0x80, $0x38;
	[tilespmem:$0x1FE80] =	vst v63  }
0xd7: {  	s8 =	simm.s32 @!p6 $0x2  }
0xd8: {  	_ =	swait.ge @!p6 [sflag:s8], $0x80  }
0xd9: {  	s12 =	simm.s32 @!p6 $0x80;
	[sflag:s8] =	ssyncset.done @!p6 $0x0  }
0xda: {  	s11 =	simm.s32 @!p0 $0xF;
	s13 =	simm.s32 @!p6 $0x4600;
	[sflag:s8] =	ssyncadd.s32 @!p6 $0xFFFFFF80  }
0xdb: {  	[tilespmem:s13], [sflag:$0xE] =	stream.indirect.gather @!p6 [hbm4b:s1+s12], $0x80, s12, s12, $0xb8;
	[tilespmem:$0x1FE80] =	vst v63  }
0xdc: {  	_ =	swait.ge @!p0 [sflag:s11], $0x4000  }
0xdd: {  	[sflag:s11] =	ssyncset.done @!p0 $0x0  }
0xde: {  	s8 =	simm.s32 @!p0 $0xC;
	[sflag:s11] =	ssyncadd.s32 @!p0 $0xFFFFC000  }
0xdf: {  	_ =	swait.ge @!p0 [sflag:s8], $0x80  }
0xe0: {  	s15 =	simm.s32 @!p0 $0x8600;
	[sflag:s8] =	ssyncset.done @!p0 $0x0  }
0xe1: {  	s11 =	simm.s32 @!p0 $0x580;
	[sflag:s8] =	ssyncadd.s32 @!p0 $0xFFFFFF80;
	s8 =	simm.s32 @!p0 $0x12  }
0xe2: {  	[spmem:s2] =	stream.indirect.scatter.add.f32 @!p0 [tilespmem:s15], [sflag:$0x12], $0x80, s11, s14, $0xb8;
	[tilespmem:$0x1FE80] =	vst v63  }
0xe3: {  	_ =	swait.ge @!p0 [sflag:s8], $0x4000  }
0xe4: {  	s11 =	rddreg [dreg:$0xf]  }
0xe5: {  	p4 =	sgt.u32 s5, $0x9C3;
	[sflag:s8] =	ssyncset.done @!p0 $0x0;
	s14 =	rddreg [dreg:$0x7]  }
0xe6: {  	s15 =	simm.s32 @!p4 $0x0;
	s5 =	rddreg [dreg:$0x10];
	[sflag:s8] =	ssyncadd.s32 @!p0 $0xFFFFC000  }
0xe7: {  	s11 =	sadd.s32 @!p4 s3, s11;
	s8 =	simm.s32 @!p4 $0x280;
	p0 =	sge.u32 s0, s14  }
0xe8: {  	[tilespmem:s8], [sflag:$0x6] =	stream.linear.gather @!p4 [hbm4b:s11+s15], $0x80, $0x38;
	[tilespmem:$0x1FE80] =	vst v63  }
0xe9: {  	s5 =	sadd.s32 @!p4 s3, s5;
	s11 =	simm.s32 @!p4 $0x580;
	s14 =	simm.s32 @!p0 $0x3  }
0xea: {  	[tilespmem:s11], [sflag:$0xC] =	stream.linear.gather @!p4 [hbm4b:s5+s15], $0x80, $0x38;
	[tilespmem:$0x1FE80] =	vst v63  }
0xeb: {  	_ =	swait.ge @!p0 [sflag:s14], $0x80  }
0xec: {  	s11 =	simm.s32 @!p0 $0x8600;
	s5 =	simm.s32 @!p0 $0x80;
	[sflag:s14] =	ssyncset.done @!p0 $0x0  }
0xed: {  	s15 =	simm.s32 @!p0 $0x100;
	[sflag:s14] =	ssyncadd.s32 @!p0 $0xFFFFFF80;
	s14 =	simm.s32 @!p5 $0xD  }
0xee: {  	[tilespmem:s11], [sflag:$0xF] =	stream.indirect.gather @!p0 [hbm4b:s1+s5], $0x80, s15, s5, $0xb8;
	[tilespmem:$0x1FE80] =	vst v63  }
0xef: {  	_ =	swait.ge @!p5 [sflag:s14], $0x4000  }
0xf0: {  	[sflag:s14] =	ssyncset.done @!p5 $0x0  }
0xf1: {  	s15 =	simm.s32 @!p5 $0x7;
	[sflag:s14] =	ssyncadd.s32 @!p5 $0xFFFFC000  }
0xf2: {  	_ =	swait.ge @!p5 [sflag:s15], $0x80  }
0xf3: {  	[sflag:s15] =	ssyncset.done @!p5 $0x0  }
0xf4: {  	s14 =	simm.s32 @!p5 $0x300;
	[sflag:s15] =	ssyncadd.s32 @!p5 $0xFFFFFF80;
	s15 =	simm.s32 @!p5 $0x10  }
0xf5: {  	[spmem:s2] =	stream.indirect.scatter.add.f32 @!p5 [tilespmem:s10], [sflag:$0x10], $0x80, s14, s23, $0xb8;
	[tilespmem:$0x1FE80] =	vst v63  }
0xf6: {  	_ =	swait.ge @!p5 [sflag:s15], $0x4000  }
0xf7: {  	[sflag:s15] =	ssyncset.done @!p5 $0x0  }
0xf8: {  	s10 =	rddreg [dreg:$0xd];
	[sflag:s15] =	ssyncadd.s32 @!p5 $0xFFFFC000;
	p5 =	sgt.u32 s22, $0x9C3  }
0xf9: {  	s14 =	rddreg [dreg:$0xe];
	s10 =	sadd.s32 @!p5 s3, s10;
	s15 =	simm.s32 @!p5 $0x0  }
0xfa: {  	[tilespmem:s15], [sflag:$0x1] =	stream.linear.gather @!p5 [hbm4b:s10+s15], $0x80, $0x38;
	[tilespmem:$0x1FE80] =	vst v63  }
0xfb: {  	s22 =	simm.s32 @!p5 $0x300;
	s10 =	sadd.s32 @!p5 s3, s14;
	s14 =	simm.s32 @!p1 $0x4  }
0xfc: {  	[tilespmem:s22], [sflag:$0x7] =	stream.linear.gather @!p5 [hbm4b:s10+s15], $0x80, $0x38;
	[tilespmem:$0x1FE80] =	vst v63  }
0xfd: {  	_ =	swait.ge @!p1 [sflag:s14], $0x80  }
0xfe: {  	s23 =	simm.s32 @!p1 $0x600;
	[sflag:s14] =	ssyncset.done @!p1 $0x0  }
0xff: {  	s22 =	simm.s32 @!p1 $0x80;
	s10 =	simm.s32 @!p6 $0xE;
	[sflag:s14] =	ssyncadd.s32 @!p1 $0xFFFFFF80  }
0x100: {  	[tilespmem:s23], [sflag:$0xD] =	stream.indirect.gather @!p1 [hbm4b:s1+s22], $0x80, s25, s22, $0xb8;
	[tilespmem:$0x1FE80] =	vst v63  }
0x101: {  	_ =	swait.ge @!p6 [sflag:s10], $0x4000  }
0x102: {  	[sflag:s10] =	ssyncset.done @!p6 $0x0  }
0x103: {  	s14 =	simm.s32 @!p6 $0x8;
	[sflag:s10] =	ssyncadd.s32 @!p6 $0xFFFFC000  }
0x104: {  	_ =	swait.ge @!p6 [sflag:s14], $0x80  }
0x105: {  	[sflag:s14] =	ssyncset.done @!p6 $0x0  }
0x106: {  	s10 =	simm.s32 @!p6 $0x380;
	[sflag:s14] =	ssyncadd.s32 @!p6 $0xFFFFFF80;
	s14 =	simm.s32 @!p6 $0x11  }
0x107: {  	[spmem:s2] =	stream.indirect.scatter.add.f32 @!p6 [tilespmem:s13], [sflag:$0x11], $0x80, s10, s12, $0xb8;
	[tilespmem:$0x1FE80] =	vst v63  }
0x108: {  	_ =	swait.ge @!p6 [sflag:s14], $0x4000  }
0x109: {  	p5 =	sgt.u32 s24, $0x9C3;
	s10 =	rddreg [dreg:$0xb]  }
0x10a: {  	s13 =	simm.s32 @!p5 $0x0;
	[sflag:s14] =	ssyncset.done @!p6 $0x0;
	s12 =	rddreg [dreg:$0xc]  }
0x10b: {  	[sflag:s14] =	ssyncadd.s32 @!p6 $0xFFFFC000;
	s10 =	sadd.s32 @!p5 s3, s10;
	s14 =	simm.s32 @!p5 $0x80  }
0x10c: {  	[tilespmem:s14], [sflag:$0x2] =	stream.linear.gather @!p5 [hbm4b:s10+s13], $0x80, $0x38;
	[tilespmem:$0x1FE80] =	vst v63  }
0x10d: {  	s10 =	sadd.s32 @!p5 s3, s12;
	s12 =	simm.s32 @!p5 $0x380;
	s14 =	simm.s32 @!p3 $0x5  }
0x10e: {  	[tilespmem:s12], [sflag:$0x8] =	stream.linear.gather @!p5 [hbm4b:s10+s13], $0x80, $0x38;
	[tilespmem:$0x1FE80] =	vst v63  }
0x10f: {  	_ =	swait.ge @!p3 [sflag:s14], $0x80  }
0x110: {  	s10 =	simm.s32 @!p3 $0x80;
	[sflag:s14] =	ssyncset.done @!p3 $0x0  }
0x111: {  	s12 =	simm.s32 @!p3 $0x4600;
	s13 =	simm.s32 @!p0 $0xF;
	[sflag:s14] =	ssyncadd.s32 @!p3 $0xFFFFFF80  }
0x112: {  	[tilespmem:s12], [sflag:$0xE] =	stream.indirect.gather @!p3 [hbm4b:s1+s10], $0x80, s7, s10, $0xb8;
	[tilespmem:$0x1FE80] =	vst v63  }
0x113: {  	_ =	swait.ge @!p0 [sflag:s13], $0x4000  }
0x114: {  	[sflag:s13] =	ssyncset.done @!p0 $0x0  }
0x115: {  	s7 =	simm.s32 @!p0 $0x9;
	[sflag:s13] =	ssyncadd.s32 @!p0 $0xFFFFC000  }
0x116: {  	_ =	swait.ge @!p0 [sflag:s7], $0x80  }
0x117: {  	[sflag:s7] =	ssyncset.done @!p0 $0x0  }
0x118: {  	s10 =	simm.s32 @!p0 $0x400;
	[sflag:s7] =	ssyncadd.s32 @!p0 $0xFFFFFF80;
	s7 =	simm.s32 @!p0 $0x12  }
0x119: {  	[spmem:s2] =	stream.indirect.scatter.add.f32 @!p0 [tilespmem:s11], [sflag:$0x12], $0x80, s10, s5, $0xb8;
	[tilespmem:$0x1FE80] =	vst v63  }
0x11a: {  	_ =	swait.ge @!p0 [sflag:s7], $0x4000  }
0x11b: {  	s31 =	sadd.s32 $0xC00, s31;
	s5 =	rddreg [dreg:$0x9];
	[sflag:s7] =	ssyncset.done @!p0 $0x0  }
0x11c: {  	s10 =	rddreg [dreg:$0xa];
	[sflag:s7] =	ssyncadd.s32 @!p0 $0xFFFFC000;
	p0 =	sgt.u32 s21, $0x9C3  }
0x11d: {  	s5 =	sadd.s32 @!p0 s3, s5;
	s7 =	simm.s32 @!p0 $0x0;
	s11 =	simm.s32 @!p0 $0x100  }
0x11e: {  	[tilespmem:s11], [sflag:$0x3] =	stream.linear.gather @!p0 [hbm4b:s5+s7], $0x80, $0x38;
	[tilespmem:$0x1FE80] =	vst v63  }
0x11f: {  	s3 =	sadd.s32 @!p0 s3, s10;
	s10 =	simm.s32 @!p4 $0x6;
	s5 =	simm.s32 @!p0 $0x400  }
0x120: {  	[tilespmem:s5], [sflag:$0x9] =	stream.linear.gather @!p0 [hbm4b:s3+s7], $0x80, $0x38;
	[tilespmem:$0x1FE80] =	vst v63  }
0x121: {  	p2 =	sne.s32 s31, $0xA800;
	_ =	swait.ge @!p4 [sflag:s10], $0x80  }
0x122: {  	s3 =	simm.s32 @!p4 $0x80;
	s5 =	simm.s32 @!p4 $0x8600;
	[sflag:s10] =	ssyncset.done @!p4 $0x0  }
.Ltmp0:
0x123: {  	s7 =	simm.s32 @!p1 $0xD;
	[sflag:s10] =	ssyncadd.s32 @!p4 $0xFFFFFF80;
	(pc) =	sbr.rel @p2 .LBB2_2-.Ltmp0, $4  }
0x124: {  	[tilespmem:s5], [sflag:$0xF] =	stream.indirect.gather @!p4 [hbm4b:s1+s3], $0x80, s8, s3, $0xb8;
	[tilespmem:$0x1FE80] =	vst v63  }
0x125: {  	_ =	swait.ge @!p1 [sflag:s7], $0x4000  }
0x126: {  	[sflag:s7] =	ssyncset.done @!p1 $0x0  }
0x127: {  	s5 =	simm.s32 @!p1 $0xA;
	[sflag:s7] =	ssyncadd.s32 @!p1 $0xFFFFC000  }
0x128: {  	_ =	swait.ge @!p1 [sflag:s5], $0x80  }
0x129: {  	[sflag:s5] =	ssyncset.done @!p1 $0x0  }
0x12a: {  	[sflag:s5] =	ssyncadd.s32 @!p1 $0xFFFFFF80  }
0x12b: {  	[spmem:s2] =	stream.indirect.scatter.add.f32 @!p1 [tilespmem:s23], [sflag:$0x10], $0x80, s30, s22, $0xb8;
	[tilespmem:$0x1FE80] =	vst v63  }
0x12c: {  	[bflag:$0x0] =	sbarrier.arrive $0xFFFF  }
0x12d: {  	s0 =	rddreg [dreg:$0x15]  }
0x12e: {  	s0 =	sadd.s32 s0, s18  }
0x12f: {  	[hbm:s0], [sflag:s9] =	dma.local [spmem:s28], $0x2700  }
0x130: {  	_ =	swait.ge [sflag:s20], $0x2700  }
0x131: {  	s31 =	sld [smem:$0x7FD];
	_ =	sdelay $0x2  }
0x132: {  	s26 =	sadd.s32 $0x1, s26;
	[sflag:s20] =	ssyncset.done $0x0;
	p1 =	seq.s32 s31, $0x1  }
0x133: {  	p0 =	sne.s32 s26, s19;
	[sflag:s20] =	ssyncadd.s32 $0xFFFFD900;
	s0 =	sadd.s32 @!p1 $0x27000, s18  }
0x134: {  	[hbm:s0], [sflag:s9] =	dma.local @!p1 [spmem:s29], $0x100  }
.Ltmp1:
0x135: {  	_ = 	snop;
	(pc) =	sbr.rel @p0 .LBB2_1-.Ltmp1, $4  }
0x136: {  	s0 =	simm.s32 @!p1 $0x13  }
0x137: {  	_ =	swait.ge @!p1 [sflag:s0], $0x100  }
0x138: {  	[sflag:s0] =	ssyncset.done @!p1 $0x0  }
0x139: {  	[sflag:s0] =	ssyncadd.s32 @!p1 $0xFFFFFF00  }
0x13a: {  	_ =	sfence.sel $0x180000  }
0x13b: {  	[bflag:$0x0] =	sbarrier.arrive $0xFFFF  }
0x13c: {  	_ =	strace $0x9000004A  }
0x13d: {  	s0 =	stileid.u32;
	[bflag:$0x2] =	sbarrier.arrive $0xFFFF  }
0x13e: {  	p0 =	sne.s32 s0, $0x0;
	s0 =	rddreg [dreg:$0x5]  }
0x13f: {  	s0 =	sadd.s32 @!p0 $0x100000, s0  }
0x140: {  	[sflag:s0] =	ssyncadd.tile.s32 @!p0 $0x1;
	_ =	shalt  }
.Lfunc_end2:
_tile_overlayer_lowered:
.L_overlay_start_2:
0x141: {  	(tag) =	ssettag $0x2  }
0x142: {  	s0 =	rddreg [dreg:$0x0];
	s2 =	stileid.u32  }
0x143: {  	s1 =	rddreg [dreg:$0x1];
	p0 =	sne.s32 s2, $0x0  }
0x144: {  	s3 =	rddreg [dreg:$0x2];
	[bflag:$0x3] =	sbarrier.arrive $0xFFFF;
	s2 =	simm.s32 @!p0 $0x1C13  }
0x145: {  	[timem:s3], [sflag:s2] =	dma.local @!p0 [hbm:s0], s1  }
0x146: {  	s0 =	simm.s32 @!p0 $0x13  }
0x147: {  	_ =	swait.ge @!p0 [sflag:s0], s1  }
0x148: {  	s1 =	ssub.s32 @!p0 $0x0, s1;
	[sflag:s0] =	ssyncset.done @!p0 $0x0  }
0x149: {  	[sflag:s0] =	ssyncadd.s32 @!p0 s1  }
0x14a: {  	[bflag:$0x3] =	sbarrier.arrive $0xFFFF  }
0x14b: {  	_ =	shalt  }

// kernel: kernel.7.cloned.1.call-start
scs
__scs_entry_jumppad:
0x0: {  	(pc) =	sbr.rel $0x88, $3  }
0x1: {  	(tag) =	ssettag $0x0;
	lr =	simm.s32 $0x1  }
0x2: {  	[smem:$0x3F9C] =	sst lr;
	_ =	strace $0xD0000000  }
0x3: {  	_ = 	snop  }
0x4: {  	_ = 	snop  }
0x5: {  	_ = 	snop  }
0x6: {  	_ = 	snop  }
0x7: {  	_ = 	snop  }
__scs_overlays_trampoline_lowered:
0x8: {  	[smem:$0x3FAB] =	sst s0  }
0x9: {  	[smem:$0x3FAC] =	sst s1  }
0xa: {  	[smem:$0x3FAD] =	sst s2  }
0xb: {  	[smem:$0x3FAE] =	sst s3  }
0xc: {  	[smem:$0x3FAF] =	sst s4  }
0xd: {  	[smem:$0x3FB0] =	sst s5  }
0xe: {  	[smem:$0x3FB1] =	sst s6  }
0xf: {  	[smem:$0x3FB2] =	sst s7  }
0x10: {  	[smem:$0x3FB3] =	sst s8  }
0x11: {  	[smem:$0x3FB4] =	sst s9;
	s0 =	simm.s32 @!p0 $0x0  }
0x12: {  	s1 =	sld [smem:$0x3F9A];
	s0 =	simm.s32 @p0 $0x1  }
0x13: {  	[smem:$0x3FB5] =	sst s0;
	s0 =	simm.s32 @!p1 $0x0  }
0x14: {  	s2 =	sld [smem:$0x3F99];
	s0 =	simm.s32 @p1 $0x1  }
0x15: {  	[smem:$0x3FB6] =	sst s0;
	s0 =	simm.s32 @!p2 $0x0  }
0x16: {  	s3 =	sld [smem:$0x3FDB];
	s0 =	simm.s32 @p2 $0x1  }
0x17: {  	s4 =	simm.s32 $0x1BF5;
	[smem:$0x3FB8] =	sst s0  }
0x18: {  	s0 =	sld [smem:$0x3F9B];
	_ =	swait.ge [sflag:s4], $0x0  }
0x19: {  	s7 =	sld [smem:$0x3F9C]  }
0x1a: {  	s8 =	sadd.s32 $0xFFFFE003, lr  }
0x1b: {  	s9 =	sadd.s32 $0xFFFFFEF7, lr;
	s5 =	simm.s32 $0xFFFFFFFF;
	p2 =	slt.u32 s8, $0xFFFFF086  }
0x1c: {  	p1 =	slt.u32 s9, $0xF7A;
	s5 =	simm.s32 @!p2 $0x0  }
0x1d: {  	s5 =	simm.s32 @p1 $0x1;
	p0 =	seq.s32 s7, s2  }
0x1e: {  	s7 =	smul.u32 @!p0 $0xF7A, s2;
	p2 =	seq.s32 @!p0 s5, $0x0  }
0x1f: {  	s9 =	smul.u32 $0xF7A, s1;
	s8 =	simm.s32 @!p0 $0x1BF5;
	p2 =	por !p2, p0  }
0x20: {  	[sflag:s8] =	ssyncset.s32 @!p0 $0xFFFFF086;
	s6 =	sadd.s32 @!p0 s3, s7;
	s7 =	simm.s32 @!p0 $0x108  }
0x21: {  	s3 =	sadd.s32 s3, s9;
	s6 =	sadd.s32 @!p0 $0x88, s6;
	s7 =	simm.s32 @p2 $0x1082  }
0x22: {  	[simem:s7], [sflag:s8] =	dma.local @!p0 [hbm:s6], $0xF7A  }
0x23: {  	s9 =	sor.u32 $0xD0000000, s2;
	s6 =	simm.s32 $0x108;
	_ =	swait.ge @!p0 [sflag:s8], $0x0  }
0x24: {  	s3 =	sadd.s32 $0x88, s3;
	s6 =	simm.s32 @!p1 $0x1082;
	[sflag:s4] =	ssyncset.s32 $0xFFFFF086  }
0x25: {  	[simem:s6], [sflag:s4] =	dma.local [hbm:s3], $0xF7A  }
0x26: {  	[smem:$0x3F9C] =	sst s1;
	(tag) =	ssettag s2;
	_ =	strace s9  }
0x27: {  	s1 =	sld [smem:$0x3FAC]  }
0x28: {  	s2 =	sld [smem:$0x3FAD]  }
0x29: {  	s4 =	sld [smem:$0x3FAF]  }
0x2a: {  	p0 =	seq.s32 s5, $0x0;
	s5 =	sld [smem:$0x3FB0]  }
0x2b: {  	s6 =	sld [smem:$0x3FB1]  }
0x2c: {  	s7 =	sld [smem:$0x3FB2]  }
0x2d: {  	s3 =	simm.s32 $0x108;
	s8 =	sld [smem:$0x3FB3]  }
0x2e: {  	s3 =	simm.s32 @!p0 $0x1082;
	s9 =	sld [smem:$0x3FB4]  }
0x2f: {  	lr =	sadd.s32 s0, s3;
	s0 =	sld [smem:$0x3FAB]  }
0x30: {  	s3 =	sld [smem:$0x3FAE]  }
0x31: {  	[smem:$0x3FB7] =	sst s10  }
0x32: {  	s10 =	sld [smem:$0x3FB5];
	_ =	sdelay $0x3  }
0x33: {  	p0 =	seq.s32 s10, $0x1;
	s10 =	sld [smem:$0x3FB7];
	_ =	sdelay $0x3  }
0x34: {  	[smem:$0x3FB7] =	sst s10  }
0x35: {  	s10 =	sld [smem:$0x3FB6];
	_ =	sdelay $0x3  }
0x36: {  	p1 =	seq.s32 s10, $0x1;
	s10 =	sld [smem:$0x3FB7];
	_ =	sdelay $0x3  }
0x37: {  	[smem:$0x3FB7] =	sst s10  }
0x38: {  	s10 =	sld [smem:$0x3FB8]  }
0x39: {  	_ = 	snop;
	(pc) =	sbr.ind lr, $3  }
0x3a: {  	_ = 	snop  }
0x3b: {  	_ = 	snop  }
0x3c: {  	p2 =	seq.s32 s10, $0x1;
	s10 =	sld [smem:$0x3FB7]  }
0x3d: {  	_ =	shalt  }
0x3e: {  	_ =	shalt  }
0x3f: {  	_ =	shalt  }
0x40: {  	_ =	shalt  }
0x41: {  	_ =	shalt  }
0x42: {  	_ =	shalt  }
0x43: {  	_ =	shalt  }
0x44: {  	_ =	shalt  }
0x45: {  	_ =	shalt  }
0x46: {  	_ =	shalt  }
0x47: {  	_ =	shalt  }
0x48: {  	_ =	shalt  }
0x49: {  	_ =	shalt  }
0x4a: {  	_ =	shalt  }
0x4b: {  	_ =	shalt  }
0x4c: {  	_ =	shalt  }
0x4d: {  	_ =	shalt  }
0x4e: {  	_ =	shalt  }
0x4f: {  	_ =	shalt  }
0x50: {  	_ =	shalt  }
0x51: {  	_ =	shalt  }
0x52: {  	_ =	shalt  }
0x53: {  	_ =	shalt  }
0x54: {  	_ =	shalt  }
0x55: {  	_ =	shalt  }
0x56: {  	_ =	shalt  }
0x57: {  	_ =	shalt  }
0x58: {  	_ =	shalt  }
0x59: {  	_ =	shalt  }
0x5a: {  	_ =	shalt  }
0x5b: {  	_ =	shalt  }
0x5c: {  	_ =	shalt  }
0x5d: {  	_ =	shalt  }
0x5e: {  	_ =	shalt  }
0x5f: {  	_ =	shalt  }
0x60: {  	_ =	shalt  }
0x61: {  	_ =	shalt  }
0x62: {  	_ =	shalt  }
0x63: {  	_ =	shalt  }
0x64: {  	_ =	shalt  }
0x65: {  	_ =	shalt  }
0x66: {  	_ =	shalt  }
0x67: {  	_ =	shalt  }
0x68: {  	_ =	shalt  }
0x69: {  	_ =	shalt  }
0x6a: {  	_ =	shalt  }
0x6b: {  	_ =	shalt  }
0x6c: {  	_ =	shalt  }
0x6d: {  	_ =	shalt  }
0x6e: {  	_ =	shalt  }
0x6f: {  	_ =	shalt  }
0x70: {  	_ =	shalt  }
0x71: {  	_ =	shalt  }
0x72: {  	_ =	shalt  }
0x73: {  	_ =	shalt  }
0x74: {  	_ =	shalt  }
0x75: {  	_ =	shalt  }
0x76: {  	_ =	shalt  }
0x77: {  	_ =	shalt  }
0x78: {  	_ =	shalt  }
0x79: {  	_ =	shalt  }
0x7a: {  	_ =	shalt  }
0x7b: {  	_ =	shalt  }
0x7c: {  	_ =	shalt  }
0x7d: {  	_ =	shalt  }
0x7e: {  	_ =	shalt  }
0x7f: {  	_ =	shalt  }
0x80: {  	_ =	shalt  }
0x81: {  	_ =	shalt  }
0x82: {  	_ =	shalt  }
0x83: {  	_ =	shalt  }
0x84: {  	_ =	shalt  }
0x85: {  	_ =	shalt  }
0x86: {  	_ =	shalt  }
0x87: {  	_ =	shalt  }
.Lfunc_end0:
.L_simem_size_0:
called_computation_lowered:
.L_overlay_start_0:
0x88: {  	s2 =	sld [smem:$0x3FD9]  }
0x89: {  	s3 =	sld [smem:$0x3FFE];
	_ =	sdelay $0x1  }
0x8a: {  	s1 =	srdreg.scid  }
0x8b: {  	s0 =	sand.u32 $0x1, s1  }
0x8c: {  	s18 =	sshll.u32 s0, $0xA;
	s2 =	sadd.s32 s3, s2  }
0x8d: {  	s2 =	sadd.s32 s2, s18  }
0x8e: {  	[smem:$0x3FC3] =	sst s2  }
0x8f: {  	_ = 	snop  }
0x90: {  	s2 =	sld [smem:$0x3FC8]  }
0x91: {  	s19 =	sld [smem:$0x3FD0];
	(tm) =	ssettm $0x1  }
0x92: {  	s4 =	sld [smem:$0x3FFB];
	_ =	sdelay $0x3  }
0x93: {  	_ =	strace s4  }
0x94: {  	s4 =	sld [smem:$0x3FFC];
	_ =	sdelay $0x3  }
0x95: {  	_ =	strace s4  }
0x96: {  	s4 =	sld [smem:$0x3FFD];
	_ =	sdelay $0x3  }
0x97: {  	_ =	strace s4  }
0x98: {  	_ =	strace $0x8FFFFFFF  }
0x99: {  	s20 =	sld [smem:$0x3FDB];
	_ =	sdelay $0x1  }
0x9a: {  	s5 =	simm.s32 $_scs_section_size  }
0x9b: {  	s6 =	simm.s32 $_size__tile_overlayer_lowered;
	s7 =	simm.s32 $_tile_overlayer_lowered  }
0x9c: {  	s23 =	simm.s32 $0x1BFF;
	s22 =	sshll.u32 s7, $0x1;
	s4 =	sadd.s32 s5, s20  }
0x9d: {  	s8 =	simm.s32 $0x0;
	s21 =	sshll.u32 s6, $0x1;
	s6 =	sadd.s32 s22, s4  }
0x9e: {  	[timem:s8], [sflag:s23] =	dma.local [hbm:s6], s21  }
0x9f: {  	_ =	swait.ge [sflag:s23], s21  }
0xa0: {  	s5 =	ssub.s32 $0x0, s21;
	[sflag:s23] =	ssyncset.done $0x0  }
0xa1: {  	[sflag:s23] =	ssyncadd.s32 s5;
	_ =	sdelay $0x1  }
0xa2: {  	s24 =	simm.s32 $0x1B8B  }
0xa3: {  	_ =	swait.ge [sflag:s24], $0x1  }
0xa4: {  	[sflag:s24] =	ssyncset.done $0x0  }
0xa5: {  	s25 =	simm.s32 $0x1B8E;
	[sflag:s24] =	ssyncadd.s32 $0xFFFFFFFF  }
0xa6: {  	s26 =	simm.s32 $execute0_lowered;
	[smem:$0x3FD2] =	sst s25  }
0xa7: {  	s5 =	sshll.u32 s26, $0x1;
	_ =	strace $0x80000046;
	[dreg:$0x1] =	wrdreg $0xFFFFFFFF  }
0xa8: {  	s28 =	simm.s32 $_size_execute0_lowered;
	s4 =	sadd.s32 s4, s5;
	[dreg:$0x0] =	wrdreg $0x0  }
0xa9: {  	s5 =	sshll.u32 s28, $0x1;
	[dreg:$0x2] =	wrdreg s4  }
0xaa: {  	[dreg:$0x3] =	wrdreg s5  }
0xab: {  	[dreg:$0x4] =	wrdreg $0xC0  }
0xac: {  	_ =	task [dreg:s8], $0x5FFFF  }
0xad: {  	[dreg:$0x1] =	wrdreg $0xFFFFFFFF  }
0xae: {  	[dreg:$0x0] =	wrdreg $0x60  }
0xaf: {  	[dreg:$0x2] =	wrdreg s2  }
0xb0: {  	[dreg:$0x3] =	wrdreg s19  }
0xb1: {  	[dreg:$0x4] =	wrdreg $0x5000  }
0xb2: {  	[dreg:$0x5] =	wrdreg $0x9  }
0xb3: {  	_ =	task.clear_ibuf [dreg:s8], $0x6FFFF;
	_ =	strace $0x90000046  }
0xb4: {  	s29 =	simm.s32 $0x9;
	_ =	strace $0x80000048  }
0xb5: {  	_ =	swait.ge [sflag:s29], $0x1  }
0xb6: {  	[sflag:s29] =	ssyncadd.s32 $0xFFFFFFFF  }
0xb7: {  	_ =	strace $0x90000048  }
0xb8: {  	_ =	sfence  }
0xb9: {  	s30 =	sld [smem:$0x0];
	_ =	sdelay $0x2  }
0xba: {  	s31 =	sshll.u32 s1, $0xD;
	s1 =	sshrl.u32 s1, $0x2  }
0xbb: {  	s3 =	sand.u32 $0x4000, s31;
	s1 =	sadd.s32 s1, s30  }
0xbc: {  	s0 =	sor.u32 s3, s0;
	s1 =	sshll.u32 s1, $0x11  }
0xbd: {  	s0 =	sor.u32 s1, s0  }
0xbe: {  	s0 =	sadd.s32 $0x8F2B, s0  }
0xbf: {  	[sflag:s0] =	ssyncadd.remote.s32 $0x1  }
0xc0: {  	_ =	sfence.sel $0xFFFF  }
0xc1: {  	[dreg:$0x0] =	wrdreg $0xFFFFFFFF;
	(pc) =	sbr.abs _section_cstart, $3  }
0xc2: {  	[dreg:$0x1] =	wrdreg $0xFFFFFFFF  }
0xc3: {  	_ =	task.clear_ibuf [dreg:s8], $0x2FFFF;
	_ =	strace $0x9FFFFFFF  }
0xc4: {  	(tm) =	ssettm $0x7FFFFFFF  }
0xc5: {  	_ =	shalt  }
tec
execute0_lowered:
.L_overlay_start_1:
0x0: {  	(tag) =	ssettag $0x1  }
0x1: {  	s15 =	rddreg [dreg:$0x0]  }
0x2: {  	s10 =	rddreg [dreg:$0x1]  }
0x3: {  	s1 =	rddreg [dreg:$0x2];
	s3 =	simm.s32 $0x0;
	s4 =	srdreg.scid  }
0x4: {  	s0 =	stileid.u32;
	s19 =	simm.s32 $0x0;
	[smem:$0x7FF] =	sst s3  }
0x5: {  	s12 =	sand.u32 $0x1, s4;
	s9 =	sshll.u32 s0, $0x1;
	s11 =	smul.u32 $0x270, s0  }
0x6: {  	s16 =	sshll.u32 s0, $0x5;
	p0 =	sne.s32 s0, $0xF;
	_ =	strace $0x80000047  }
0x7: {  	s5 =	ssub.s32 $0x2, s12;
	s4 =	sor.u32 s12, s9;
	s7 =	sand.u32 $0x180, s16  }
0x8: {  	s17 =	smul.u32 $0x2710, s12;
	s18 =	ssub.s32 $0x9C4, s9;
	s9 =	ssub.s32 $0x9A4, s9  }
0x9: {  	s12 =	sshll.u32 s12, $0x4;
	s6 =	sshrl.u32 s5, $0x1;
	[dreg:$0x5] =	wrdreg s18  }
0xa: {  	s14 =	sshll.u32 s4, $0x4;
	[dreg:$0x7] =	wrdreg s9;
	s25 =	ssub.s32 $0xA04, s4  }
0xb: {  	s28 =	ssub.s32 $0x9E4, s4;
	s12 =	sor.u32 s12, s16;
	s13 =	ssub.s32 s5, s6  }
0xc: {  	s5 =	sadd.s32 s11, s1;
	s8 =	sand.u32 $0x70, s14;
	s6 =	sadd.s32 $0x2700, s1  }
0xd: {  	s2 =	sadd.s32 s15, s14;
	s11 =	sadd.s32 s11, s17;
	[dreg:$0x4] =	wrdreg s25  }
0xe: {  	s17 =	sshrl.u32 s17, $0x3;
	s26 =	sor.u32 $0x600, s14;
	[dreg:$0x6] =	wrdreg s28  }
0xf: {  	s16 =	sand.u32 $0x70, s12;
	s29 =	sor.u32 $0x400, s14;
	s30 =	sor.u32 $0xA00, s14  }
0x10: {  	s14 =	sor.u32 $0x800, s14;
	s8 =	sor.u32 s8, s7;
	[dreg:$0x8] =	wrdreg s2  }
0x11: {  	s11 =	sshrl.u32 s11, $0x3;
	s31 =	sand.u32 $0x980, s14;
	s8 =	sadd.s32 s8, s15  }
0x12: {  	s9 =	sadd.s32 s10, s11;
	s10 =	sadd.s32 s10, s17;
	s11 =	smax.u32 s13, $0x1  }
0x13: {  	s13 =	sand.u32 $0x780, s26;
	s17 =	sand.u32 $0xB80, s30;
	s8 =	sadd.s32 $0x200, s8  }
0x14: {  	s10 =	sadd.s32 $0x4E0, s10;
	s13 =	sadd.s32 s13, s15;
	s17 =	sadd.s32 s17, s15  }
0x15: {  	s12 =	sadd.s32 s16, s13;
	s13 =	sand.u32 $0x580, s29;
	s14 =	sadd.s32 s16, s17  }
0x16: {  	s17 =	simm.s32 $0x9;
	s13 =	sadd.s32 s13, s15;
	s15 =	sadd.s32 s31, s15  }
0x17: {  	v0 =	vimm.f32 $0.0e+00;
	v1 =	vimm.f32 $1.000000000e+00;
	s13 =	sadd.s32 s16, s13;
	s15 =	sadd.s32 s16, s15;
	s16 =	simm.s32 $0x280  }
.LBB2_1:
0x18: {  	[tilespmem:$0x280] =	vst v0  }
0x19: {  	[tilespmem:$0x290] =	vst v0  }
0x1a: {  	[tilespmem:$0x2A0] =	vst v0  }
0x1b: {  	[tilespmem:$0x2B0] =	vst v0  }
0x1c: {  	[tilespmem:$0x2C0] =	vst v0  }
0x1d: {  	[tilespmem:$0x2D0] =	vst v0  }
0x1e: {  	[tilespmem:$0x2E0] =	vst v0  }
0x1f: {  	[tilespmem:$0x2F0] =	vst v0  }
0x20: {  	[tilespmem:$0x300] =	vst v0  }
0x21: {  	[tilespmem:$0x310] =	vst v0  }
0x22: {  	[tilespmem:$0x320] =	vst v0  }
0x23: {  	[tilespmem:$0x330] =	vst v0  }
0x24: {  	[tilespmem:$0x340] =	vst v0  }
0x25: {  	[tilespmem:$0x350] =	vst v0  }
0x26: {  	[tilespmem:$0x360] =	vst v0  }
0x27: {  	[tilespmem:$0x370] =	vst v0  }
0x28: {  	[tilespmem:$0x380] =	vst v0  }
0x29: {  	[tilespmem:$0x390] =	vst v0  }
0x2a: {  	[tilespmem:$0x3A0] =	vst v0  }
0x2b: {  	[tilespmem:$0x3B0] =	vst v0  }
0x2c: {  	[tilespmem:$0x3C0] =	vst v0  }
0x2d: {  	[tilespmem:$0x3D0] =	vst v0  }
0x2e: {  	[tilespmem:$0x3E0] =	vst v0  }
0x2f: {  	[tilespmem:$0x3F0] =	vst v0  }
0x30: {  	[tilespmem:$0x400] =	vst v0  }
0x31: {  	[tilespmem:$0x410] =	vst v0  }
0x32: {  	[tilespmem:$0x420] =	vst v0  }
0x33: {  	[tilespmem:$0x430] =	vst v0  }
0x34: {  	[tilespmem:$0x440] =	vst v0  }
0x35: {  	[tilespmem:$0x450] =	vst v0  }
0x36: {  	[tilespmem:$0x460] =	vst v0  }
0x37: {  	[tilespmem:$0x470] =	vst v0  }
0x38: {  	[tilespmem:$0x480] =	vst v0  }
0x39: {  	[tilespmem:$0x490] =	vst v0  }
0x3a: {  	[tilespmem:$0x4A0] =	vst v0  }
0x3b: {  	[tilespmem:$0x4B0] =	vst v0  }
0x3c: {  	[tilespmem:$0x4C0] =	vst v0  }
0x3d: {  	[tilespmem:$0x4D0] =	vst v0  }
0x3e: {  	[tilespmem:$0x4E0] =	vst v0  }
0x3f: {  	[spmem:s5] =	stream.linear.scatter [tilespmem:s16], [sflag:$0x9], $0x270, $0x38;
	[tilespmem:$0x778] =	vst v63  }
0x40: {  	_ =	swait.ge [sflag:s17], $0x270  }
0x41: {  	[sflag:s17] =	ssyncset.done $0x0  }
0x42: {  	s20 =	simm.s32 @!p0 $0x280;
	[sflag:s17] =	ssyncadd.s32 $0xFFFFFD90  }
0x43: {  	[spmem:s6] =	stream.linear.scatter @!p0 [tilespmem:s20], [sflag:$0x9], $0x10, $0x38;
	[tilespmem:$0x778] =	vst v63  }
0x44: {  	s20 =	simm.s32 @!p0 $0x9  }
0x45: {  	_ =	swait.ge @!p0 [sflag:s20], $0x10  }
0x46: {  	[sflag:s20] =	ssyncset.done @!p0 $0x0  }
0x47: {  	[sflag:s20] =	ssyncadd.s32 @!p0 $0xFFFFFFF0  }
0x48: {  	[tilespmem:$0x200] =	vst v1  }
0x49: {  	[tilespmem:$0x210] =	vst v1  }
0x4a: {  	[tilespmem:$0x220] =	vst v1  }
0x4b: {  	[tilespmem:$0x230] =	vst v1  }
0x4c: {  	[tilespmem:$0x240] =	vst v1  }
0x4d: {  	[tilespmem:$0x250] =	vst v1  }
0x4e: {  	[tilespmem:$0x260] =	vst v1  }
0x4f: {  	[tilespmem:$0x270] =	vst v1  }
0x50: {  	[bflag:$0x0] =	sbarrier.arrive $0xFFFF  }
0x51: {  	s0 =	rddreg [dreg:$0x8]  }
0x52: {  	p1 =	por $0x1, $0x1;
	s20 =	rddreg [dreg:$0x4]  }
0x53: {  	[tilespmem:s3], [sflag:$0x1] =	stream.linear.gather [hbm4b:s0+s3], $0x80, $0x38;
	[tilespmem:$0x778] =	vst v63  }
0x54: {  	p2 =	sle.u32 @!p1 s20, $0x0  }
0x55: {  	s2 =	simm.s32 $0x80;
	s21 =	sadd.s32 $0x0, s4;
	p3 =	por p2, p1  }
0x56: {  	[tilespmem:s2], [sflag:$0x2] =	stream.linear.gather [hbm4b:s8+s3], $0x80, $0x38;
	[tilespmem:$0x778] =	vst v63  }
0x57: {  	s22 =	sadd.s32 $0x40, s21;
	s20 =	simm.s32 @!p3 $0x7  }
0x58: {  	p2 =	sgt.u32 s22, $0x9C3;
	_ =	swait.ge @!p3 [sflag:s20], $0x80  }
0x59: {  	s23 =	simm.s32 @!p2 $0x100;
	[sflag:s20] =	ssyncset.done @!p3 $0x0;
	s7 =	rddreg [dreg:$0x5]  }
0x5a: {  	[sflag:s20] =	ssyncadd.s32 @!p3 $0xFFFFFF80;
	s20 =	simm.s32 @!p2 $0x0;
	p3 =	sle.u32 s7, $0x0  }
0x5b: {  	[tilespmem:s23], [sflag:$0x3] =	stream.linear.gather @!p2 [hbm4b:s13+s20], $0x80, $0x38;
	[tilespmem:$0x778] =	vst v63  }
0x5c: {  	s20 =	simm.s32 @!p3 $0x1  }
0x5d: {  	s22 =	simm.s32 @!p3 $0x200;
	_ =	swait.ge @!p3 [sflag:s20], $0x80  }
0x5e: {  	s25 =	simm.s32 @!p3 $0x0;
	[sflag:s20] =	ssyncset.done @!p3 $0x0;
	s24 =	rddreg [dreg:$0x6]  }
0x5f: {  	[sflag:s20] =	ssyncadd.s32 @!p3 $0xFFFFFF80;
	s20 =	simm.s32 @!p3 $0x80;
	p4 =	sle.u32 @!p1 s24, $0x0  }
0x60: {  	[spmem:s1] =	stream.indirect.scatter.add.f32 @!p3 [tilespmem:s22], [sflag:$0x5], $0x1, s25, s20, $0xb8;
	[tilespmem:$0x778] =	vst v63  }
0x61: {  	p4 =	por p4, p1  }
0x62: {  	s18 =	sadd.s32 $0x60, s21;
	s20 =	simm.s32 @!p4 $0x8  }
0x63: {  	p1 =	sgt.u32 s18, $0x9C3;
	_ =	swait.ge @!p4 [sflag:s20], $0x80  }
0x64: {  	s26 =	simm.s32 @!p1 $0x180;
	[sflag:s20] =	ssyncset.done @!p4 $0x0;
	s24 =	rddreg [dreg:$0x7]  }
0x65: {  	[sflag:s20] =	ssyncadd.s32 @!p4 $0xFFFFFF80;
	s20 =	simm.s32 @!p1 $0x0;
	p4 =	sle.u32 s24, $0x0  }
0x66: {  	[tilespmem:s26], [sflag:$0x4] =	stream.linear.gather @!p1 [hbm4b:s12+s20], $0x80, $0x38;
	[tilespmem:$0x778] =	vst v63  }
0x67: {  	s20 =	simm.s32 @!p4 $0x2  }
0x68: {  	_ =	swait.ge @!p4 [sflag:s20], $0x80  }
0x69: {  	s22 =	simm.s32 @!p3 $0x5;
	[sflag:s20] =	ssyncset.done @!p4 $0x0  }
0x6a: {  	s24 =	simm.s32 @!p4 $0x200;
	[sflag:s20] =	ssyncadd.s32 @!p4 $0xFFFFFF80;
	s20 =	simm.s32 @!p4 $0x80  }
0x6b: {  	[spmem:s1] =	stream.indirect.scatter.add.f32 @!p4 [tilespmem:s24], [sflag:$0x6], $0x1, s20, s20, $0xb8;
	[tilespmem:$0x778] =	vst v63  }
0x6c: {  	s25 =	sadd.s32 $0x80, s21;
	_ =	swait.ge @!p3 [sflag:s22], $0x80  }
0x6d: {  	p5 =	sgt.u32 s25, $0x9C3;
	[sflag:s22] =	ssyncset.done @!p3 $0x0  }
0x6e: {  	s25 =	simm.s32 @!p2 $0x3;
	s20 =	simm.s32 @!p5 $0x0;
	[sflag:s22] =	ssyncadd.s32 @!p3 $0xFFFFFF80  }
0x6f: {  	[tilespmem:s20], [sflag:$0x1] =	stream.linear.gather @!p5 [hbm4b:s15+s20], $0x80, $0x38;
	[tilespmem:$0x778] =	vst v63  }
0x70: {  	s31 =	sadd.s32 $0xA0, s21;
	_ =	swait.ge @!p2 [sflag:s25], $0x80  }
0x71: {  	s21 =	sadd.s32 $0x800, s15;
	s28 =	simm.s32 @!p4 $0x6;
	[sflag:s25] =	ssyncset.done @!p2 $0x0  }
0x72: {  	s20 =	simm.s32 @!p2 $0x200;
	[sflag:s25] =	ssyncadd.s32 @!p2 $0xFFFFFF80;
	s25 =	simm.s32 @!p2 $0x80  }
0x73: {  	[spmem:s1] =	stream.indirect.scatter.add.f32 @!p2 [tilespmem:s20], [sflag:$0x7], $0x1, s23, s25, $0xb8;
	[tilespmem:$0x778] =	vst v63  }
0x74: {  	s30 =	simm.s32 @!p1 $0x4;
	s29 =	simm.s32 @!p1 $0x80;
	_ =	swait.ge @!p4 [sflag:s28], $0x80  }
0x75: {  	s24 =	simm.s32 $0x100;
	p2 =	sgt.u32 s31, $0x9C3;
	[sflag:s28] =	ssyncset.done @!p4 $0x0  }
0x76: {  	s20 =	simm.s32 @!p2 $0x0;
	s23 =	simm.s32 @!p2 $0x80;
	[sflag:s28] =	ssyncadd.s32 @!p4 $0xFFFFFF80  }
0x77: {  	[tilespmem:s23], [sflag:$0x2] =	stream.linear.gather @!p2 [hbm4b:s14+s20], $0x80, $0x38;
	[tilespmem:$0x778] =	vst v63  }
0x78: {  	s22 =	simm.s32 $0x80;
	s25 =	sadd.s32 $0x800, s13;
	_ =	swait.ge @!p1 [sflag:s30], $0x80  }
0x79: {  	s20 =	sadd.s32 $0x800, s14;
	s23 =	sadd.s32 $0x800, s12;
	[sflag:s30] =	ssyncset.done @!p1 $0x0  }
0x7a: {  	s28 =	rddreg [dreg:$0x4];
	[sflag:s30] =	ssyncadd.s32 @!p1 $0xFFFFFF80;
	s30 =	simm.s32 @!p1 $0x200  }
.LBB2_2:
0x7b: {  	[spmem:s1] =	stream.indirect.scatter.add.f32 @!p1 [tilespmem:s30], [sflag:$0x8], $0x1, s26, s29, $0xb8;
	[tilespmem:$0x778] =	vst v63  }
0x7c: {  	p1 =	seq.s32 s22, $0x0  }
0x7d: {  	p3 =	sge.u32 @!p1 s22, s28  }
0x7e: {  	s29 =	sadd.s32 s22, s4;
	p4 =	por p3, p1  }
0x7f: {  	s28 =	sadd.s32 $0x40, s29;
	s26 =	simm.s32 @!p4 $0x7  }
0x80: {  	p3 =	sgt.u32 s28, $0x9C3;
	_ =	swait.ge @!p4 [sflag:s26], $0x80  }
0x81: {  	s28 =	simm.s32 @!p3 $0x100;
	[sflag:s26] =	ssyncset.done @!p4 $0x0;
	s0 =	rddreg [dreg:$0x5]  }
0x82: {  	[sflag:s26] =	ssyncadd.s32 @!p4 $0xFFFFFF80;
	s26 =	simm.s32 @!p3 $0x0;
	p4 =	sge.u32 s22, s0  }
0x83: {  	[tilespmem:s28], [sflag:$0x3] =	stream.linear.gather @!p3 [hbm4b:s25+s26], $0x80, $0x38;
	[tilespmem:$0x778] =	vst v63  }
0x84: {  	s26 =	simm.s32 @!p4 $0x1  }
0x85: {  	s2 =	simm.s32 @!p4 $0x200;
	_ =	swait.ge @!p4 [sflag:s26], $0x80  }
0x86: {  	s7 =	simm.s32 @!p4 $0x0;
	[sflag:s26] =	ssyncset.done @!p4 $0x0;
	s18 =	rddreg [dreg:$0x6]  }
0x87: {  	[sflag:s26] =	ssyncadd.s32 @!p4 $0xFFFFFF80;
	s26 =	simm.s32 @!p4 $0x80;
	p5 =	sge.u32 @!p1 s22, s18  }
0x88: {  	[spmem:s1] =	stream.indirect.scatter.add.f32 @!p4 [tilespmem:s2], [sflag:$0x5], $0x1, s7, s26, $0xb8;
	[tilespmem:$0x778] =	vst v63  }
0x89: {  	p5 =	por p5, p1  }
0x8a: {  	s31 =	sadd.s32 $0x60, s29;
	s2 =	simm.s32 @!p5 $0x8  }
0x8b: {  	p1 =	sgt.u32 s31, $0x9C3;
	_ =	swait.ge @!p5 [sflag:s2], $0x80  }
0x8c: {  	s26 =	simm.s32 @!p1 $0x180;
	[sflag:s2] =	ssyncset.done @!p5 $0x0;
	s31 =	rddreg [dreg:$0x7]  }
0x8d: {  	[sflag:s2] =	ssyncadd.s32 @!p5 $0xFFFFFF80;
	s2 =	simm.s32 @!p1 $0x0;
	p5 =	sge.u32 s22, s31  }
0x8e: {  	[tilespmem:s26], [sflag:$0x4] =	stream.linear.gather @!p1 [hbm4b:s23+s2], $0x80, $0x38;
	[tilespmem:$0x778] =	vst v63  }
0x8f: {  	s2 =	simm.s32 @!p5 $0x2  }
0x90: {  	_ =	swait.ge @!p5 [sflag:s2], $0x80  }
0x91: {  	s7 =	simm.s32 @!p4 $0x5;
	[sflag:s2] =	ssyncset.done @!p5 $0x0  }
0x92: {  	s18 =	simm.s32 @!p5 $0x200;
	[sflag:s2] =	ssyncadd.s32 @!p5 $0xFFFFFF80;
	s2 =	simm.s32 @!p5 $0x80  }
0x93: {  	[spmem:s1] =	stream.indirect.scatter.add.f32 @!p5 [tilespmem:s18], [sflag:$0x6], $0x1, s2, s2, $0xb8;
	[tilespmem:$0x778] =	vst v63  }
0x94: {  	s30 =	smov.u32 s24;
	s0 =	sadd.s32 $0x80, s29;
	_ =	swait.ge @!p4 [sflag:s7], $0x80  }
0x95: {  	s24 =	sadd.s32 $0x80, s24;
	p6 =	sgt.u32 s0, $0x9C3;
	[sflag:s7] =	ssyncset.done @!p4 $0x0  }
0x96: {  	s0 =	simm.s32 @!p6 $0x0;
	s2 =	simm.s32 @!p3 $0x3;
	[sflag:s7] =	ssyncadd.s32 @!p4 $0xFFFFFF80  }
0x97: {  	[tilespmem:s0], [sflag:$0x1] =	stream.linear.gather @!p6 [hbm4b:s21+s0], $0x80, $0x38;
	[tilespmem:$0x778] =	vst v63  }
0x98: {  	p2 =	sne.s32 s24, $0xA80;
	s29 =	sadd.s32 $0xA0, s29;
	_ =	swait.ge @!p3 [sflag:s2], $0x80  }
0x99: {  	s25 =	sadd.s32 $0x800, s25;
	s7 =	simm.s32 @!p5 $0x6;
	[sflag:s2] =	ssyncset.done @!p3 $0x0  }
0x9a: {  	s0 =	simm.s32 @!p3 $0x200;
	[sflag:s2] =	ssyncadd.s32 @!p3 $0xFFFFFF80;
	s2 =	simm.s32 @!p3 $0x80  }
0x9b: {  	[spmem:s1] =	stream.indirect.scatter.add.f32 @!p3 [tilespmem:s0], [sflag:$0x7], $0x1, s28, s2, $0xb8;
	[tilespmem:$0x778] =	vst v63  }
0x9c: {  	s22 =	smov.u32 s30;
	p3 =	sgt.u32 s29, $0x9C3;
	_ =	swait.ge @!p5 [sflag:s7], $0x80  }
0x9d: {  	s0 =	simm.s32 @!p1 $0x4;
	s2 =	simm.s32 @!p3 $0x0;
	[sflag:s7] =	ssyncset.done @!p5 $0x0  }
.Ltmp0:
0x9e: {  	[sflag:s7] =	ssyncadd.s32 @!p5 $0xFFFFFF80;
	s7 =	simm.s32 @!p3 $0x80;
	(pc) =	sbr.rel @p2 .LBB2_2-.Ltmp0, $4  }
0x9f: {  	[tilespmem:s7], [sflag:$0x2] =	stream.linear.gather @!p3 [hbm4b:s20+s2], $0x80, $0x38;
	[tilespmem:$0x778] =	vst v63  }
0xa0: {  	s30 =	simm.s32 @!p1 $0x200;
	s23 =	sadd.s32 $0x800, s23;
	_ =	swait.ge @!p1 [sflag:s0], $0x80  }
0xa1: {  	s21 =	sadd.s32 $0x800, s21;
	s29 =	simm.s32 @!p1 $0x80;
	[sflag:s0] =	ssyncset.done @!p1 $0x0  }
0xa2: {  	s20 =	sadd.s32 $0x800, s20;
	s28 =	rddreg [dreg:$0x4];
	[sflag:s0] =	ssyncadd.s32 @!p1 $0xFFFFFF80  }
0xa3: {  	[spmem:s1] =	stream.indirect.scatter.add.f32 @!p1 [tilespmem:s30], [sflag:$0x8], $0x1, s26, s29, $0xb8;
	[tilespmem:$0x778] =	vst v63  }
0xa4: {  	p2 =	seq.s32 s22, $0x0  }
0xa5: {  	p1 =	sge.u32 @!p2 s22, s28  }
0xa6: {  	s2 =	sadd.s32 s22, s4;
	p3 =	por p1, p2  }
0xa7: {  	s7 =	sadd.s32 $0x40, s2;
	s0 =	simm.s32 @!p3 $0x7  }
0xa8: {  	p1 =	sgt.u32 s7, $0x9C3;
	_ =	swait.ge @!p3 [sflag:s0], $0x80  }
0xa9: {  	s18 =	simm.s32 @!p1 $0x100;
	[sflag:s0] =	ssyncset.done @!p3 $0x0;
	s26 =	rddreg [dreg:$0x5]  }
0xaa: {  	[sflag:s0] =	ssyncadd.s32 @!p3 $0xFFFFFF80;
	s0 =	simm.s32 @!p1 $0x0;
	p3 =	sge.u32 s22, s26  }
0xab: {  	[tilespmem:s18], [sflag:$0x3] =	stream.linear.gather @!p1 [hbm4b:s25+s0], $0x80, $0x38;
	[tilespmem:$0x778] =	vst v63  }
0xac: {  	s0 =	simm.s32 @!p3 $0x1  }
0xad: {  	s7 =	simm.s32 @!p3 $0x200;
	_ =	swait.ge @!p3 [sflag:s0], $0x80  }
0xae: {  	s25 =	simm.s32 @!p3 $0x0;
	[sflag:s0] =	ssyncset.done @!p3 $0x0;
	s24 =	rddreg [dreg:$0x6]  }
0xaf: {  	[sflag:s0] =	ssyncadd.s32 @!p3 $0xFFFFFF80;
	s0 =	simm.s32 @!p3 $0x80;
	p4 =	sge.u32 @!p2 s22, s24  }
0xb0: {  	[spmem:s1] =	stream.indirect.scatter.add.f32 @!p3 [tilespmem:s7], [sflag:$0x5], $0x1, s25, s0, $0xb8;
	[tilespmem:$0x778] =	vst v63  }
0xb1: {  	p4 =	por p4, p2  }
0xb2: {  	s28 =	sadd.s32 $0x60, s2;
	s0 =	simm.s32 @!p4 $0x8  }
0xb3: {  	p2 =	sgt.u32 s28, $0x9C3;
	_ =	swait.ge @!p4 [sflag:s0], $0x80  }
0xb4: {  	s24 =	simm.s32 @!p2 $0x180;
	[sflag:s0] =	ssyncset.done @!p4 $0x0;
	s29 =	rddreg [dreg:$0x7]  }
0xb5: {  	[sflag:s0] =	ssyncadd.s32 @!p4 $0xFFFFFF80;
	s0 =	simm.s32 @!p2 $0x0;
	p4 =	sge.u32 s22, s29  }
0xb6: {  	[tilespmem:s24], [sflag:$0x4] =	stream.linear.gather @!p2 [hbm4b:s23+s0], $0x80, $0x38;
	[tilespmem:$0x778] =	vst v63  }
0xb7: {  	s0 =	simm.s32 @!p4 $0x2  }
0xb8: {  	_ =	swait.ge @!p4 [sflag:s0], $0x80  }
0xb9: {  	s7 =	simm.s32 @!p3 $0x5;
	[sflag:s0] =	ssyncset.done @!p4 $0x0  }
0xba: {  	s22 =	simm.s32 @!p4 $0x200;
	[sflag:s0] =	ssyncadd.s32 @!p4 $0xFFFFFF80;
	s0 =	simm.s32 @!p4 $0x80  }
0xbb: {  	[spmem:s1] =	stream.indirect.scatter.add.f32 @!p4 [tilespmem:s22], [sflag:$0x6], $0x1, s0, s0, $0xb8;
	[tilespmem:$0x778] =	vst v63  }
0xbc: {  	s30 =	sadd.s32 $0x80, s2;
	_ =	swait.ge @!p3 [sflag:s7], $0x80  }
0xbd: {  	p5 =	sgt.u32 s30, $0x9C3;
	[sflag:s7] =	ssyncset.done @!p3 $0x0  }
0xbe: {  	s0 =	simm.s32 @!p5 $0x0;
	[sflag:s7] =	ssyncadd.s32 @!p3 $0xFFFFFF80;
	s7 =	simm.s32 @!p1 $0x3  }
0xbf: {  	[tilespmem:s0], [sflag:$0x1] =	stream.linear.gather @!p5 [hbm4b:s21+s0], $0x80, $0x38;
	[tilespmem:$0x778] =	vst v63  }
0xc0: {  	_ =	swait.ge @!p1 [sflag:s7], $0x80  }
0xc1: {  	s0 =	simm.s32 @!p1 $0x200;
	[sflag:s7] =	ssyncset.done @!p1 $0x0  }
0xc2: {  	s21 =	simm.s32 @!p4 $0x6;
	[sflag:s7] =	ssyncadd.s32 @!p1 $0xFFFFFF80;
	s7 =	simm.s32 @!p1 $0x80  }
0xc3: {  	[spmem:s1] =	stream.indirect.scatter.add.f32 @!p1 [tilespmem:s0], [sflag:$0x7], $0x1, s18, s7, $0xb8;
	[tilespmem:$0x778] =	vst v63  }
0xc4: {  	s31 =	sadd.s32 $0xA0, s2;
	_ =	swait.ge @!p4 [sflag:s21], $0x80  }
0xc5: {  	p1 =	sgt.u32 s31, $0x9C3;
	s0 =	simm.s32 @!p2 $0x4;
	[sflag:s21] =	ssyncset.done @!p4 $0x0  }
0xc6: {  	s2 =	simm.s32 @!p1 $0x0;
	s7 =	simm.s32 @!p1 $0x80;
	[sflag:s21] =	ssyncadd.s32 @!p4 $0xFFFFFF80  }
0xc7: {  	[tilespmem:s7], [sflag:$0x2] =	stream.linear.gather @!p1 [hbm4b:s20+s2], $0x80, $0x38;
	[tilespmem:$0x778] =	vst v63  }
0xc8: {  	_ =	swait.ge @!p2 [sflag:s0], $0x80  }
0xc9: {  	[sflag:s0] =	ssyncset.done @!p2 $0x0  }
0xca: {  	s2 =	simm.s32 @!p2 $0x80;
	[sflag:s0] =	ssyncadd.s32 @!p2 $0xFFFFFF80;
	s0 =	simm.s32 @!p2 $0x200  }
0xcb: {  	[spmem:s1] =	stream.indirect.scatter.add.f32 @!p2 [tilespmem:s0], [sflag:$0x8], $0x1, s24, s2, $0xb8;
	[tilespmem:$0x778] =	vst v63  }
0xcc: {  	[bflag:$0x0] =	sbarrier.arrive $0xFFFF  }
0xcd: {  	[tilespmem:s16], [sflag:$0x9] =	stream.linear.gather [spmem:s5], $0x270, $0x38;
	[tilespmem:$0x778] =	vst v63  }
0xce: {  	_ =	swait.ge [sflag:s17], $0x270  }
0xcf: {  	[sflag:s17] =	ssyncset.done $0x0  }
0xd0: {  	[sflag:s17] =	ssyncadd.s32 $0xFFFFFD90  }
0xd1: {  	[hbm4b:s9+s3] =	stream.linear.scatter [tilespmem:s16], [sflag:$0x9], $0x270, $0x38;
	[tilespmem:$0x778] =	vst v63  }
0xd2: {  	_ =	swait.ge [sflag:s17], $0x270  }
0xd3: {  	[sflag:s17] =	ssyncset.done $0x0  }
0xd4: {  	s0 =	simm.s32 @!p0 $0x280;
	s2 =	simm.s32 @!p0 $0x9;
	[sflag:s17] =	ssyncadd.s32 $0xFFFFFD90  }
0xd5: {  	[tilespmem:s0], [sflag:$0x9] =	stream.linear.gather @!p0 [spmem:s6], $0x10, $0x38;
	[tilespmem:$0x778] =	vst v63  }
0xd6: {  	s19 =	sadd.s32 $0x1, s19;
	_ =	swait.ge @!p0 [sflag:s2], $0x10  }
0xd7: {  	p1 =	sne.s32 s19, s11;
	[sflag:s2] =	ssyncset.done @!p0 $0x0  }
.Ltmp1:
0xd8: {  	s7 =	simm.s32 @!p0 $0x0;
	[sflag:s2] =	ssyncadd.s32 @!p0 $0xFFFFFFF0;
	(pc) =	sbr.rel @p1 .LBB2_1-.Ltmp1, $4  }
0xd9: {  	[hbm4b:s10+s7] =	stream.linear.scatter @!p0 [tilespmem:s0], [sflag:$0x9], $0x10, $0x38;
	[tilespmem:$0x778] =	vst v63  }
0xda: {  	_ =	swait.ge @!p0 [sflag:s2], $0x10  }
0xdb: {  	[sflag:s2] =	ssyncset.done @!p0 $0x0  }
0xdc: {  	[sflag:s2] =	ssyncadd.s32 @!p0 $0xFFFFFFF0  }
0xdd: {  	_ =	sfence.sel $0x180000  }
0xde: {  	[bflag:$0x0] =	sbarrier.arrive $0xFFFF  }
0xdf: {  	_ =	strace $0x90000047  }
0xe0: {  	s0 =	stileid.u32;
	[bflag:$0x2] =	sbarrier.arrive $0xFFFF  }
0xe1: {  	p0 =	sne.s32 s0, $0x0;
	s0 =	rddreg [dreg:$0x3]  }
0xe2: {  	s0 =	sadd.s32 @!p0 $0x100000, s0  }
0xe3: {  	[sflag:s0] =	ssyncadd.tile.s32 @!p0 $0x1;
	_ =	shalt  }
.Lfunc_end2:
_tile_overlayer_lowered:
.L_overlay_start_2:
0xe4: {  	(tag) =	ssettag $0x2  }
0xe5: {  	s0 =	rddreg [dreg:$0x0];
	s2 =	stileid.u32  }
0xe6: {  	s1 =	rddreg [dreg:$0x1];
	p0 =	sne.s32 s2, $0x0  }
0xe7: {  	s3 =	rddreg [dreg:$0x2];
	[bflag:$0x3] =	sbarrier.arrive $0xFFFF;
	s2 =	simm.s32 @!p0 $0x1C09  }
0xe8: {  	[timem:s3], [sflag:s2] =	dma.local @!p0 [hbm:s0], s1  }
0xe9: {  	s0 =	simm.s32 @!p0 $0x9  }
0xea: {  	_ =	swait.ge @!p0 [sflag:s0], s1  }
0xeb: {  	s1 =	ssub.s32 @!p0 $0x0, s1;
	[sflag:s0] =	ssyncset.done @!p0 $0x0  }
0xec: {  	[sflag:s0] =	ssyncadd.s32 @!p0 s1  }
0xed: {  	[bflag:$0x3] =	sbarrier.arrive $0xFFFF  }
0xee: {  	_ =	shalt  }

</sc_bundles>
